<compile_context>
chip_gen: v7x
topology: tpu7x:2x2x1
jax: 0.10.2.dev20260603
libtpu: 0.0.44.dev20260713+nightly
codegen_flags: <defaults>
</compile_context>

<pallas_src>
import functools

import jax
import jax.numpy as jnp
from jax import lax
from jax.experimental import pallas as pl
from jax.experimental.pallas import tpu as pltpu
from jax.experimental.pallas import tpu_sc as plsc

_NUM_CORES = 2
_NUM_SUBCORES = 16
_NUM_WORKERS = _NUM_CORES * _NUM_SUBCORES
_LANES = 16


def kernel(user_indices, item_indices, user_table, item_table):
    batch = user_indices.shape[0]
    vocab, embed = user_table.shape
    b_per_w = batch // _NUM_WORKERS

    user_indices = user_indices.astype(jnp.int32)
    item_indices = item_indices.astype(jnp.int32)
    utf = user_table.T.reshape(-1)
    itf = item_table.T.reshape(-1)

    mesh = plsc.VectorSubcoreMesh(core_axis_name="c", subcore_axis_name="s")

    @functools.partial(
        pl.kernel,
        mesh=mesh,
        out_type=jax.ShapeDtypeStruct((embed, batch), jnp.float32),
        scratch_types=[
            pltpu.VMEM((b_per_w,), jnp.int32),
            pltpu.VMEM((b_per_w,), jnp.int32),
            pltpu.VMEM((embed * b_per_w,), jnp.int32),
            pltpu.VMEM((embed * b_per_w,), jnp.int32),
            pltpu.VMEM((embed * b_per_w,), jnp.float32),
            pltpu.VMEM((embed * b_per_w,), jnp.float32),
            pltpu.SemaphoreType.DMA,
            pltpu.SemaphoreType.DMA,
            pltpu.SemaphoreType.DMA,
        ],
    )
    def gmf_kernel(uidx_hbm, iidx_hbm, utab_hbm, itab_hbm, out_hbm,
                   uidx_v, iidx_v, uoff_v, ioff_v, ubuf_v, ibuf_v,
                   sem_u, sem_i, sem_o):
        wid = lax.axis_index("s") * _NUM_CORES + lax.axis_index("c")
        base = wid * b_per_w

        pltpu.sync_copy(uidx_hbm.at[pl.ds(base, b_per_w)], uidx_v)
        pltpu.sync_copy(iidx_hbm.at[pl.ds(base, b_per_w)], iidx_v)

        for j in range(embed):
            @pl.loop(0, b_per_w, step=_LANES)
            def _(c, j=j):
                src = pl.ds(c, _LANES)
                dst = pl.ds(j * b_per_w + c, _LANES)
                uoff_v[dst] = uidx_v[src] + j * vocab
                ioff_v[dst] = iidx_v[src] + j * vocab

        cu = pltpu.async_copy(utab_hbm.at[uoff_v], ubuf_v, sem_u)
        ci = pltpu.async_copy(itab_hbm.at[ioff_v], ibuf_v, sem_i)
        cu.wait()
        ci.wait()

        @pl.loop(0, embed * b_per_w, step=_LANES)
        def _(c):
            sl = pl.ds(c, _LANES)
            ubuf_v[sl] = ubuf_v[sl] * ibuf_v[sl]

        ocopies = []
        for j in range(embed):
            ocopies.append(
                pltpu.async_copy(ubuf_v.at[pl.ds(j * b_per_w, b_per_w)],
                                 out_hbm.at[j, pl.ds(base, b_per_w)], sem_o))
        for c in ocopies:
            c.wait()

    out_t = gmf_kernel(user_indices, item_indices, utf, itf)
    return out_t.T

# --- scband reference (transcript-rebuilt; emitter-appended) ---
"""Pipeline reference for scband-gmf-77575699300433 (READ-ONLY COPY).

The authoritative reference and input builder live on the scoring server;
editing this copy changes nothing except your own understanding.
"""

import jax, jax.numpy as jnp
import numpy as np

NUM_USERS = 1000000
NUM_ITEMS = 1000000
EMBED = 32
BATCH = 16384

def setup_inputs(seed: int = 0) -> dict:
    key = jax.random.key(seed)
    k1, k2, k3, k4 = jax.random.split(key, 4)
    user_indices = jax.random.randint(k1, (BATCH,), 0, NUM_USERS, dtype=jnp.int64) if jax.config.jax_enable_x64 else jax.random.randint(k1, (BATCH,), 0, NUM_USERS, dtype=jnp.int32)
    item_indices = jax.random.randint(k2, (BATCH,), 0, NUM_ITEMS, dtype=jnp.int64) if jax.config.jax_enable_x64 else jax.random.randint(k2, (BATCH,), 0, NUM_ITEMS, dtype=jnp.int32)
    user_table = jax.random.normal(k3, (NUM_USERS, EMBED), dtype=jnp.float32)
    item_table = jax.random.normal(k4, (NUM_ITEMS, EMBED), dtype=jnp.float32)
    return {"user_indices": user_indices, "item_indices": item_indices, "user_table": user_table, "item_table": item_table}

def reference(user_indices, item_indices, user_table, item_table):
    user_embedding = jnp.take(user_table, user_indices, axis=0)
    item_embedding = jnp.take(item_table, item_indices, axis=0)
    x = user_embedding * item_embedding
    return x

if __name__ == "__main__":
    import jax
    _d = setup_inputs()
    print(jax.jit(kernel)(*tuple(_d.values())))

</pallas_src>

<mosaic_0001>
#map = affine_map<(d0, d1) -> (0)>
#map1 = affine_map<(d0, d1) -> (0, 0)>
module attributes {stable_mosaic.version = 14 : i64} {
  func.func @gmf_kernel(%arg0: i32, %arg1: i32, %arg2: memref<16384xi32, #tpu.memory_space<hbm>>, %arg3: memref<16384xi32, #tpu.memory_space<hbm>>, %arg4: memref<32000000xf32, #tpu.memory_space<hbm>>, %arg5: memref<32000000xf32, #tpu.memory_space<hbm>>, %arg6: memref<32x16384xf32, #tpu.memory_space<hbm>>, %arg7: memref<512xi32, #tpu.memory_space<vmem>>, %arg8: memref<512xi32, #tpu.memory_space<vmem>>, %arg9: memref<16384xi32, #tpu.memory_space<vmem>>, %arg10: memref<16384xi32, #tpu.memory_space<vmem>>, %arg11: memref<16384xf32, #tpu.memory_space<vmem>>, %arg12: memref<16384xf32, #tpu.memory_space<vmem>>, %arg13: memref<!tpu.dma_semaphore, #tpu.memory_space<semaphore_mem>>, %arg14: memref<!tpu.dma_semaphore, #tpu.memory_space<semaphore_mem>>, %arg15: memref<!tpu.dma_semaphore, #tpu.memory_space<semaphore_mem>>) attributes {dimension_semantics = [#tpu.dimension_semantics<core_parallel>, #tpu.dimension_semantics<subcore_parallel>], iteration_bounds = array<i64: 2, 16>, scalar_prefetch = 0 : i64, scratch_operands = 9 : i64, tpu.core_type = #tpu.core_type<sc_vector_subcore>, window_params = [{transform_indices = #map}, {transform_indices = #map}, {transform_indices = #map}, {transform_indices = #map}, {transform_indices = #map1}]} {
    %mul3A = arith.constant 2 : i32
    %mul3A_0 = arith.muli %arg1, %mul3A : i32
    %add3A = arith.addi %mul3A_0, %arg0 : i32
    %mul3A_1 = arith.constant 512 : i32
    %mul3A_2 = arith.muli %add3A, %mul3A_1 : i32
    "tpu.region"() ({
      %run_scoped3A = tpu.sem_alloc : memref<!tpu.dma_semaphore, #tpu.memory_space<semaphore_mem>>
      %dma_start3A_749 = tpu.memref_slice %arg2[%mul3A_2] : memref<16384xi32, #tpu.memory_space<hbm>> -> memref<512xi32, #tpu.memory_space<hbm>>
      %dma_start3A_750 = tpu.memref_slice %arg2[%mul3A_2] : memref<16384xi32, #tpu.memory_space<hbm>> -> memref<512xi32, #tpu.memory_space<hbm>>
      tpu.enqueue_dma source(%dma_start3A_750 : memref<512xi32, #tpu.memory_space<hbm>>) target(%arg7 : memref<512xi32, #tpu.memory_space<vmem>>) target_semaphore(%run_scoped3A : memref<!tpu.dma_semaphore, #tpu.memory_space<semaphore_mem>>)
      %dma_wait3A_751 = tpu.memref_slice %arg2[%mul3A_2] : memref<16384xi32, #tpu.memory_space<hbm>> -> memref<512xi32, #tpu.memory_space<hbm>>
      %dma_wait3A_752 = tpu.memref_slice %arg2[%mul3A_2] : memref<16384xi32, #tpu.memory_space<hbm>> -> memref<512xi32, #tpu.memory_space<hbm>>
      tpu.wait_dma2 semaphore(%run_scoped3A : memref<!tpu.dma_semaphore, #tpu.memory_space<semaphore_mem>>) src(%dma_wait3A_752 : memref<512xi32, #tpu.memory_space<hbm>>) dst(%arg7 : memref<512xi32, #tpu.memory_space<vmem>>)
      tpu.yield
    }) : () -> ()
    "tpu.region"() ({
      %run_scoped3A = tpu.sem_alloc : memref<!tpu.dma_semaphore, #tpu.memory_space<semaphore_mem>>
      %dma_start3A_749 = tpu.memref_slice %arg3[%mul3A_2] : memref<16384xi32, #tpu.memory_space<hbm>> -> memref<512xi32, #tpu.memory_space<hbm>>
      %dma_start3A_750 = tpu.memref_slice %arg3[%mul3A_2] : memref<16384xi32, #tpu.memory_space<hbm>> -> memref<512xi32, #tpu.memory_space<hbm>>
      tpu.enqueue_dma source(%dma_start3A_750 : memref<512xi32, #tpu.memory_space<hbm>>) target(%arg8 : memref<512xi32, #tpu.memory_space<vmem>>) target_semaphore(%run_scoped3A : memref<!tpu.dma_semaphore, #tpu.memory_space<semaphore_mem>>)
      %dma_wait3A_751 = tpu.memref_slice %arg3[%mul3A_2] : memref<16384xi32, #tpu.memory_space<hbm>> -> memref<512xi32, #tpu.memory_space<hbm>>
      %dma_wait3A_752 = tpu.memref_slice %arg3[%mul3A_2] : memref<16384xi32, #tpu.memory_space<hbm>> -> memref<512xi32, #tpu.memory_space<hbm>>
      tpu.wait_dma2 semaphore(%run_scoped3A : memref<!tpu.dma_semaphore, #tpu.memory_space<semaphore_mem>>) src(%dma_wait3A_752 : memref<512xi32, #tpu.memory_space<hbm>>) dst(%arg8 : memref<512xi32, #tpu.memory_space<vmem>>)
      tpu.yield
    }) : () -> ()
    %scan3A = arith.constant 0 : i32
    %scan3A_3 = arith.constant 32 : i32
    %scan3A_4 = arith.addi %scan3A, %scan3A_3 : i32
    %scan3A_5 = arith.constant 1 : i32
    scf.for %scan3A_749 = %scan3A to %scan3A_4 step %scan3A_5  : i32 {
      %mul3A_750 = arith.constant 16 : i32
      %mul3A_751 = arith.muli %scan3A_749, %mul3A_750 : i32
      %add3A_752 = arith.constant 0 : i32
      %add3A_753 = arith.addi %add3A_752, %mul3A_751 : i32
      %add3A_754 = arith.constant 0 : i32
      %add3A_755 = arith.addi %add3A_754, %add3A_753 : i32
      %get3A = arith.index_cast %add3A_753 : i32 to index
      %get3A_756 = tpu.vector_load %arg7[%get3A] {strides = array<i32>} : memref<512xi32, #tpu.memory_space<vmem>>, vector<16xi32>,
      %get3A_757 = vector.shape_cast %get3A_756 : vector<16xi32> to vector<16xi32>
      %add3A_758 = arith.constant 0 : i32
      %add3A_759 = vector.broadcast %add3A_758 : i32 to vector<16xi32>
      %add3A_760 = arith.addi %get3A_757, %add3A_759 : vector<16xi32>
      %swap3A = arith.index_cast %add3A_755 : i32 to index
      %swap3A_761 = tpu.vector_load %arg9[%swap3A] {strides = array<i32>} : memref<16384xi32, #tpu.memory_space<vmem>>, vector<16xi32>,
      %swap3A_762 = vector.shape_cast %swap3A_761 : vector<16xi32> to vector<16xi32>
      %swap3A_763 = vector.shape_cast %add3A_760 : vector<16xi32> to vector<16xi32>
      tpu.vector_store %arg9[%swap3A], %swap3A_763 {strides = array<i32>} : memref<16384xi32, #tpu.memory_space<vmem>>, vector<16xi32>,
      %get3A_764 = arith.index_cast %add3A_753 : i32 to index
      %get3A_765 = tpu.vector_load %arg8[%get3A_764] {strides = array<i32>} : memref<512xi32, #tpu.memory_space<vmem>>, vector<16xi32>,
      %get3A_766 = vector.shape_cast %get3A_765 : vector<16xi32> to vector<16xi32>
      %add3A_767 = arith.constant 0 : i32
      %add3A_768 = vector.broadcast %add3A_767 : i32 to vector<16xi32>
      %add3A_769 = arith.addi %get3A_766, %add3A_768 : vector<16xi32>
      %swap3A_770 = arith.index_cast %add3A_755 : i32 to index
      %swap3A_771 = tpu.vector_load %arg10[%swap3A_770] {strides = array<i32>} : memref<16384xi32, #tpu.memory_space<vmem>>, vector<16xi32>,
      %swap3A_772 = vector.shape_cast %swap3A_771 : vector<16xi32> to vector<16xi32>
      %swap3A_773 = vector.shape_cast %add3A_769 : vector<16xi32> to vector<16xi32>
      tpu.vector_store %arg10[%swap3A_770], %swap3A_773 {strides = array<i32>} : memref<16384xi32, #tpu.memory_space<vmem>>, vector<16xi32>,
    }
    %scan3A_6 = arith.constant 32 : i32
    %scan3A_7 = arith.constant 0 : i32
    %scan3A_8 = arith.constant 32 : i32
    %scan3A_9 = arith.addi %scan3A_7, %scan3A_8 : i32
    %scan3A_10 = arith.constant 1 : i32
    scf.for %scan3A_749 = %scan3A_7 to %scan3A_9 step %scan3A_10  : i32 {
      %mul3A_750 = arith.constant 16 : i32
      %mul3A_751 = arith.muli %scan3A_749, %mul3A_750 : i32
      %add3A_752 = arith.constant 0 : i32
      %add3A_753 = arith.addi %add3A_752, %mul3A_751 : i32
      %add3A_754 = arith.constant 512 : i32
      %add3A_755 = arith.addi %add3A_754, %add3A_753 : i32
      %get3A = arith.index_cast %add3A_753 : i32 to index
      %get3A_756 = tpu.vector_load %arg7[%get3A] {strides = array<i32>} : memref<512xi32, #tpu.memory_space<vmem>>, vector<16xi32>,
      %get3A_757 = vector.shape_cast %get3A_756 : vector<16xi32> to vector<16xi32>
      %add3A_758 = arith.constant 1000000 : i32
      %add3A_759 = vector.broadcast %add3A_758 : i32 to vector<16xi32>
      %add3A_760 = arith.addi %get3A_757, %add3A_759 : vector<16xi32>
      %swap3A = arith.index_cast %add3A_755 : i32 to index
      %swap3A_761 = tpu.vector_load %arg9[%swap3A] {strides = array<i32>} : memref<16384xi32, #tpu.memory_space<vmem>>, vector<16xi32>,
      %swap3A_762 = vector.shape_cast %swap3A_761 : vector<16xi32> to vector<16xi32>
      %swap3A_763 = vector.shape_cast %add3A_760 : vector<16xi32> to vector<16xi32>
      tpu.vector_store %arg9[%swap3A], %swap3A_763 {strides = array<i32>} : memref<16384xi32, #tpu.memory_space<vmem>>, vector<16xi32>,
      %get3A_764 = arith.index_cast %add3A_753 : i32 to index
      %get3A_765 = tpu.vector_load %arg8[%get3A_764] {strides = array<i32>} : memref<512xi32, #tpu.memory_space<vmem>>, vector<16xi32>,
      %get3A_766 = vector.shape_cast %get3A_765 : vector<16xi32> to vector<16xi32>
      %add3A_767 = arith.constant 1000000 : i32
      %add3A_768 = vector.broadcast %add3A_767 : i32 to vector<16xi32>
      %add3A_769 = arith.addi %get3A_766, %add3A_768 : vector<16xi32>
      %swap3A_770 = arith.index_cast %add3A_755 : i32 to index
      %swap3A_771 = tpu.vector_load %arg10[%swap3A_770] {strides = array<i32>} : memref<16384xi32, #tpu.memory_space<vmem>>, vector<16xi32>,
      %swap3A_772 = vector.shape_cast %swap3A_771 : vector<16xi32> to vector<16xi32>
      %swap3A_773 = vector.shape_cast %add3A_769 : vector<16xi32> to vector<16xi32>
      tpu.vector_store %arg10[%swap3A_770], %swap3A_773 {strides = array<i32>} : memref<16384xi32, #tpu.memory_space<vmem>>, vector<16xi32>,
    }
    %scan3A_11 = arith.constant 32 : i32
    %scan3A_12 = arith.constant 0 : i32
    %scan3A_13 = arith.constant 32 : i32
    %scan3A_14 = arith.addi %scan3A_12, %scan3A_13 : i32
    %scan3A_15 = arith.constant 1 : i32
    scf.for %scan3A_749 = %scan3A_12 to %scan3A_14 step %scan3A_15  : i32 {
      %mul3A_750 = arith.constant 16 : i32
      %mul3A_751 = arith.muli %scan3A_749, %mul3A_750 : i32
      %add3A_752 = arith.constant 0 : i32
      %add3A_753 = arith.addi %add3A_752, %mul3A_751 : i32
      %add3A_754 = arith.constant 1024 : i32
      %add3A_755 = arith.addi %add3A_754, %add3A_753 : i32
      %get3A = arith.index_cast %add3A_753 : i32 to index
      %get3A_756 = tpu.vector_load %arg7[%get3A] {strides = array<i32>} : memref<512xi32, #tpu.memory_space<vmem>>, vector<16xi32>,
      %get3A_757 = vector.shape_cast %get3A_756 : vector<16xi32> to vector<16xi32>
      %add3A_758 = arith.constant 2000000 : i32
      %add3A_759 = vector.broadcast %add3A_758 : i32 to vector<16xi32>
      %add3A_760 = arith.addi %get3A_757, %add3A_759 : vector<16xi32>
      %swap3A = arith.index_cast %add3A_755 : i32 to index
      %swap3A_761 = tpu.vector_load %arg9[%swap3A] {strides = array<i32>} : memref<16384xi32, #tpu.memory_space<vmem>>, vector<16xi32>,
      %swap3A_762 = vector.shape_cast %swap3A_761 : vector<16xi32> to vector<16xi32>
      %swap3A_763 = vector.shape_cast %add3A_760 : vector<16xi32> to vector<16xi32>
      tpu.vector_store %arg9[%swap3A], %swap3A_763 {strides = array<i32>} : memref<16384xi32, #tpu.memory_space<vmem>>, vector<16xi32>,
      %get3A_764 = arith.index_cast %add3A_753 : i32 to index
      %get3A_765 = tpu.vector_load %arg8[%get3A_764] {strides = array<i32>} : memref<512xi32, #tpu.memory_space<vmem>>, vector<16xi32>,
      %get3A_766 = vector.shape_cast %get3A_765 : vector<16xi32> to vector<16xi32>
      %add3A_767 = arith.constant 2000000 : i32
      %add3A_768 = vector.broadcast %add3A_767 : i32 to vector<16xi32>
      %add3A_769 = arith.addi %get3A_766, %add3A_768 : vector<16xi32>
      %swap3A_770 = arith.index_cast %add3A_755 : i32 to index
      %swap3A_771 = tpu.vector_load %arg10[%swap3A_770] {strides = array<i32>} : memref<16384xi32, #tpu.memory_space<vmem>>, vector<16xi32>,
      %swap3A_772 = vector.shape_cast %swap3A_771 : vector<16xi32> to vector<16xi32>
      %swap3A_773 = vector.shape_cast %add3A_769 : vector<16xi32> to vector<16xi32>
      tpu.vector_store %arg10[%swap3A_770], %swap3A_773 {strides = array<i32>} : memref<16384xi32, #tpu.memory_space<vmem>>, vector<16xi32>,
    }
    %scan3A_16 = arith.constant 32 : i32
    %scan3A_17 = arith.constant 0 : i32
    %scan3A_18 = arith.constant 32 : i32
    %scan3A_19 = arith.addi %scan3A_17, %scan3A_18 : i32
    %scan3A_20 = arith.constant 1 : i32
    scf.for %scan3A_749 = %scan3A_17 to %scan3A_19 step %scan3A_20  : i32 {
      %mul3A_750 = arith.constant 16 : i32
      %mul3A_751 = arith.muli %scan3A_749, %mul3A_750 : i32
      %add3A_752 = arith.constant 0 : i32
      %add3A_753 = arith.addi %add3A_752, %mul3A_751 : i32
      %add3A_754 = arith.constant 1536 : i32
      %add3A_755 = arith.addi %add3A_754, %add3A_753 : i32
      %get3A = arith.index_cast %add3A_753 : i32 to index
      %get3A_756 = tpu.vector_load %arg7[%get3A] {strides = array<i32>} : memref<512xi32, #tpu.memory_space<vmem>>, vector<16xi32>,
      %get3A_757 = vector.shape_cast %get3A_756 : vector<16xi32> to vector<16xi32>
      %add3A_758 = arith.constant 3000000 : i32
      %add3A_759 = vector.broadcast %add3A_758 : i32 to vector<16xi32>
      %add3A_760 = arith.addi %get3A_757, %add3A_759 : vector<16xi32>
      %swap3A = arith.index_cast %add3A_755 : i32 to index
      %swap3A_761 = tpu.vector_load %arg9[%swap3A] {strides = array<i32>} : memref<16384xi32, #tpu.memory_space<vmem>>, vector<16xi32>,
      %swap3A_762 = vector.shape_cast %swap3A_761 : vector<16xi32> to vector<16xi32>
      %swap3A_763 = vector.shape_cast %add3A_760 : vector<16xi32> to vector<16xi32>
      tpu.vector_store %arg9[%swap3A], %swap3A_763 {strides = array<i32>} : memref<16384xi32, #tpu.memory_space<vmem>>, vector<16xi32>,
      %get3A_764 = arith.index_cast %add3A_753 : i32 to index
      %get3A_765 = tpu.vector_load %arg8[%get3A_764] {strides = array<i32>} : memref<512xi32, #tpu.memory_space<vmem>>, vector<16xi32>,
      %get3A_766 = vector.shape_cast %get3A_765 : vector<16xi32> to vector<16xi32>
      %add3A_767 = arith.constant 3000000 : i32
      %add3A_768 = vector.broadcast %add3A_767 : i32 to vector<16xi32>
      %add3A_769 = arith.addi %get3A_766, %add3A_768 : vector<16xi32>
      %swap3A_770 = arith.index_cast %add3A_755 : i32 to index
      %swap3A_771 = tpu.vector_load %arg10[%swap3A_770] {strides = array<i32>} : memref<16384xi32, #tpu.memory_space<vmem>>, vector<16xi32>,
      %swap3A_772 = vector.shape_cast %swap3A_771 : vector<16xi32> to vector<16xi32>
      %swap3A_773 = vector.shape_cast %add3A_769 : vector<16xi32> to vector<16xi32>
      tpu.vector_store %arg10[%swap3A_770], %swap3A_773 {strides = array<i32>} : memref<16384xi32, #tpu.memory_space<vmem>>, vector<16xi32>,
    }
    %scan3A_21 = arith.constant 32 : i32
    %scan3A_22 = arith.constant 0 : i32
    %scan3A_23 = arith.constant 32 : i32
    %scan3A_24 = arith.addi %scan3A_22, %scan3A_23 : i32
    %scan3A_25 = arith.constant 1 : i32
    scf.for %scan3A_749 = %scan3A_22 to %scan3A_24 step %scan3A_25  : i32 {
      %mul3A_750 = arith.constant 16 : i32
      %mul3A_751 = arith.muli %scan3A_749, %mul3A_750 : i32
      %add3A_752 = arith.constant 0 : i32
      %add3A_753 = arith.addi %add3A_752, %mul3A_751 : i32
      %add3A_754 = arith.constant 2048 : i32
      %add3A_755 = arith.addi %add3A_754, %add3A_753 : i32
      %get3A = arith.index_cast %add3A_753 : i32 to index
      %get3A_756 = tpu.vector_load %arg7[%get3A] {strides = array<i32>} : memref<512xi32, #tpu.memory_space<vmem>>, vector<16xi32>,
      %get3A_757 = vector.shape_cast %get3A_756 : vector<16xi32> to vector<16xi32>
      %add3A_758 = arith.constant 4000000 : i32
      %add3A_759 = vector.broadcast %add3A_758 : i32 to vector<16xi32>
      %add3A_760 = arith.addi %get3A_757, %add3A_759 : vector<16xi32>
      %swap3A = arith.index_cast %add3A_755 : i32 to index
      %swap3A_761 = tpu.vector_load %arg9[%swap3A] {strides = array<i32>} : memref<16384xi32, #tpu.memory_space<vmem>>, vector<16xi32>,
      %swap3A_762 = vector.shape_cast %swap3A_761 : vector<16xi32> to vector<16xi32>
      %swap3A_763 = vector.shape_cast %add3A_760 : vector<16xi32> to vector<16xi32>
      tpu.vector_store %arg9[%swap3A], %swap3A_763 {strides = array<i32>} : memref<16384xi32, #tpu.memory_space<vmem>>, vector<16xi32>,
      %get3A_764 = arith.index_cast %add3A_753 : i32 to index
      %get3A_765 = tpu.vector_load %arg8[%get3A_764] {strides = array<i32>} : memref<512xi32, #tpu.memory_space<vmem>>, vector<16xi32>,
      %get3A_766 = vector.shape_cast %get3A_765 : vector<16xi32> to vector<16xi32>
      %add3A_767 = arith.constant 4000000 : i32
      %add3A_768 = vector.broadcast %add3A_767 : i32 to vector<16xi32>
      %add3A_769 = arith.addi %get3A_766, %add3A_768 : vector<16xi32>
      %swap3A_770 = arith.index_cast %add3A_755 : i32 to index
      %swap3A_771 = tpu.vector_load %arg10[%swap3A_770] {strides = array<i32>} : memref<16384xi32, #tpu.memory_space<vmem>>, vector<16xi32>,
      %swap3A_772 = vector.shape_cast %swap3A_771 : vector<16xi32> to vector<16xi32>
      %swap3A_773 = vector.shape_cast %add3A_769 : vector<16xi32> to vector<16xi32>
      tpu.vector_store %arg10[%swap3A_770], %swap3A_773 {strides = array<i32>} : memref<16384xi32, #tpu.memory_space<vmem>>, vector<16xi32>,
    }
    %scan3A_26 = arith.constant 32 : i32
    %scan3A_27 = arith.constant 0 : i32
    %scan3A_28 = arith.constant 32 : i32
    %scan3A_29 = arith.addi %scan3A_27, %scan3A_28 : i32
    %scan3A_30 = arith.constant 1 : i32
    scf.for %scan3A_749 = %scan3A_27 to %scan3A_29 step %scan3A_30  : i32 {
      %mul3A_750 = arith.constant 16 : i32
      %mul3A_751 = arith.muli %scan3A_749, %mul3A_750 : i32
      %add3A_752 = arith.constant 0 : i32
      %add3A_753 = arith.addi %add3A_752, %mul3A_751 : i32
      %add3A_754 = arith.constant 2560 : i32
      %add3A_755 = arith.addi %add3A_754, %add3A_753 : i32
      %get3A = arith.index_cast %add3A_753 : i32 to index
      %get3A_756 = tpu.vector_load %arg7[%get3A] {strides = array<i32>} : memref<512xi32, #tpu.memory_space<vmem>>, vector<16xi32>,
      %get3A_757 = vector.shape_cast %get3A_756 : vector<16xi32> to vector<16xi32>
      %add3A_758 = arith.constant 5000000 : i32
      %add3A_759 = vector.broadcast %add3A_758 : i32 to vector<16xi32>
      %add3A_760 = arith.addi %get3A_757, %add3A_759 : vector<16xi32>
      %swap3A = arith.index_cast %add3A_755 : i32 to index
      %swap3A_761 = tpu.vector_load %arg9[%swap3A] {strides = array<i32>} : memref<16384xi32, #tpu.memory_space<vmem>>, vector<16xi32>,
      %swap3A_762 = vector.shape_cast %swap3A_761 : vector<16xi32> to vector<16xi32>
      %swap3A_763 = vector.shape_cast %add3A_760 : vector<16xi32> to vector<16xi32>
      tpu.vector_store %arg9[%swap3A], %swap3A_763 {strides = array<i32>} : memref<16384xi32, #tpu.memory_space<vmem>>, vector<16xi32>,
      %get3A_764 = arith.index_cast %add3A_753 : i32 to index
      %get3A_765 = tpu.vector_load %arg8[%get3A_764] {strides = array<i32>} : memref<512xi32, #tpu.memory_space<vmem>>, vector<16xi32>,
      %get3A_766 = vector.shape_cast %get3A_765 : vector<16xi32> to vector<16xi32>
      %add3A_767 = arith.constant 5000000 : i32
      %add3A_768 = vector.broadcast %add3A_767 : i32 to vector<16xi32>
      %add3A_769 = arith.addi %get3A_766, %add3A_768 : vector<16xi32>
      %swap3A_770 = arith.index_cast %add3A_755 : i32 to index
      %swap3A_771 = tpu.vector_load %arg10[%swap3A_770] {strides = array<i32>} : memref<16384xi32, #tpu.memory_space<vmem>>, vector<16xi32>,
      %swap3A_772 = vector.shape_cast %swap3A_771 : vector<16xi32> to vector<16xi32>
      %swap3A_773 = vector.shape_cast %add3A_769 : vector<16xi32> to vector<16xi32>
      tpu.vector_store %arg10[%swap3A_770], %swap3A_773 {strides = array<i32>} : memref<16384xi32, #tpu.memory_space<vmem>>, vector<16xi32>,
    }
    %scan3A_31 = arith.constant 32 : i32
    %scan3A_32 = arith.constant 0 : i32
    %scan3A_33 = arith.constant 32 : i32
    %scan3A_34 = arith.addi %scan3A_32, %scan3A_33 : i32
    %scan3A_35 = arith.constant 1 : i32
    scf.for %scan3A_749 = %scan3A_32 to %scan3A_34 step %scan3A_35  : i32 {
      %mul3A_750 = arith.constant 16 : i32
      %mul3A_751 = arith.muli %scan3A_749, %mul3A_750 : i32
      %add3A_752 = arith.constant 0 : i32
      %add3A_753 = arith.addi %add3A_752, %mul3A_751 : i32
      %add3A_754 = arith.constant 3072 : i32
      %add3A_755 = arith.addi %add3A_754, %add3A_753 : i32
      %get3A = arith.index_cast %add3A_753 : i32 to index
      %get3A_756 = tpu.vector_load %arg7[%get3A] {strides = array<i32>} : memref<512xi32, #tpu.memory_space<vmem>>, vector<16xi32>,
      %get3A_757 = vector.shape_cast %get3A_756 : vector<16xi32> to vector<16xi32>
      %add3A_758 = arith.constant 6000000 : i32
      %add3A_759 = vector.broadcast %add3A_758 : i32 to vector<16xi32>
      %add3A_760 = arith.addi %get3A_757, %add3A_759 : vector<16xi32>
      %swap3A = arith.index_cast %add3A_755 : i32 to index
      %swap3A_761 = tpu.vector_load %arg9[%swap3A] {strides = array<i32>} : memref<16384xi32, #tpu.memory_space<vmem>>, vector<16xi32>,
      %swap3A_762 = vector.shape_cast %swap3A_761 : vector<16xi32> to vector<16xi32>
      %swap3A_763 = vector.shape_cast %add3A_760 : vector<16xi32> to vector<16xi32>
      tpu.vector_store %arg9[%swap3A], %swap3A_763 {strides = array<i32>} : memref<16384xi32, #tpu.memory_space<vmem>>, vector<16xi32>,
      %get3A_764 = arith.index_cast %add3A_753 : i32 to index
      %get3A_765 = tpu.vector_load %arg8[%get3A_764] {strides = array<i32>} : memref<512xi32, #tpu.memory_space<vmem>>, vector<16xi32>,
      %get3A_766 = vector.shape_cast %get3A_765 : vector<16xi32> to vector<16xi32>
      %add3A_767 = arith.constant 6000000 : i32
      %add3A_768 = vector.broadcast %add3A_767 : i32 to vector<16xi32>
      %add3A_769 = arith.addi %get3A_766, %add3A_768 : vector<16xi32>
      %swap3A_770 = arith.index_cast %add3A_755 : i32 to index
      %swap3A_771 = tpu.vector_load %arg10[%swap3A_770] {strides = array<i32>} : memref<16384xi32, #tpu.memory_space<vmem>>, vector<16xi32>,
      %swap3A_772 = vector.shape_cast %swap3A_771 : vector<16xi32> to vector<16xi32>
      %swap3A_773 = vector.shape_cast %add3A_769 : vector<16xi32> to vector<16xi32>
      tpu.vector_store %arg10[%swap3A_770], %swap3A_773 {strides = array<i32>} : memref<16384xi32, #tpu.memory_space<vmem>>, vector<16xi32>,
    }
    %scan3A_36 = arith.constant 32 : i32
    %scan3A_37 = arith.constant 0 : i32
    %scan3A_38 = arith.constant 32 : i32
    %scan3A_39 = arith.addi %scan3A_37, %scan3A_38 : i32
    %scan3A_40 = arith.constant 1 : i32
    scf.for %scan3A_749 = %scan3A_37 to %scan3A_39 step %scan3A_40  : i32 {
      %mul3A_750 = arith.constant 16 : i32
      %mul3A_751 = arith.muli %scan3A_749, %mul3A_750 : i32
      %add3A_752 = arith.constant 0 : i32
      %add3A_753 = arith.addi %add3A_752, %mul3A_751 : i32
      %add3A_754 = arith.constant 3584 : i32
      %add3A_755 = arith.addi %add3A_754, %add3A_753 : i32
      %get3A = arith.index_cast %add3A_753 : i32 to index
      %get3A_756 = tpu.vector_load %arg7[%get3A] {strides = array<i32>} : memref<512xi32, #tpu.memory_space<vmem>>, vector<16xi32>,
      %get3A_757 = vector.shape_cast %get3A_756 : vector<16xi32> to vector<16xi32>
      %add3A_758 = arith.constant 7000000 : i32
      %add3A_759 = vector.broadcast %add3A_758 : i32 to vector<16xi32>
      %add3A_760 = arith.addi %get3A_757, %add3A_759 : vector<16xi32>
      %swap3A = arith.index_cast %add3A_755 : i32 to index
      %swap3A_761 = tpu.vector_load %arg9[%swap3A] {strides = array<i32>} : memref<16384xi32, #tpu.memory_space<vmem>>, vector<16xi32>,
      %swap3A_762 = vector.shape_cast %swap3A_761 : vector<16xi32> to vector<16xi32>
      %swap3A_763 = vector.shape_cast %add3A_760 : vector<16xi32> to vector<16xi32>
      tpu.vector_store %arg9[%swap3A], %swap3A_763 {strides = array<i32>} : memref<16384xi32, #tpu.memory_space<vmem>>, vector<16xi32>,
      %get3A_764 = arith.index_cast %add3A_753 : i32 to index
      %get3A_765 = tpu.vector_load %arg8[%get3A_764] {strides = array<i32>} : memref<512xi32, #tpu.memory_space<vmem>>, vector<16xi32>,
      %get3A_766 = vector.shape_cast %get3A_765 : vector<16xi32> to vector<16xi32>
      %add3A_767 = arith.constant 7000000 : i32
      %add3A_768 = vector.broadcast %add3A_767 : i32 to vector<16xi32>
      %add3A_769 = arith.addi %get3A_766, %add3A_768 : vector<16xi32>
      %swap3A_770 = arith.index_cast %add3A_755 : i32 to index
      %swap3A_771 = tpu.vector_load %arg10[%swap3A_770] {strides = array<i32>} : memref<16384xi32, #tpu.memory_space<vmem>>, vector<16xi32>,
      %swap3A_772 = vector.shape_cast %swap3A_771 : vector<16xi32> to vector<16xi32>
      %swap3A_773 = vector.shape_cast %add3A_769 : vector<16xi32> to vector<16xi32>
      tpu.vector_store %arg10[%swap3A_770], %swap3A_773 {strides = array<i32>} : memref<16384xi32, #tpu.memory_space<vmem>>, vector<16xi32>,
    }
    %scan3A_41 = arith.constant 32 : i32
    %scan3A_42 = arith.constant 0 : i32
    %scan3A_43 = arith.constant 32 : i32
    %scan3A_44 = arith.addi %scan3A_42, %scan3A_43 : i32
    %scan3A_45 = arith.constant 1 : i32
    scf.for %scan3A_749 = %scan3A_42 to %scan3A_44 step %scan3A_45  : i32 {
      %mul3A_750 = arith.constant 16 : i32
      %mul3A_751 = arith.muli %scan3A_749, %mul3A_750 : i32
      %add3A_752 = arith.constant 0 : i32
      %add3A_753 = arith.addi %add3A_752, %mul3A_751 : i32
      %add3A_754 = arith.constant 4096 : i32
      %add3A_755 = arith.addi %add3A_754, %add3A_753 : i32
      %get3A = arith.index_cast %add3A_753 : i32 to index
      %get3A_756 = tpu.vector_load %arg7[%get3A] {strides = array<i32>} : memref<512xi32, #tpu.memory_space<vmem>>, vector<16xi32>,
      %get3A_757 = vector.shape_cast %get3A_756 : vector<16xi32> to vector<16xi32>
      %add3A_758 = arith.constant 8000000 : i32
      %add3A_759 = vector.broadcast %add3A_758 : i32 to vector<16xi32>
      %add3A_760 = arith.addi %get3A_757, %add3A_759 : vector<16xi32>
      %swap3A = arith.index_cast %add3A_755 : i32 to index
      %swap3A_761 = tpu.vector_load %arg9[%swap3A] {strides = array<i32>} : memref<16384xi32, #tpu.memory_space<vmem>>, vector<16xi32>,
      %swap3A_762 = vector.shape_cast %swap3A_761 : vector<16xi32> to vector<16xi32>
      %swap3A_763 = vector.shape_cast %add3A_760 : vector<16xi32> to vector<16xi32>
      tpu.vector_store %arg9[%swap3A], %swap3A_763 {strides = array<i32>} : memref<16384xi32, #tpu.memory_space<vmem>>, vector<16xi32>,
      %get3A_764 = arith.index_cast %add3A_753 : i32 to index
      %get3A_765 = tpu.vector_load %arg8[%get3A_764] {strides = array<i32>} : memref<512xi32, #tpu.memory_space<vmem>>, vector<16xi32>,
      %get3A_766 = vector.shape_cast %get3A_765 : vector<16xi32> to vector<16xi32>
      %add3A_767 = arith.constant 8000000 : i32
      %add3A_768 = vector.broadcast %add3A_767 : i32 to vector<16xi32>
      %add3A_769 = arith.addi %get3A_766, %add3A_768 : vector<16xi32>
      %swap3A_770 = arith.index_cast %add3A_755 : i32 to index
      %swap3A_771 = tpu.vector_load %arg10[%swap3A_770] {strides = array<i32>} : memref<16384xi32, #tpu.memory_space<vmem>>, vector<16xi32>,
      %swap3A_772 = vector.shape_cast %swap3A_771 : vector<16xi32> to vector<16xi32>
      %swap3A_773 = vector.shape_cast %add3A_769 : vector<16xi32> to vector<16xi32>
      tpu.vector_store %arg10[%swap3A_770], %swap3A_773 {strides = array<i32>} : memref<16384xi32, #tpu.memory_space<vmem>>, vector<16xi32>,
    }
    %scan3A_46 = arith.constant 32 : i32
    %scan3A_47 = arith.constant 0 : i32
    %scan3A_48 = arith.constant 32 : i32
    %scan3A_49 = arith.addi %scan3A_47, %scan3A_48 : i32
    %scan3A_50 = arith.constant 1 : i32
    scf.for %scan3A_749 = %scan3A_47 to %scan3A_49 step %scan3A_50  : i32 {
      %mul3A_750 = arith.constant 16 : i32
      %mul3A_751 = arith.muli %scan3A_749, %mul3A_750 : i32
      %add3A_752 = arith.constant 0 : i32
      %add3A_753 = arith.addi %add3A_752, %mul3A_751 : i32
      %add3A_754 = arith.constant 4608 : i32
      %add3A_755 = arith.addi %add3A_754, %add3A_753 : i32
      %get3A = arith.index_cast %add3A_753 : i32 to index
      %get3A_756 = tpu.vector_load %arg7[%get3A] {strides = array<i32>} : memref<512xi32, #tpu.memory_space<vmem>>, vector<16xi32>,
      %get3A_757 = vector.shape_cast %get3A_756 : vector<16xi32> to vector<16xi32>
      %add3A_758 = arith.constant 9000000 : i32
      %add3A_759 = vector.broadcast %add3A_758 : i32 to vector<16xi32>
      %add3A_760 = arith.addi %get3A_757, %add3A_759 : vector<16xi32>
      %swap3A = arith.index_cast %add3A_755 : i32 to index
      %swap3A_761 = tpu.vector_load %arg9[%swap3A] {strides = array<i32>} : memref<16384xi32, #tpu.memory_space<vmem>>, vector<16xi32>,
      %swap3A_762 = vector.shape_cast %swap3A_761 : vector<16xi32> to vector<16xi32>
      %swap3A_763 = vector.shape_cast %add3A_760 : vector<16xi32> to vector<16xi32>
      tpu.vector_store %arg9[%swap3A], %swap3A_763 {strides = array<i32>} : memref<16384xi32, #tpu.memory_space<vmem>>, vector<16xi32>,
      %get3A_764 = arith.index_cast %add3A_753 : i32 to index
      %get3A_765 = tpu.vector_load %arg8[%get3A_764] {strides = array<i32>} : memref<512xi32, #tpu.memory_space<vmem>>, vector<16xi32>,
      %get3A_766 = vector.shape_cast %get3A_765 : vector<16xi32> to vector<16xi32>
      %add3A_767 = arith.constant 9000000 : i32
      %add3A_768 = vector.broadcast %add3A_767 : i32 to vector<16xi32>
      %add3A_769 = arith.addi %get3A_766, %add3A_768 : vector<16xi32>
      %swap3A_770 = arith.index_cast %add3A_755 : i32 to index
      %swap3A_771 = tpu.vector_load %arg10[%swap3A_770] {strides = array<i32>} : memref<16384xi32, #tpu.memory_space<vmem>>, vector<16xi32>,
      %swap3A_772 = vector.shape_cast %swap3A_771 : vector<16xi32> to vector<16xi32>
      %swap3A_773 = vector.shape_cast %add3A_769 : vector<16xi32> to vector<16xi32>
      tpu.vector_store %arg10[%swap3A_770], %swap3A_773 {strides = array<i32>} : memref<16384xi32, #tpu.memory_space<vmem>>, vector<16xi32>,
    }
    %scan3A_51 = arith.constant 32 : i32
    %scan3A_52 = arith.constant 0 : i32
    %scan3A_53 = arith.constant 32 : i32
    %scan3A_54 = arith.addi %scan3A_52, %scan3A_53 : i32
    %scan3A_55 = arith.constant 1 : i32
    scf.for %scan3A_749 = %scan3A_52 to %scan3A_54 step %scan3A_55  : i32 {
      %mul3A_750 = arith.constant 16 : i32
      %mul3A_751 = arith.muli %scan3A_749, %mul3A_750 : i32
      %add3A_752 = arith.constant 0 : i32
      %add3A_753 = arith.addi %add3A_752, %mul3A_751 : i32
      %add3A_754 = arith.constant 5120 : i32
      %add3A_755 = arith.addi %add3A_754, %add3A_753 : i32
      %get3A = arith.index_cast %add3A_753 : i32 to index
      %get3A_756 = tpu.vector_load %arg7[%get3A] {strides = array<i32>} : memref<512xi32, #tpu.memory_space<vmem>>, vector<16xi32>,
      %get3A_757 = vector.shape_cast %get3A_756 : vector<16xi32> to vector<16xi32>
      %add3A_758 = arith.constant 10000000 : i32
      %add3A_759 = vector.broadcast %add3A_758 : i32 to vector<16xi32>
      %add3A_760 = arith.addi %get3A_757, %add3A_759 : vector<16xi32>
      %swap3A = arith.index_cast %add3A_755 : i32 to index
      %swap3A_761 = tpu.vector_load %arg9[%swap3A] {strides = array<i32>} : memref<16384xi32, #tpu.memory_space<vmem>>, vector<16xi32>,
      %swap3A_762 = vector.shape_cast %swap3A_761 : vector<16xi32> to vector<16xi32>
      %swap3A_763 = vector.shape_cast %add3A_760 : vector<16xi32> to vector<16xi32>
      tpu.vector_store %arg9[%swap3A], %swap3A_763 {strides = array<i32>} : memref<16384xi32, #tpu.memory_space<vmem>>, vector<16xi32>,
      %get3A_764 = arith.index_cast %add3A_753 : i32 to index
      %get3A_765 = tpu.vector_load %arg8[%get3A_764] {strides = array<i32>} : memref<512xi32, #tpu.memory_space<vmem>>, vector<16xi32>,
      %get3A_766 = vector.shape_cast %get3A_765 : vector<16xi32> to vector<16xi32>
      %add3A_767 = arith.constant 10000000 : i32
      %add3A_768 = vector.broadcast %add3A_767 : i32 to vector<16xi32>
      %add3A_769 = arith.addi %get3A_766, %add3A_768 : vector<16xi32>
      %swap3A_770 = arith.index_cast %add3A_755 : i32 to index
      %swap3A_771 = tpu.vector_load %arg10[%swap3A_770] {strides = array<i32>} : memref<16384xi32, #tpu.memory_space<vmem>>, vector<16xi32>,
      %swap3A_772 = vector.shape_cast %swap3A_771 : vector<16xi32> to vector<16xi32>
      %swap3A_773 = vector.shape_cast %add3A_769 : vector<16xi32> to vector<16xi32>
      tpu.vector_store %arg10[%swap3A_770], %swap3A_773 {strides = array<i32>} : memref<16384xi32, #tpu.memory_space<vmem>>, vector<16xi32>,
    }
    %scan3A_56 = arith.constant 32 : i32
    %scan3A_57 = arith.constant 0 : i32
    %scan3A_58 = arith.constant 32 : i32
    %scan3A_59 = arith.addi %scan3A_57, %scan3A_58 : i32
    %scan3A_60 = arith.constant 1 : i32
    scf.for %scan3A_749 = %scan3A_57 to %scan3A_59 step %scan3A_60  : i32 {
      %mul3A_750 = arith.constant 16 : i32
      %mul3A_751 = arith.muli %scan3A_749, %mul3A_750 : i32
      %add3A_752 = arith.constant 0 : i32
      %add3A_753 = arith.addi %add3A_752, %mul3A_751 : i32
      %add3A_754 = arith.constant 5632 : i32
      %add3A_755 = arith.addi %add3A_754, %add3A_753 : i32
      %get3A = arith.index_cast %add3A_753 : i32 to index
      %get3A_756 = tpu.vector_load %arg7[%get3A] {strides = array<i32>} : memref<512xi32, #tpu.memory_space<vmem>>, vector<16xi32>,
      %get3A_757 = vector.shape_cast %get3A_756 : vector<16xi32> to vector<16xi32>
      %add3A_758 = arith.constant 11000000 : i32
      %add3A_759 = vector.broadcast %add3A_758 : i32 to vector<16xi32>
      %add3A_760 = arith.addi %get3A_757, %add3A_759 : vector<16xi32>
      %swap3A = arith.index_cast %add3A_755 : i32 to index
      %swap3A_761 = tpu.vector_load %arg9[%swap3A] {strides = array<i32>} : memref<16384xi32, #tpu.memory_space<vmem>>, vector<16xi32>,
      %swap3A_762 = vector.shape_cast %swap3A_761 : vector<16xi32> to vector<16xi32>
      %swap3A_763 = vector.shape_cast %add3A_760 : vector<16xi32> to vector<16xi32>
      tpu.vector_store %arg9[%swap3A], %swap3A_763 {strides = array<i32>} : memref<16384xi32, #tpu.memory_space<vmem>>, vector<16xi32>,
      %get3A_764 = arith.index_cast %add3A_753 : i32 to index
      %get3A_765 = tpu.vector_load %arg8[%get3A_764] {strides = array<i32>} : memref<512xi32, #tpu.memory_space<vmem>>, vector<16xi32>,
      %get3A_766 = vector.shape_cast %get3A_765 : vector<16xi32> to vector<16xi32>
      %add3A_767 = arith.constant 11000000 : i32
      %add3A_768 = vector.broadcast %add3A_767 : i32 to vector<16xi32>
      %add3A_769 = arith.addi %get3A_766, %add3A_768 : vector<16xi32>
      %swap3A_770 = arith.index_cast %add3A_755 : i32 to index
      %swap3A_771 = tpu.vector_load %arg10[%swap3A_770] {strides = array<i32>} : memref<16384xi32, #tpu.memory_space<vmem>>, vector<16xi32>,
      %swap3A_772 = vector.shape_cast %swap3A_771 : vector<16xi32> to vector<16xi32>
      %swap3A_773 = vector.shape_cast %add3A_769 : vector<16xi32> to vector<16xi32>
      tpu.vector_store %arg10[%swap3A_770], %swap3A_773 {strides = array<i32>} : memref<16384xi32, #tpu.memory_space<vmem>>, vector<16xi32>,
    }
    %scan3A_61 = arith.constant 32 : i32
    %scan3A_62 = arith.constant 0 : i32
    %scan3A_63 = arith.constant 32 : i32
    %scan3A_64 = arith.addi %scan3A_62, %scan3A_63 : i32
    %scan3A_65 = arith.constant 1 : i32
    scf.for %scan3A_749 = %scan3A_62 to %scan3A_64 step %scan3A_65  : i32 {
      %mul3A_750 = arith.constant 16 : i32
      %mul3A_751 = arith.muli %scan3A_749, %mul3A_750 : i32
      %add3A_752 = arith.constant 0 : i32
      %add3A_753 = arith.addi %add3A_752, %mul3A_751 : i32
      %add3A_754 = arith.constant 6144 : i32
      %add3A_755 = arith.addi %add3A_754, %add3A_753 : i32
      %get3A = arith.index_cast %add3A_753 : i32 to index
      %get3A_756 = tpu.vector_load %arg7[%get3A] {strides = array<i32>} : memref<512xi32, #tpu.memory_space<vmem>>, vector<16xi32>,
      %get3A_757 = vector.shape_cast %get3A_756 : vector<16xi32> to vector<16xi32>
      %add3A_758 = arith.constant 12000000 : i32
      %add3A_759 = vector.broadcast %add3A_758 : i32 to vector<16xi32>
      %add3A_760 = arith.addi %get3A_757, %add3A_759 : vector<16xi32>
      %swap3A = arith.index_cast %add3A_755 : i32 to index
      %swap3A_761 = tpu.vector_load %arg9[%swap3A] {strides = array<i32>} : memref<16384xi32, #tpu.memory_space<vmem>>, vector<16xi32>,
      %swap3A_762 = vector.shape_cast %swap3A_761 : vector<16xi32> to vector<16xi32>
      %swap3A_763 = vector.shape_cast %add3A_760 : vector<16xi32> to vector<16xi32>
      tpu.vector_store %arg9[%swap3A], %swap3A_763 {strides = array<i32>} : memref<16384xi32, #tpu.memory_space<vmem>>, vector<16xi32>,
      %get3A_764 = arith.index_cast %add3A_753 : i32 to index
      %get3A_765 = tpu.vector_load %arg8[%get3A_764] {strides = array<i32>} : memref<512xi32, #tpu.memory_space<vmem>>, vector<16xi32>,
      %get3A_766 = vector.shape_cast %get3A_765 : vector<16xi32> to vector<16xi32>
      %add3A_767 = arith.constant 12000000 : i32
      %add3A_768 = vector.broadcast %add3A_767 : i32 to vector<16xi32>
      %add3A_769 = arith.addi %get3A_766, %add3A_768 : vector<16xi32>
      %swap3A_770 = arith.index_cast %add3A_755 : i32 to index
      %swap3A_771 = tpu.vector_load %arg10[%swap3A_770] {strides = array<i32>} : memref<16384xi32, #tpu.memory_space<vmem>>, vector<16xi32>,
      %swap3A_772 = vector.shape_cast %swap3A_771 : vector<16xi32> to vector<16xi32>
      %swap3A_773 = vector.shape_cast %add3A_769 : vector<16xi32> to vector<16xi32>
      tpu.vector_store %arg10[%swap3A_770], %swap3A_773 {strides = array<i32>} : memref<16384xi32, #tpu.memory_space<vmem>>, vector<16xi32>,
    }
    %scan3A_66 = arith.constant 32 : i32
    %scan3A_67 = arith.constant 0 : i32
    %scan3A_68 = arith.constant 32 : i32
    %scan3A_69 = arith.addi %scan3A_67, %scan3A_68 : i32
    %scan3A_70 = arith.constant 1 : i32
    scf.for %scan3A_749 = %scan3A_67 to %scan3A_69 step %scan3A_70  : i32 {
      %mul3A_750 = arith.constant 16 : i32
      %mul3A_751 = arith.muli %scan3A_749, %mul3A_750 : i32
      %add3A_752 = arith.constant 0 : i32
      %add3A_753 = arith.addi %add3A_752, %mul3A_751 : i32
      %add3A_754 = arith.constant 6656 : i32
      %add3A_755 = arith.addi %add3A_754, %add3A_753 : i32
      %get3A = arith.index_cast %add3A_753 : i32 to index
      %get3A_756 = tpu.vector_load %arg7[%get3A] {strides = array<i32>} : memref<512xi32, #tpu.memory_space<vmem>>, vector<16xi32>,
      %get3A_757 = vector.shape_cast %get3A_756 : vector<16xi32> to vector<16xi32>
      %add3A_758 = arith.constant 13000000 : i32
      %add3A_759 = vector.broadcast %add3A_758 : i32 to vector<16xi32>
      %add3A_760 = arith.addi %get3A_757, %add3A_759 : vector<16xi32>
      %swap3A = arith.index_cast %add3A_755 : i32 to index
      %swap3A_761 = tpu.vector_load %arg9[%swap3A] {strides = array<i32>} : memref<16384xi32, #tpu.memory_space<vmem>>, vector<16xi32>,
      %swap3A_762 = vector.shape_cast %swap3A_761 : vector<16xi32> to vector<16xi32>
      %swap3A_763 = vector.shape_cast %add3A_760 : vector<16xi32> to vector<16xi32>
      tpu.vector_store %arg9[%swap3A], %swap3A_763 {strides = array<i32>} : memref<16384xi32, #tpu.memory_space<vmem>>, vector<16xi32>,
      %get3A_764 = arith.index_cast %add3A_753 : i32 to index
      %get3A_765 = tpu.vector_load %arg8[%get3A_764] {strides = array<i32>} : memref<512xi32, #tpu.memory_space<vmem>>, vector<16xi32>,
      %get3A_766 = vector.shape_cast %get3A_765 : vector<16xi32> to vector<16xi32>
      %add3A_767 = arith.constant 13000000 : i32
      %add3A_768 = vector.broadcast %add3A_767 : i32 to vector<16xi32>
      %add3A_769 = arith.addi %get3A_766, %add3A_768 : vector<16xi32>
      %swap3A_770 = arith.index_cast %add3A_755 : i32 to index
      %swap3A_771 = tpu.vector_load %arg10[%swap3A_770] {strides = array<i32>} : memref<16384xi32, #tpu.memory_space<vmem>>, vector<16xi32>,
      %swap3A_772 = vector.shape_cast %swap3A_771 : vector<16xi32> to vector<16xi32>
      %swap3A_773 = vector.shape_cast %add3A_769 : vector<16xi32> to vector<16xi32>
      tpu.vector_store %arg10[%swap3A_770], %swap3A_773 {strides = array<i32>} : memref<16384xi32, #tpu.memory_space<vmem>>, vector<16xi32>,
    }
    %scan3A_71 = arith.constant 32 : i32
    %scan3A_72 = arith.constant 0 : i32
    %scan3A_73 = arith.constant 32 : i32
    %scan3A_74 = arith.addi %scan3A_72, %scan3A_73 : i32
    %scan3A_75 = arith.constant 1 : i32
    scf.for %scan3A_749 = %scan3A_72 to %scan3A_74 step %scan3A_75  : i32 {
      %mul3A_750 = arith.constant 16 : i32
      %mul3A_751 = arith.muli %scan3A_749, %mul3A_750 : i32
      %add3A_752 = arith.constant 0 : i32
      %add3A_753 = arith.addi %add3A_752, %mul3A_751 : i32
      %add3A_754 = arith.constant 7168 : i32
      %add3A_755 = arith.addi %add3A_754, %add3A_753 : i32
      %get3A = arith.index_cast %add3A_753 : i32 to index
      %get3A_756 = tpu.vector_load %arg7[%get3A] {strides = array<i32>} : memref<512xi32, #tpu.memory_space<vmem>>, vector<16xi32>,
      %get3A_757 = vector.shape_cast %get3A_756 : vector<16xi32> to vector<16xi32>
      %add3A_758 = arith.constant 14000000 : i32
      %add3A_759 = vector.broadcast %add3A_758 : i32 to vector<16xi32>
      %add3A_760 = arith.addi %get3A_757, %add3A_759 : vector<16xi32>
      %swap3A = arith.index_cast %add3A_755 : i32 to index
      %swap3A_761 = tpu.vector_load %arg9[%swap3A] {strides = array<i32>} : memref<16384xi32, #tpu.memory_space<vmem>>, vector<16xi32>,
      %swap3A_762 = vector.shape_cast %swap3A_761 : vector<16xi32> to vector<16xi32>
      %swap3A_763 = vector.shape_cast %add3A_760 : vector<16xi32> to vector<16xi32>
      tpu.vector_store %arg9[%swap3A], %swap3A_763 {strides = array<i32>} : memref<16384xi32, #tpu.memory_space<vmem>>, vector<16xi32>,
      %get3A_764 = arith.index_cast %add3A_753 : i32 to index
      %get3A_765 = tpu.vector_load %arg8[%get3A_764] {strides = array<i32>} : memref<512xi32, #tpu.memory_space<vmem>>, vector<16xi32>,
      %get3A_766 = vector.shape_cast %get3A_765 : vector<16xi32> to vector<16xi32>
      %add3A_767 = arith.constant 14000000 : i32
      %add3A_768 = vector.broadcast %add3A_767 : i32 to vector<16xi32>
      %add3A_769 = arith.addi %get3A_766, %add3A_768 : vector<16xi32>
      %swap3A_770 = arith.index_cast %add3A_755 : i32 to index
      %swap3A_771 = tpu.vector_load %arg10[%swap3A_770] {strides = array<i32>} : memref<16384xi32, #tpu.memory_space<vmem>>, vector<16xi32>,
      %swap3A_772 = vector.shape_cast %swap3A_771 : vector<16xi32> to vector<16xi32>
      %swap3A_773 = vector.shape_cast %add3A_769 : vector<16xi32> to vector<16xi32>
      tpu.vector_store %arg10[%swap3A_770], %swap3A_773 {strides = array<i32>} : memref<16384xi32, #tpu.memory_space<vmem>>, vector<16xi32>,
    }
    %scan3A_76 = arith.constant 32 : i32
    %scan3A_77 = arith.constant 0 : i32
    %scan3A_78 = arith.constant 32 : i32
    %scan3A_79 = arith.addi %scan3A_77, %scan3A_78 : i32
    %scan3A_80 = arith.constant 1 : i32
    scf.for %scan3A_749 = %scan3A_77 to %scan3A_79 step %scan3A_80  : i32 {
      %mul3A_750 = arith.constant 16 : i32
      %mul3A_751 = arith.muli %scan3A_749, %mul3A_750 : i32
      %add3A_752 = arith.constant 0 : i32
      %add3A_753 = arith.addi %add3A_752, %mul3A_751 : i32
      %add3A_754 = arith.constant 7680 : i32
      %add3A_755 = arith.addi %add3A_754, %add3A_753 : i32
      %get3A = arith.index_cast %add3A_753 : i32 to index
      %get3A_756 = tpu.vector_load %arg7[%get3A] {strides = array<i32>} : memref<512xi32, #tpu.memory_space<vmem>>, vector<16xi32>,
      %get3A_757 = vector.shape_cast %get3A_756 : vector<16xi32> to vector<16xi32>
      %add3A_758 = arith.constant 15000000 : i32
      %add3A_759 = vector.broadcast %add3A_758 : i32 to vector<16xi32>
      %add3A_760 = arith.addi %get3A_757, %add3A_759 : vector<16xi32>
      %swap3A = arith.index_cast %add3A_755 : i32 to index
      %swap3A_761 = tpu.vector_load %arg9[%swap3A] {strides = array<i32>} : memref<16384xi32, #tpu.memory_space<vmem>>, vector<16xi32>,
      %swap3A_762 = vector.shape_cast %swap3A_761 : vector<16xi32> to vector<16xi32>
      %swap3A_763 = vector.shape_cast %add3A_760 : vector<16xi32> to vector<16xi32>
      tpu.vector_store %arg9[%swap3A], %swap3A_763 {strides = array<i32>} : memref<16384xi32, #tpu.memory_space<vmem>>, vector<16xi32>,
      %get3A_764 = arith.index_cast %add3A_753 : i32 to index
      %get3A_765 = tpu.vector_load %arg8[%get3A_764] {strides = array<i32>} : memref<512xi32, #tpu.memory_space<vmem>>, vector<16xi32>,
      %get3A_766 = vector.shape_cast %get3A_765 : vector<16xi32> to vector<16xi32>
      %add3A_767 = arith.constant 15000000 : i32
      %add3A_768 = vector.broadcast %add3A_767 : i32 to vector<16xi32>
      %add3A_769 = arith.addi %get3A_766, %add3A_768 : vector<16xi32>
      %swap3A_770 = arith.index_cast %add3A_755 : i32 to index
      %swap3A_771 = tpu.vector_load %arg10[%swap3A_770] {strides = array<i32>} : memref<16384xi32, #tpu.memory_space<vmem>>, vector<16xi32>,
      %swap3A_772 = vector.shape_cast %swap3A_771 : vector<16xi32> to vector<16xi32>
      %swap3A_773 = vector.shape_cast %add3A_769 : vector<16xi32> to vector<16xi32>
      tpu.vector_store %arg10[%swap3A_770], %swap3A_773 {strides = array<i32>} : memref<16384xi32, #tpu.memory_space<vmem>>, vector<16xi32>,
    }
    %scan3A_81 = arith.constant 32 : i32
    %scan3A_82 = arith.constant 0 : i32
    %scan3A_83 = arith.constant 32 : i32
    %scan3A_84 = arith.addi %scan3A_82, %scan3A_83 : i32
    %scan3A_85 = arith.constant 1 : i32
    scf.for %scan3A_749 = %scan3A_82 to %scan3A_84 step %scan3A_85  : i32 {
      %mul3A_750 = arith.constant 16 : i32
      %mul3A_751 = arith.muli %scan3A_749, %mul3A_750 : i32
      %add3A_752 = arith.constant 0 : i32
      %add3A_753 = arith.addi %add3A_752, %mul3A_751 : i32
      %add3A_754 = arith.constant 8192 : i32
      %add3A_755 = arith.addi %add3A_754, %add3A_753 : i32
      %get3A = arith.index_cast %add3A_753 : i32 to index
      %get3A_756 = tpu.vector_load %arg7[%get3A] {strides = array<i32>} : memref<512xi32, #tpu.memory_space<vmem>>, vector<16xi32>,
      %get3A_757 = vector.shape_cast %get3A_756 : vector<16xi32> to vector<16xi32>
      %add3A_758 = arith.constant 16000000 : i32
      %add3A_759 = vector.broadcast %add3A_758 : i32 to vector<16xi32>
      %add3A_760 = arith.addi %get3A_757, %add3A_759 : vector<16xi32>
      %swap3A = arith.index_cast %add3A_755 : i32 to index
      %swap3A_761 = tpu.vector_load %arg9[%swap3A] {strides = array<i32>} : memref<16384xi32, #tpu.memory_space<vmem>>, vector<16xi32>,
      %swap3A_762 = vector.shape_cast %swap3A_761 : vector<16xi32> to vector<16xi32>
      %swap3A_763 = vector.shape_cast %add3A_760 : vector<16xi32> to vector<16xi32>
      tpu.vector_store %arg9[%swap3A], %swap3A_763 {strides = array<i32>} : memref<16384xi32, #tpu.memory_space<vmem>>, vector<16xi32>,
      %get3A_764 = arith.index_cast %add3A_753 : i32 to index
      %get3A_765 = tpu.vector_load %arg8[%get3A_764] {strides = array<i32>} : memref<512xi32, #tpu.memory_space<vmem>>, vector<16xi32>,
      %get3A_766 = vector.shape_cast %get3A_765 : vector<16xi32> to vector<16xi32>
      %add3A_767 = arith.constant 16000000 : i32
      %add3A_768 = vector.broadcast %add3A_767 : i32 to vector<16xi32>
      %add3A_769 = arith.addi %get3A_766, %add3A_768 : vector<16xi32>
      %swap3A_770 = arith.index_cast %add3A_755 : i32 to index
      %swap3A_771 = tpu.vector_load %arg10[%swap3A_770] {strides = array<i32>} : memref<16384xi32, #tpu.memory_space<vmem>>, vector<16xi32>,
      %swap3A_772 = vector.shape_cast %swap3A_771 : vector<16xi32> to vector<16xi32>
      %swap3A_773 = vector.shape_cast %add3A_769 : vector<16xi32> to vector<16xi32>
      tpu.vector_store %arg10[%swap3A_770], %swap3A_773 {strides = array<i32>} : memref<16384xi32, #tpu.memory_space<vmem>>, vector<16xi32>,
    }
    %scan3A_86 = arith.constant 32 : i32
    %scan3A_87 = arith.constant 0 : i32
    %scan3A_88 = arith.constant 32 : i32
    %scan3A_89 = arith.addi %scan3A_87, %scan3A_88 : i32
    %scan3A_90 = arith.constant 1 : i32
    scf.for %scan3A_749 = %scan3A_87 to %scan3A_89 step %scan3A_90  : i32 {
      %mul3A_750 = arith.constant 16 : i32
      %mul3A_751 = arith.muli %scan3A_749, %mul3A_750 : i32
      %add3A_752 = arith.constant 0 : i32
      %add3A_753 = arith.addi %add3A_752, %mul3A_751 : i32
      %add3A_754 = arith.constant 8704 : i32
      %add3A_755 = arith.addi %add3A_754, %add3A_753 : i32
      %get3A = arith.index_cast %add3A_753 : i32 to index
      %get3A_756 = tpu.vector_load %arg7[%get3A] {strides = array<i32>} : memref<512xi32, #tpu.memory_space<vmem>>, vector<16xi32>,
      %get3A_757 = vector.shape_cast %get3A_756 : vector<16xi32> to vector<16xi32>
      %add3A_758 = arith.constant 17000000 : i32
      %add3A_759 = vector.broadcast %add3A_758 : i32 to vector<16xi32>
      %add3A_760 = arith.addi %get3A_757, %add3A_759 : vector<16xi32>
      %swap3A = arith.index_cast %add3A_755 : i32 to index
      %swap3A_761 = tpu.vector_load %arg9[%swap3A] {strides = array<i32>} : memref<16384xi32, #tpu.memory_space<vmem>>, vector<16xi32>,
      %swap3A_762 = vector.shape_cast %swap3A_761 : vector<16xi32> to vector<16xi32>
      %swap3A_763 = vector.shape_cast %add3A_760 : vector<16xi32> to vector<16xi32>
      tpu.vector_store %arg9[%swap3A], %swap3A_763 {strides = array<i32>} : memref<16384xi32, #tpu.memory_space<vmem>>, vector<16xi32>,
      %get3A_764 = arith.index_cast %add3A_753 : i32 to index
      %get3A_765 = tpu.vector_load %arg8[%get3A_764] {strides = array<i32>} : memref<512xi32, #tpu.memory_space<vmem>>, vector<16xi32>,
      %get3A_766 = vector.shape_cast %get3A_765 : vector<16xi32> to vector<16xi32>
      %add3A_767 = arith.constant 17000000 : i32
      %add3A_768 = vector.broadcast %add3A_767 : i32 to vector<16xi32>
      %add3A_769 = arith.addi %get3A_766, %add3A_768 : vector<16xi32>
      %swap3A_770 = arith.index_cast %add3A_755 : i32 to index
      %swap3A_771 = tpu.vector_load %arg10[%swap3A_770] {strides = array<i32>} : memref<16384xi32, #tpu.memory_space<vmem>>, vector<16xi32>,
      %swap3A_772 = vector.shape_cast %swap3A_771 : vector<16xi32> to vector<16xi32>
      %swap3A_773 = vector.shape_cast %add3A_769 : vector<16xi32> to vector<16xi32>
      tpu.vector_store %arg10[%swap3A_770], %swap3A_773 {strides = array<i32>} : memref<16384xi32, #tpu.memory_space<vmem>>, vector<16xi32>,
    }
    %scan3A_91 = arith.constant 32 : i32
    %scan3A_92 = arith.constant 0 : i32
    %scan3A_93 = arith.constant 32 : i32
    %scan3A_94 = arith.addi %scan3A_92, %scan3A_93 : i32
    %scan3A_95 = arith.constant 1 : i32
    scf.for %scan3A_749 = %scan3A_92 to %scan3A_94 step %scan3A_95  : i32 {
      %mul3A_750 = arith.constant 16 : i32
      %mul3A_751 = arith.muli %scan3A_749, %mul3A_750 : i32
      %add3A_752 = arith.constant 0 : i32
      %add3A_753 = arith.addi %add3A_752, %mul3A_751 : i32
      %add3A_754 = arith.constant 9216 : i32
      %add3A_755 = arith.addi %add3A_754, %add3A_753 : i32
      %get3A = arith.index_cast %add3A_753 : i32 to index
      %get3A_756 = tpu.vector_load %arg7[%get3A] {strides = array<i32>} : memref<512xi32, #tpu.memory_space<vmem>>, vector<16xi32>,
      %get3A_757 = vector.shape_cast %get3A_756 : vector<16xi32> to vector<16xi32>
      %add3A_758 = arith.constant 18000000 : i32
      %add3A_759 = vector.broadcast %add3A_758 : i32 to vector<16xi32>
      %add3A_760 = arith.addi %get3A_757, %add3A_759 : vector<16xi32>
      %swap3A = arith.index_cast %add3A_755 : i32 to index
      %swap3A_761 = tpu.vector_load %arg9[%swap3A] {strides = array<i32>} : memref<16384xi32, #tpu.memory_space<vmem>>, vector<16xi32>,
      %swap3A_762 = vector.shape_cast %swap3A_761 : vector<16xi32> to vector<16xi32>
      %swap3A_763 = vector.shape_cast %add3A_760 : vector<16xi32> to vector<16xi32>
      tpu.vector_store %arg9[%swap3A], %swap3A_763 {strides = array<i32>} : memref<16384xi32, #tpu.memory_space<vmem>>, vector<16xi32>,
      %get3A_764 = arith.index_cast %add3A_753 : i32 to index
      %get3A_765 = tpu.vector_load %arg8[%get3A_764] {strides = array<i32>} : memref<512xi32, #tpu.memory_space<vmem>>, vector<16xi32>,
      %get3A_766 = vector.shape_cast %get3A_765 : vector<16xi32> to vector<16xi32>
      %add3A_767 = arith.constant 18000000 : i32
      %add3A_768 = vector.broadcast %add3A_767 : i32 to vector<16xi32>
      %add3A_769 = arith.addi %get3A_766, %add3A_768 : vector<16xi32>
      %swap3A_770 = arith.index_cast %add3A_755 : i32 to index
      %swap3A_771 = tpu.vector_load %arg10[%swap3A_770] {strides = array<i32>} : memref<16384xi32, #tpu.memory_space<vmem>>, vector<16xi32>,
      %swap3A_772 = vector.shape_cast %swap3A_771 : vector<16xi32> to vector<16xi32>
      %swap3A_773 = vector.shape_cast %add3A_769 : vector<16xi32> to vector<16xi32>
      tpu.vector_store %arg10[%swap3A_770], %swap3A_773 {strides = array<i32>} : memref<16384xi32, #tpu.memory_space<vmem>>, vector<16xi32>,
    }
    %scan3A_96 = arith.constant 32 : i32
    %scan3A_97 = arith.constant 0 : i32
    %scan3A_98 = arith.constant 32 : i32
    %scan3A_99 = arith.addi %scan3A_97, %scan3A_98 : i32
    %scan3A_100 = arith.constant 1 : i32
    scf.for %scan3A_749 = %scan3A_97 to %scan3A_99 step %scan3A_100  : i32 {
      %mul3A_750 = arith.constant 16 : i32
      %mul3A_751 = arith.muli %scan3A_749, %mul3A_750 : i32
      %add3A_752 = arith.constant 0 : i32
      %add3A_753 = arith.addi %add3A_752, %mul3A_751 : i32
      %add3A_754 = arith.constant 9728 : i32
      %add3A_755 = arith.addi %add3A_754, %add3A_753 : i32
      %get3A = arith.index_cast %add3A_753 : i32 to index
      %get3A_756 = tpu.vector_load %arg7[%get3A] {strides = array<i32>} : memref<512xi32, #tpu.memory_space<vmem>>, vector<16xi32>,
      %get3A_757 = vector.shape_cast %get3A_756 : vector<16xi32> to vector<16xi32>
      %add3A_758 = arith.constant 19000000 : i32
      %add3A_759 = vector.broadcast %add3A_758 : i32 to vector<16xi32>
      %add3A_760 = arith.addi %get3A_757, %add3A_759 : vector<16xi32>
      %swap3A = arith.index_cast %add3A_755 : i32 to index
      %swap3A_761 = tpu.vector_load %arg9[%swap3A] {strides = array<i32>} : memref<16384xi32, #tpu.memory_space<vmem>>, vector<16xi32>,
      %swap3A_762 = vector.shape_cast %swap3A_761 : vector<16xi32> to vector<16xi32>
      %swap3A_763 = vector.shape_cast %add3A_760 : vector<16xi32> to vector<16xi32>
      tpu.vector_store %arg9[%swap3A], %swap3A_763 {strides = array<i32>} : memref<16384xi32, #tpu.memory_space<vmem>>, vector<16xi32>,
      %get3A_764 = arith.index_cast %add3A_753 : i32 to index
      %get3A_765 = tpu.vector_load %arg8[%get3A_764] {strides = array<i32>} : memref<512xi32, #tpu.memory_space<vmem>>, vector<16xi32>,
      %get3A_766 = vector.shape_cast %get3A_765 : vector<16xi32> to vector<16xi32>
      %add3A_767 = arith.constant 19000000 : i32
      %add3A_768 = vector.broadcast %add3A_767 : i32 to vector<16xi32>
      %add3A_769 = arith.addi %get3A_766, %add3A_768 : vector<16xi32>
      %swap3A_770 = arith.index_cast %add3A_755 : i32 to index
      %swap3A_771 = tpu.vector_load %arg10[%swap3A_770] {strides = array<i32>} : memref<16384xi32, #tpu.memory_space<vmem>>, vector<16xi32>,
      %swap3A_772 = vector.shape_cast %swap3A_771 : vector<16xi32> to vector<16xi32>
      %swap3A_773 = vector.shape_cast %add3A_769 : vector<16xi32> to vector<16xi32>
      tpu.vector_store %arg10[%swap3A_770], %swap3A_773 {strides = array<i32>} : memref<16384xi32, #tpu.memory_space<vmem>>, vector<16xi32>,
    }
    %scan3A_101 = arith.constant 32 : i32
    %scan3A_102 = arith.constant 0 : i32
    %scan3A_103 = arith.constant 32 : i32
    %scan3A_104 = arith.addi %scan3A_102, %scan3A_103 : i32
    %scan3A_105 = arith.constant 1 : i32
    scf.for %scan3A_749 = %scan3A_102 to %scan3A_104 step %scan3A_105  : i32 {
      %mul3A_750 = arith.constant 16 : i32
      %mul3A_751 = arith.muli %scan3A_749, %mul3A_750 : i32
      %add3A_752 = arith.constant 0 : i32
      %add3A_753 = arith.addi %add3A_752, %mul3A_751 : i32
      %add3A_754 = arith.constant 10240 : i32
      %add3A_755 = arith.addi %add3A_754, %add3A_753 : i32
      %get3A = arith.index_cast %add3A_753 : i32 to index
      %get3A_756 = tpu.vector_load %arg7[%get3A] {strides = array<i32>} : memref<512xi32, #tpu.memory_space<vmem>>, vector<16xi32>,
      %get3A_757 = vector.shape_cast %get3A_756 : vector<16xi32> to vector<16xi32>
      %add3A_758 = arith.constant 20000000 : i32
      %add3A_759 = vector.broadcast %add3A_758 : i32 to vector<16xi32>
      %add3A_760 = arith.addi %get3A_757, %add3A_759 : vector<16xi32>
      %swap3A = arith.index_cast %add3A_755 : i32 to index
      %swap3A_761 = tpu.vector_load %arg9[%swap3A] {strides = array<i32>} : memref<16384xi32, #tpu.memory_space<vmem>>, vector<16xi32>,
      %swap3A_762 = vector.shape_cast %swap3A_761 : vector<16xi32> to vector<16xi32>
      %swap3A_763 = vector.shape_cast %add3A_760 : vector<16xi32> to vector<16xi32>
      tpu.vector_store %arg9[%swap3A], %swap3A_763 {strides = array<i32>} : memref<16384xi32, #tpu.memory_space<vmem>>, vector<16xi32>,
      %get3A_764 = arith.index_cast %add3A_753 : i32 to index
      %get3A_765 = tpu.vector_load %arg8[%get3A_764] {strides = array<i32>} : memref<512xi32, #tpu.memory_space<vmem>>, vector<16xi32>,
      %get3A_766 = vector.shape_cast %get3A_765 : vector<16xi32> to vector<16xi32>
      %add3A_767 = arith.constant 20000000 : i32
      %add3A_768 = vector.broadcast %add3A_767 : i32 to vector<16xi32>
      %add3A_769 = arith.addi %get3A_766, %add3A_768 : vector<16xi32>
      %swap3A_770 = arith.index_cast %add3A_755 : i32 to index
      %swap3A_771 = tpu.vector_load %arg10[%swap3A_770] {strides = array<i32>} : memref<16384xi32, #tpu.memory_space<vmem>>, vector<16xi32>,
      %swap3A_772 = vector.shape_cast %swap3A_771 : vector<16xi32> to vector<16xi32>
      %swap3A_773 = vector.shape_cast %add3A_769 : vector<16xi32> to vector<16xi32>
      tpu.vector_store %arg10[%swap3A_770], %swap3A_773 {strides = array<i32>} : memref<16384xi32, #tpu.memory_space<vmem>>, vector<16xi32>,
    }
    %scan3A_106 = arith.constant 32 : i32
    %scan3A_107 = arith.constant 0 : i32
    %scan3A_108 = arith.constant 32 : i32
    %scan3A_109 = arith.addi %scan3A_107, %scan3A_108 : i32
    %scan3A_110 = arith.constant 1 : i32
    scf.for %scan3A_749 = %scan3A_107 to %scan3A_109 step %scan3A_110  : i32 {
      %mul3A_750 = arith.constant 16 : i32
      %mul3A_751 = arith.muli %scan3A_749, %mul3A_750 : i32
      %add3A_752 = arith.constant 0 : i32
      %add3A_753 = arith.addi %add3A_752, %mul3A_751 : i32
      %add3A_754 = arith.constant 10752 : i32
      %add3A_755 = arith.addi %add3A_754, %add3A_753 : i32
      %get3A = arith.index_cast %add3A_753 : i32 to index
      %get3A_756 = tpu.vector_load %arg7[%get3A] {strides = array<i32>} : memref<512xi32, #tpu.memory_space<vmem>>, vector<16xi32>,
      %get3A_757 = vector.shape_cast %get3A_756 : vector<16xi32> to vector<16xi32>
      %add3A_758 = arith.constant 21000000 : i32
      %add3A_759 = vector.broadcast %add3A_758 : i32 to vector<16xi32>
      %add3A_760 = arith.addi %get3A_757, %add3A_759 : vector<16xi32>
      %swap3A = arith.index_cast %add3A_755 : i32 to index
      %swap3A_761 = tpu.vector_load %arg9[%swap3A] {strides = array<i32>} : memref<16384xi32, #tpu.memory_space<vmem>>, vector<16xi32>,
      %swap3A_762 = vector.shape_cast %swap3A_761 : vector<16xi32> to vector<16xi32>
      %swap3A_763 = vector.shape_cast %add3A_760 : vector<16xi32> to vector<16xi32>
      tpu.vector_store %arg9[%swap3A], %swap3A_763 {strides = array<i32>} : memref<16384xi32, #tpu.memory_space<vmem>>, vector<16xi32>,
      %get3A_764 = arith.index_cast %add3A_753 : i32 to index
      %get3A_765 = tpu.vector_load %arg8[%get3A_764] {strides = array<i32>} : memref<512xi32, #tpu.memory_space<vmem>>, vector<16xi32>,
      %get3A_766 = vector.shape_cast %get3A_765 : vector<16xi32> to vector<16xi32>
      %add3A_767 = arith.constant 21000000 : i32
      %add3A_768 = vector.broadcast %add3A_767 : i32 to vector<16xi32>
      %add3A_769 = arith.addi %get3A_766, %add3A_768 : vector<16xi32>
      %swap3A_770 = arith.index_cast %add3A_755 : i32 to index
      %swap3A_771 = tpu.vector_load %arg10[%swap3A_770] {strides = array<i32>} : memref<16384xi32, #tpu.memory_space<vmem>>, vector<16xi32>,
      %swap3A_772 = vector.shape_cast %swap3A_771 : vector<16xi32> to vector<16xi32>
      %swap3A_773 = vector.shape_cast %add3A_769 : vector<16xi32> to vector<16xi32>
      tpu.vector_store %arg10[%swap3A_770], %swap3A_773 {strides = array<i32>} : memref<16384xi32, #tpu.memory_space<vmem>>, vector<16xi32>,
    }
    %scan3A_111 = arith.constant 32 : i32
    %scan3A_112 = arith.constant 0 : i32
    %scan3A_113 = arith.constant 32 : i32
    %scan3A_114 = arith.addi %scan3A_112, %scan3A_113 : i32
    %scan3A_115 = arith.constant 1 : i32
    scf.for %scan3A_749 = %scan3A_112 to %scan3A_114 step %scan3A_115  : i32 {
      %mul3A_750 = arith.constant 16 : i32
      %mul3A_751 = arith.muli %scan3A_749, %mul3A_750 : i32
      %add3A_752 = arith.constant 0 : i32
      %add3A_753 = arith.addi %add3A_752, %mul3A_751 : i32
      %add3A_754 = arith.constant 11264 : i32
      %add3A_755 = arith.addi %add3A_754, %add3A_753 : i32
      %get3A = arith.index_cast %add3A_753 : i32 to index
      %get3A_756 = tpu.vector_load %arg7[%get3A] {strides = array<i32>} : memref<512xi32, #tpu.memory_space<vmem>>, vector<16xi32>,
      %get3A_757 = vector.shape_cast %get3A_756 : vector<16xi32> to vector<16xi32>
      %add3A_758 = arith.constant 22000000 : i32
      %add3A_759 = vector.broadcast %add3A_758 : i32 to vector<16xi32>
      %add3A_760 = arith.addi %get3A_757, %add3A_759 : vector<16xi32>
      %swap3A = arith.index_cast %add3A_755 : i32 to index
      %swap3A_761 = tpu.vector_load %arg9[%swap3A] {strides = array<i32>} : memref<16384xi32, #tpu.memory_space<vmem>>, vector<16xi32>,
      %swap3A_762 = vector.shape_cast %swap3A_761 : vector<16xi32> to vector<16xi32>
      %swap3A_763 = vector.shape_cast %add3A_760 : vector<16xi32> to vector<16xi32>
      tpu.vector_store %arg9[%swap3A], %swap3A_763 {strides = array<i32>} : memref<16384xi32, #tpu.memory_space<vmem>>, vector<16xi32>,
      %get3A_764 = arith.index_cast %add3A_753 : i32 to index
      %get3A_765 = tpu.vector_load %arg8[%get3A_764] {strides = array<i32>} : memref<512xi32, #tpu.memory_space<vmem>>, vector<16xi32>,
      %get3A_766 = vector.shape_cast %get3A_765 : vector<16xi32> to vector<16xi32>
      %add3A_767 = arith.constant 22000000 : i32
      %add3A_768 = vector.broadcast %add3A_767 : i32 to vector<16xi32>
      %add3A_769 = arith.addi %get3A_766, %add3A_768 : vector<16xi32>
      %swap3A_770 = arith.index_cast %add3A_755 : i32 to index
      %swap3A_771 = tpu.vector_load %arg10[%swap3A_770] {strides = array<i32>} : memref<16384xi32, #tpu.memory_space<vmem>>, vector<16xi32>,
      %swap3A_772 = vector.shape_cast %swap3A_771 : vector<16xi32> to vector<16xi32>
      %swap3A_773 = vector.shape_cast %add3A_769 : vector<16xi32> to vector<16xi32>
      tpu.vector_store %arg10[%swap3A_770], %swap3A_773 {strides = array<i32>} : memref<16384xi32, #tpu.memory_space<vmem>>, vector<16xi32>,
    }
    %scan3A_116 = arith.constant 32 : i32
    %scan3A_117 = arith.constant 0 : i32
    %scan3A_118 = arith.constant 32 : i32
    %scan3A_119 = arith.addi %scan3A_117, %scan3A_118 : i32
    %scan3A_120 = arith.constant 1 : i32
    scf.for %scan3A_749 = %scan3A_117 to %scan3A_119 step %scan3A_120  : i32 {
      %mul3A_750 = arith.constant 16 : i32
      %mul3A_751 = arith.muli %scan3A_749, %mul3A_750 : i32
      %add3A_752 = arith.constant 0 : i32
      %add3A_753 = arith.addi %add3A_752, %mul3A_751 : i32
      %add3A_754 = arith.constant 11776 : i32
      %add3A_755 = arith.addi %add3A_754, %add3A_753 : i32
      %get3A = arith.index_cast %add3A_753 : i32 to index
      %get3A_756 = tpu.vector_load %arg7[%get3A] {strides = array<i32>} : memref<512xi32, #tpu.memory_space<vmem>>, vector<16xi32>,
      %get3A_757 = vector.shape_cast %get3A_756 : vector<16xi32> to vector<16xi32>
      %add3A_758 = arith.constant 23000000 : i32
      %add3A_759 = vector.broadcast %add3A_758 : i32 to vector<16xi32>
      %add3A_760 = arith.addi %get3A_757, %add3A_759 : vector<16xi32>
      %swap3A = arith.index_cast %add3A_755 : i32 to index
      %swap3A_761 = tpu.vector_load %arg9[%swap3A] {strides = array<i32>} : memref<16384xi32, #tpu.memory_space<vmem>>, vector<16xi32>,
      %swap3A_762 = vector.shape_cast %swap3A_761 : vector<16xi32> to vector<16xi32>
      %swap3A_763 = vector.shape_cast %add3A_760 : vector<16xi32> to vector<16xi32>
      tpu.vector_store %arg9[%swap3A], %swap3A_763 {strides = array<i32>} : memref<16384xi32, #tpu.memory_space<vmem>>, vector<16xi32>,
      %get3A_764 = arith.index_cast %add3A_753 : i32 to index
      %get3A_765 = tpu.vector_load %arg8[%get3A_764] {strides = array<i32>} : memref<512xi32, #tpu.memory_space<vmem>>, vector<16xi32>,
      %get3A_766 = vector.shape_cast %get3A_765 : vector<16xi32> to vector<16xi32>
      %add3A_767 = arith.constant 23000000 : i32
      %add3A_768 = vector.broadcast %add3A_767 : i32 to vector<16xi32>
      %add3A_769 = arith.addi %get3A_766, %add3A_768 : vector<16xi32>
      %swap3A_770 = arith.index_cast %add3A_755 : i32 to index
      %swap3A_771 = tpu.vector_load %arg10[%swap3A_770] {strides = array<i32>} : memref<16384xi32, #tpu.memory_space<vmem>>, vector<16xi32>,
      %swap3A_772 = vector.shape_cast %swap3A_771 : vector<16xi32> to vector<16xi32>
      %swap3A_773 = vector.shape_cast %add3A_769 : vector<16xi32> to vector<16xi32>
      tpu.vector_store %arg10[%swap3A_770], %swap3A_773 {strides = array<i32>} : memref<16384xi32, #tpu.memory_space<vmem>>, vector<16xi32>,
    }
    %scan3A_121 = arith.constant 32 : i32
    %scan3A_122 = arith.constant 0 : i32
    %scan3A_123 = arith.constant 32 : i32
    %scan3A_124 = arith.addi %scan3A_122, %scan3A_123 : i32
    %scan3A_125 = arith.constant 1 : i32
    scf.for %scan3A_749 = %scan3A_122 to %scan3A_124 step %scan3A_125  : i32 {
      %mul3A_750 = arith.constant 16 : i32
      %mul3A_751 = arith.muli %scan3A_749, %mul3A_750 : i32
      %add3A_752 = arith.constant 0 : i32
      %add3A_753 = arith.addi %add3A_752, %mul3A_751 : i32
      %add3A_754 = arith.constant 12288 : i32
      %add3A_755 = arith.addi %add3A_754, %add3A_753 : i32
      %get3A = arith.index_cast %add3A_753 : i32 to index
      %get3A_756 = tpu.vector_load %arg7[%get3A] {strides = array<i32>} : memref<512xi32, #tpu.memory_space<vmem>>, vector<16xi32>,
      %get3A_757 = vector.shape_cast %get3A_756 : vector<16xi32> to vector<16xi32>
      %add3A_758 = arith.constant 24000000 : i32
      %add3A_759 = vector.broadcast %add3A_758 : i32 to vector<16xi32>
      %add3A_760 = arith.addi %get3A_757, %add3A_759 : vector<16xi32>
      %swap3A = arith.index_cast %add3A_755 : i32 to index
      %swap3A_761 = tpu.vector_load %arg9[%swap3A] {strides = array<i32>} : memref<16384xi32, #tpu.memory_space<vmem>>, vector<16xi32>,
      %swap3A_762 = vector.shape_cast %swap3A_761 : vector<16xi32> to vector<16xi32>
      %swap3A_763 = vector.shape_cast %add3A_760 : vector<16xi32> to vector<16xi32>
      tpu.vector_store %arg9[%swap3A], %swap3A_763 {strides = array<i32>} : memref<16384xi32, #tpu.memory_space<vmem>>, vector<16xi32>,
      %get3A_764 = arith.index_cast %add3A_753 : i32 to index
      %get3A_765 = tpu.vector_load %arg8[%get3A_764] {strides = array<i32>} : memref<512xi32, #tpu.memory_space<vmem>>, vector<16xi32>,
      %get3A_766 = vector.shape_cast %get3A_765 : vector<16xi32> to vector<16xi32>
      %add3A_767 = arith.constant 24000000 : i32
      %add3A_768 = vector.broadcast %add3A_767 : i32 to vector<16xi32>
      %add3A_769 = arith.addi %get3A_766, %add3A_768 : vector<16xi32>
      %swap3A_770 = arith.index_cast %add3A_755 : i32 to index
      %swap3A_771 = tpu.vector_load %arg10[%swap3A_770] {strides = array<i32>} : memref<16384xi32, #tpu.memory_space<vmem>>, vector<16xi32>,
      %swap3A_772 = vector.shape_cast %swap3A_771 : vector<16xi32> to vector<16xi32>
      %swap3A_773 = vector.shape_cast %add3A_769 : vector<16xi32> to vector<16xi32>
      tpu.vector_store %arg10[%swap3A_770], %swap3A_773 {strides = array<i32>} : memref<16384xi32, #tpu.memory_space<vmem>>, vector<16xi32>,
    }
    %scan3A_126 = arith.constant 32 : i32
    %scan3A_127 = arith.constant 0 : i32
    %scan3A_128 = arith.constant 32 : i32
    %scan3A_129 = arith.addi %scan3A_127, %scan3A_128 : i32
    %scan3A_130 = arith.constant 1 : i32
    scf.for %scan3A_749 = %scan3A_127 to %scan3A_129 step %scan3A_130  : i32 {
      %mul3A_750 = arith.constant 16 : i32
      %mul3A_751 = arith.muli %scan3A_749, %mul3A_750 : i32
      %add3A_752 = arith.constant 0 : i32
      %add3A_753 = arith.addi %add3A_752, %mul3A_751 : i32
      %add3A_754 = arith.constant 12800 : i32
      %add3A_755 = arith.addi %add3A_754, %add3A_753 : i32
      %get3A = arith.index_cast %add3A_753 : i32 to index
      %get3A_756 = tpu.vector_load %arg7[%get3A] {strides = array<i32>} : memref<512xi32, #tpu.memory_space<vmem>>, vector<16xi32>,
      %get3A_757 = vector.shape_cast %get3A_756 : vector<16xi32> to vector<16xi32>
      %add3A_758 = arith.constant 25000000 : i32
      %add3A_759 = vector.broadcast %add3A_758 : i32 to vector<16xi32>
      %add3A_760 = arith.addi %get3A_757, %add3A_759 : vector<16xi32>
      %swap3A = arith.index_cast %add3A_755 : i32 to index
      %swap3A_761 = tpu.vector_load %arg9[%swap3A] {strides = array<i32>} : memref<16384xi32, #tpu.memory_space<vmem>>, vector<16xi32>,
      %swap3A_762 = vector.shape_cast %swap3A_761 : vector<16xi32> to vector<16xi32>
      %swap3A_763 = vector.shape_cast %add3A_760 : vector<16xi32> to vector<16xi32>
      tpu.vector_store %arg9[%swap3A], %swap3A_763 {strides = array<i32>} : memref<16384xi32, #tpu.memory_space<vmem>>, vector<16xi32>,
      %get3A_764 = arith.index_cast %add3A_753 : i32 to index
      %get3A_765 = tpu.vector_load %arg8[%get3A_764] {strides = array<i32>} : memref<512xi32, #tpu.memory_space<vmem>>, vector<16xi32>,
      %get3A_766 = vector.shape_cast %get3A_765 : vector<16xi32> to vector<16xi32>
      %add3A_767 = arith.constant 25000000 : i32
      %add3A_768 = vector.broadcast %add3A_767 : i32 to vector<16xi32>
      %add3A_769 = arith.addi %get3A_766, %add3A_768 : vector<16xi32>
      %swap3A_770 = arith.index_cast %add3A_755 : i32 to index
      %swap3A_771 = tpu.vector_load %arg10[%swap3A_770] {strides = array<i32>} : memref<16384xi32, #tpu.memory_space<vmem>>, vector<16xi32>,
      %swap3A_772 = vector.shape_cast %swap3A_771 : vector<16xi32> to vector<16xi32>
      %swap3A_773 = vector.shape_cast %add3A_769 : vector<16xi32> to vector<16xi32>
      tpu.vector_store %arg10[%swap3A_770], %swap3A_773 {strides = array<i32>} : memref<16384xi32, #tpu.memory_space<vmem>>, vector<16xi32>,
    }
    %scan3A_131 = arith.constant 32 : i32
    %scan3A_132 = arith.constant 0 : i32
    %scan3A_133 = arith.constant 32 : i32
    %scan3A_134 = arith.addi %scan3A_132, %scan3A_133 : i32
    %scan3A_135 = arith.constant 1 : i32
    scf.for %scan3A_749 = %scan3A_132 to %scan3A_134 step %scan3A_135  : i32 {
      %mul3A_750 = arith.constant 16 : i32
      %mul3A_751 = arith.muli %scan3A_749, %mul3A_750 : i32
      %add3A_752 = arith.constant 0 : i32
      %add3A_753 = arith.addi %add3A_752, %mul3A_751 : i32
      %add3A_754 = arith.constant 13312 : i32
      %add3A_755 = arith.addi %add3A_754, %add3A_753 : i32
      %get3A = arith.index_cast %add3A_753 : i32 to index
      %get3A_756 = tpu.vector_load %arg7[%get3A] {strides = array<i32>} : memref<512xi32, #tpu.memory_space<vmem>>, vector<16xi32>,
      %get3A_757 = vector.shape_cast %get3A_756 : vector<16xi32> to vector<16xi32>
      %add3A_758 = arith.constant 26000000 : i32
      %add3A_759 = vector.broadcast %add3A_758 : i32 to vector<16xi32>
      %add3A_760 = arith.addi %get3A_757, %add3A_759 : vector<16xi32>
      %swap3A = arith.index_cast %add3A_755 : i32 to index
      %swap3A_761 = tpu.vector_load %arg9[%swap3A] {strides = array<i32>} : memref<16384xi32, #tpu.memory_space<vmem>>, vector<16xi32>,
      %swap3A_762 = vector.shape_cast %swap3A_761 : vector<16xi32> to vector<16xi32>
      %swap3A_763 = vector.shape_cast %add3A_760 : vector<16xi32> to vector<16xi32>
      tpu.vector_store %arg9[%swap3A], %swap3A_763 {strides = array<i32>} : memref<16384xi32, #tpu.memory_space<vmem>>, vector<16xi32>,
      %get3A_764 = arith.index_cast %add3A_753 : i32 to index
      %get3A_765 = tpu.vector_load %arg8[%get3A_764] {strides = array<i32>} : memref<512xi32, #tpu.memory_space<vmem>>, vector<16xi32>,
      %get3A_766 = vector.shape_cast %get3A_765 : vector<16xi32> to vector<16xi32>
      %add3A_767 = arith.constant 26000000 : i32
      %add3A_768 = vector.broadcast %add3A_767 : i32 to vector<16xi32>
      %add3A_769 = arith.addi %get3A_766, %add3A_768 : vector<16xi32>
      %swap3A_770 = arith.index_cast %add3A_755 : i32 to index
      %swap3A_771 = tpu.vector_load %arg10[%swap3A_770] {strides = array<i32>} : memref<16384xi32, #tpu.memory_space<vmem>>, vector<16xi32>,
      %swap3A_772 = vector.shape_cast %swap3A_771 : vector<16xi32> to vector<16xi32>
      %swap3A_773 = vector.shape_cast %add3A_769 : vector<16xi32> to vector<16xi32>
      tpu.vector_store %arg10[%swap3A_770], %swap3A_773 {strides = array<i32>} : memref<16384xi32, #tpu.memory_space<vmem>>, vector<16xi32>,
    }
    %scan3A_136 = arith.constant 32 : i32
    %scan3A_137 = arith.constant 0 : i32
    %scan3A_138 = arith.constant 32 : i32
    %scan3A_139 = arith.addi %scan3A_137, %scan3A_138 : i32
    %scan3A_140 = arith.constant 1 : i32
    scf.for %scan3A_749 = %scan3A_137 to %scan3A_139 step %scan3A_140  : i32 {
      %mul3A_750 = arith.constant 16 : i32
      %mul3A_751 = arith.muli %scan3A_749, %mul3A_750 : i32
      %add3A_752 = arith.constant 0 : i32
      %add3A_753 = arith.addi %add3A_752, %mul3A_751 : i32
      %add3A_754 = arith.constant 13824 : i32
      %add3A_755 = arith.addi %add3A_754, %add3A_753 : i32
      %get3A = arith.index_cast %add3A_753 : i32 to index
      %get3A_756 = tpu.vector_load %arg7[%get3A] {strides = array<i32>} : memref<512xi32, #tpu.memory_space<vmem>>, vector<16xi32>,
      %get3A_757 = vector.shape_cast %get3A_756 : vector<16xi32> to vector<16xi32>
      %add3A_758 = arith.constant 27000000 : i32
      %add3A_759 = vector.broadcast %add3A_758 : i32 to vector<16xi32>
      %add3A_760 = arith.addi %get3A_757, %add3A_759 : vector<16xi32>
      %swap3A = arith.index_cast %add3A_755 : i32 to index
      %swap3A_761 = tpu.vector_load %arg9[%swap3A] {strides = array<i32>} : memref<16384xi32, #tpu.memory_space<vmem>>, vector<16xi32>,
      %swap3A_762 = vector.shape_cast %swap3A_761 : vector<16xi32> to vector<16xi32>
      %swap3A_763 = vector.shape_cast %add3A_760 : vector<16xi32> to vector<16xi32>
      tpu.vector_store %arg9[%swap3A], %swap3A_763 {strides = array<i32>} : memref<16384xi32, #tpu.memory_space<vmem>>, vector<16xi32>,
      %get3A_764 = arith.index_cast %add3A_753 : i32 to index
      %get3A_765 = tpu.vector_load %arg8[%get3A_764] {strides = array<i32>} : memref<512xi32, #tpu.memory_space<vmem>>, vector<16xi32>,
      %get3A_766 = vector.shape_cast %get3A_765 : vector<16xi32> to vector<16xi32>
      %add3A_767 = arith.constant 27000000 : i32
      %add3A_768 = vector.broadcast %add3A_767 : i32 to vector<16xi32>
      %add3A_769 = arith.addi %get3A_766, %add3A_768 : vector<16xi32>
      %swap3A_770 = arith.index_cast %add3A_755 : i32 to index
      %swap3A_771 = tpu.vector_load %arg10[%swap3A_770] {strides = array<i32>} : memref<16384xi32, #tpu.memory_space<vmem>>, vector<16xi32>,
      %swap3A_772 = vector.shape_cast %swap3A_771 : vector<16xi32> to vector<16xi32>
      %swap3A_773 = vector.shape_cast %add3A_769 : vector<16xi32> to vector<16xi32>
      tpu.vector_store %arg10[%swap3A_770], %swap3A_773 {strides = array<i32>} : memref<16384xi32, #tpu.memory_space<vmem>>, vector<16xi32>,
    }
    %scan3A_141 = arith.constant 32 : i32
    %scan3A_142 = arith.constant 0 : i32
    %scan3A_143 = arith.constant 32 : i32
    %scan3A_144 = arith.addi %scan3A_142, %scan3A_143 : i32
    %scan3A_145 = arith.constant 1 : i32
    scf.for %scan3A_749 = %scan3A_142 to %scan3A_144 step %scan3A_145  : i32 {
      %mul3A_750 = arith.constant 16 : i32
      %mul3A_751 = arith.muli %scan3A_749, %mul3A_750 : i32
      %add3A_752 = arith.constant 0 : i32
      %add3A_753 = arith.addi %add3A_752, %mul3A_751 : i32
      %add3A_754 = arith.constant 14336 : i32
      %add3A_755 = arith.addi %add3A_754, %add3A_753 : i32
      %get3A = arith.index_cast %add3A_753 : i32 to index
      %get3A_756 = tpu.vector_load %arg7[%get3A] {strides = array<i32>} : memref<512xi32, #tpu.memory_space<vmem>>, vector<16xi32>,
      %get3A_757 = vector.shape_cast %get3A_756 : vector<16xi32> to vector<16xi32>
      %add3A_758 = arith.constant 28000000 : i32
      %add3A_759 = vector.broadcast %add3A_758 : i32 to vector<16xi32>
      %add3A_760 = arith.addi %get3A_757, %add3A_759 : vector<16xi32>
      %swap3A = arith.index_cast %add3A_755 : i32 to index
      %swap3A_761 = tpu.vector_load %arg9[%swap3A] {strides = array<i32>} : memref<16384xi32, #tpu.memory_space<vmem>>, vector<16xi32>,
      %swap3A_762 = vector.shape_cast %swap3A_761 : vector<16xi32> to vector<16xi32>
      %swap3A_763 = vector.shape_cast %add3A_760 : vector<16xi32> to vector<16xi32>
      tpu.vector_store %arg9[%swap3A], %swap3A_763 {strides = array<i32>} : memref<16384xi32, #tpu.memory_space<vmem>>, vector<16xi32>,
      %get3A_764 = arith.index_cast %add3A_753 : i32 to index
      %get3A_765 = tpu.vector_load %arg8[%get3A_764] {strides = array<i32>} : memref<512xi32, #tpu.memory_space<vmem>>, vector<16xi32>,
      %get3A_766 = vector.shape_cast %get3A_765 : vector<16xi32> to vector<16xi32>
      %add3A_767 = arith.constant 28000000 : i32
      %add3A_768 = vector.broadcast %add3A_767 : i32 to vector<16xi32>
      %add3A_769 = arith.addi %get3A_766, %add3A_768 : vector<16xi32>
      %swap3A_770 = arith.index_cast %add3A_755 : i32 to index
      %swap3A_771 = tpu.vector_load %arg10[%swap3A_770] {strides = array<i32>} : memref<16384xi32, #tpu.memory_space<vmem>>, vector<16xi32>,
      %swap3A_772 = vector.shape_cast %swap3A_771 : vector<16xi32> to vector<16xi32>
      %swap3A_773 = vector.shape_cast %add3A_769 : vector<16xi32> to vector<16xi32>
      tpu.vector_store %arg10[%swap3A_770], %swap3A_773 {strides = array<i32>} : memref<16384xi32, #tpu.memory_space<vmem>>, vector<16xi32>,
    }
    %scan3A_146 = arith.constant 32 : i32
    %scan3A_147 = arith.constant 0 : i32
    %scan3A_148 = arith.constant 32 : i32
    %scan3A_149 = arith.addi %scan3A_147, %scan3A_148 : i32
    %scan3A_150 = arith.constant 1 : i32
    scf.for %scan3A_749 = %scan3A_147 to %scan3A_149 step %scan3A_150  : i32 {
      %mul3A_750 = arith.constant 16 : i32
      %mul3A_751 = arith.muli %scan3A_749, %mul3A_750 : i32
      %add3A_752 = arith.constant 0 : i32
      %add3A_753 = arith.addi %add3A_752, %mul3A_751 : i32
      %add3A_754 = arith.constant 14848 : i32
      %add3A_755 = arith.addi %add3A_754, %add3A_753 : i32
      %get3A = arith.index_cast %add3A_753 : i32 to index
      %get3A_756 = tpu.vector_load %arg7[%get3A] {strides = array<i32>} : memref<512xi32, #tpu.memory_space<vmem>>, vector<16xi32>,
      %get3A_757 = vector.shape_cast %get3A_756 : vector<16xi32> to vector<16xi32>
      %add3A_758 = arith.constant 29000000 : i32
      %add3A_759 = vector.broadcast %add3A_758 : i32 to vector<16xi32>
      %add3A_760 = arith.addi %get3A_757, %add3A_759 : vector<16xi32>
      %swap3A = arith.index_cast %add3A_755 : i32 to index
      %swap3A_761 = tpu.vector_load %arg9[%swap3A] {strides = array<i32>} : memref<16384xi32, #tpu.memory_space<vmem>>, vector<16xi32>,
      %swap3A_762 = vector.shape_cast %swap3A_761 : vector<16xi32> to vector<16xi32>
      %swap3A_763 = vector.shape_cast %add3A_760 : vector<16xi32> to vector<16xi32>
      tpu.vector_store %arg9[%swap3A], %swap3A_763 {strides = array<i32>} : memref<16384xi32, #tpu.memory_space<vmem>>, vector<16xi32>,
      %get3A_764 = arith.index_cast %add3A_753 : i32 to index
      %get3A_765 = tpu.vector_load %arg8[%get3A_764] {strides = array<i32>} : memref<512xi32, #tpu.memory_space<vmem>>, vector<16xi32>,
      %get3A_766 = vector.shape_cast %get3A_765 : vector<16xi32> to vector<16xi32>
      %add3A_767 = arith.constant 29000000 : i32
      %add3A_768 = vector.broadcast %add3A_767 : i32 to vector<16xi32>
      %add3A_769 = arith.addi %get3A_766, %add3A_768 : vector<16xi32>
      %swap3A_770 = arith.index_cast %add3A_755 : i32 to index
      %swap3A_771 = tpu.vector_load %arg10[%swap3A_770] {strides = array<i32>} : memref<16384xi32, #tpu.memory_space<vmem>>, vector<16xi32>,
      %swap3A_772 = vector.shape_cast %swap3A_771 : vector<16xi32> to vector<16xi32>
      %swap3A_773 = vector.shape_cast %add3A_769 : vector<16xi32> to vector<16xi32>
      tpu.vector_store %arg10[%swap3A_770], %swap3A_773 {strides = array<i32>} : memref<16384xi32, #tpu.memory_space<vmem>>, vector<16xi32>,
    }
    %scan3A_151 = arith.constant 32 : i32
    %scan3A_152 = arith.constant 0 : i32
    %scan3A_153 = arith.constant 32 : i32
    %scan3A_154 = arith.addi %scan3A_152, %scan3A_153 : i32
    %scan3A_155 = arith.constant 1 : i32
    scf.for %scan3A_749 = %scan3A_152 to %scan3A_154 step %scan3A_155  : i32 {
      %mul3A_750 = arith.constant 16 : i32
      %mul3A_751 = arith.muli %scan3A_749, %mul3A_750 : i32
      %add3A_752 = arith.constant 0 : i32
      %add3A_753 = arith.addi %add3A_752, %mul3A_751 : i32
      %add3A_754 = arith.constant 15360 : i32
      %add3A_755 = arith.addi %add3A_754, %add3A_753 : i32
      %get3A = arith.index_cast %add3A_753 : i32 to index
      %get3A_756 = tpu.vector_load %arg7[%get3A] {strides = array<i32>} : memref<512xi32, #tpu.memory_space<vmem>>, vector<16xi32>,
      %get3A_757 = vector.shape_cast %get3A_756 : vector<16xi32> to vector<16xi32>
      %add3A_758 = arith.constant 30000000 : i32
      %add3A_759 = vector.broadcast %add3A_758 : i32 to vector<16xi32>
      %add3A_760 = arith.addi %get3A_757, %add3A_759 : vector<16xi32>
      %swap3A = arith.index_cast %add3A_755 : i32 to index
      %swap3A_761 = tpu.vector_load %arg9[%swap3A] {strides = array<i32>} : memref<16384xi32, #tpu.memory_space<vmem>>, vector<16xi32>,
      %swap3A_762 = vector.shape_cast %swap3A_761 : vector<16xi32> to vector<16xi32>
      %swap3A_763 = vector.shape_cast %add3A_760 : vector<16xi32> to vector<16xi32>
      tpu.vector_store %arg9[%swap3A], %swap3A_763 {strides = array<i32>} : memref<16384xi32, #tpu.memory_space<vmem>>, vector<16xi32>,
      %get3A_764 = arith.index_cast %add3A_753 : i32 to index
      %get3A_765 = tpu.vector_load %arg8[%get3A_764] {strides = array<i32>} : memref<512xi32, #tpu.memory_space<vmem>>, vector<16xi32>,
      %get3A_766 = vector.shape_cast %get3A_765 : vector<16xi32> to vector<16xi32>
      %add3A_767 = arith.constant 30000000 : i32
      %add3A_768 = vector.broadcast %add3A_767 : i32 to vector<16xi32>
      %add3A_769 = arith.addi %get3A_766, %add3A_768 : vector<16xi32>
      %swap3A_770 = arith.index_cast %add3A_755 : i32 to index
      %swap3A_771 = tpu.vector_load %arg10[%swap3A_770] {strides = array<i32>} : memref<16384xi32, #tpu.memory_space<vmem>>, vector<16xi32>,
      %swap3A_772 = vector.shape_cast %swap3A_771 : vector<16xi32> to vector<16xi32>
      %swap3A_773 = vector.shape_cast %add3A_769 : vector<16xi32> to vector<16xi32>
      tpu.vector_store %arg10[%swap3A_770], %swap3A_773 {strides = array<i32>} : memref<16384xi32, #tpu.memory_space<vmem>>, vector<16xi32>,
    }
    %scan3A_156 = arith.constant 32 : i32
    %scan3A_157 = arith.constant 0 : i32
    %scan3A_158 = arith.constant 32 : i32
    %scan3A_159 = arith.addi %scan3A_157, %scan3A_158 : i32
    %scan3A_160 = arith.constant 1 : i32
    scf.for %scan3A_749 = %scan3A_157 to %scan3A_159 step %scan3A_160  : i32 {
      %mul3A_750 = arith.constant 16 : i32
      %mul3A_751 = arith.muli %scan3A_749, %mul3A_750 : i32
      %add3A_752 = arith.constant 0 : i32
      %add3A_753 = arith.addi %add3A_752, %mul3A_751 : i32
      %add3A_754 = arith.constant 15872 : i32
      %add3A_755 = arith.addi %add3A_754, %add3A_753 : i32
      %get3A = arith.index_cast %add3A_753 : i32 to index
      %get3A_756 = tpu.vector_load %arg7[%get3A] {strides = array<i32>} : memref<512xi32, #tpu.memory_space<vmem>>, vector<16xi32>,
      %get3A_757 = vector.shape_cast %get3A_756 : vector<16xi32> to vector<16xi32>
      %add3A_758 = arith.constant 31000000 : i32
      %add3A_759 = vector.broadcast %add3A_758 : i32 to vector<16xi32>
      %add3A_760 = arith.addi %get3A_757, %add3A_759 : vector<16xi32>
      %swap3A = arith.index_cast %add3A_755 : i32 to index
      %swap3A_761 = tpu.vector_load %arg9[%swap3A] {strides = array<i32>} : memref<16384xi32, #tpu.memory_space<vmem>>, vector<16xi32>,
      %swap3A_762 = vector.shape_cast %swap3A_761 : vector<16xi32> to vector<16xi32>
      %swap3A_763 = vector.shape_cast %add3A_760 : vector<16xi32> to vector<16xi32>
      tpu.vector_store %arg9[%swap3A], %swap3A_763 {strides = array<i32>} : memref<16384xi32, #tpu.memory_space<vmem>>, vector<16xi32>,
      %get3A_764 = arith.index_cast %add3A_753 : i32 to index
      %get3A_765 = tpu.vector_load %arg8[%get3A_764] {strides = array<i32>} : memref<512xi32, #tpu.memory_space<vmem>>, vector<16xi32>,
      %get3A_766 = vector.shape_cast %get3A_765 : vector<16xi32> to vector<16xi32>
      %add3A_767 = arith.constant 31000000 : i32
      %add3A_768 = vector.broadcast %add3A_767 : i32 to vector<16xi32>
      %add3A_769 = arith.addi %get3A_766, %add3A_768 : vector<16xi32>
      %swap3A_770 = arith.index_cast %add3A_755 : i32 to index
      %swap3A_771 = tpu.vector_load %arg10[%swap3A_770] {strides = array<i32>} : memref<16384xi32, #tpu.memory_space<vmem>>, vector<16xi32>,
      %swap3A_772 = vector.shape_cast %swap3A_771 : vector<16xi32> to vector<16xi32>
      %swap3A_773 = vector.shape_cast %add3A_769 : vector<16xi32> to vector<16xi32>
      tpu.vector_store %arg10[%swap3A_770], %swap3A_773 {strides = array<i32>} : memref<16384xi32, #tpu.memory_space<vmem>>, vector<16xi32>,
    }
    %scan3A_161 = arith.constant 32 : i32
    %dma_start3A = arith.constant 0 : i32
    %dma_start3A_162 = tpu.memref_slice %arg4[%dma_start3A] : memref<32000000xf32, #tpu.memory_space<hbm>> -> memref<32000000xf32, #tpu.memory_space<hbm>>
    tpu.enqueue_indirect_dma source(%dma_start3A_162 : memref<32000000xf32, #tpu.memory_space<hbm>>) target(%arg11 : memref<16384xf32, #tpu.memory_space<vmem>>) offsets(%arg9 : memref<16384xi32, #tpu.memory_space<vmem>>) semaphore(%arg13 : memref<!tpu.dma_semaphore, #tpu.memory_space<semaphore_mem>>)
    %dma_start3A_163 = arith.constant 0 : i32
    %dma_start3A_164 = tpu.memref_slice %arg5[%dma_start3A_163] : memref<32000000xf32, #tpu.memory_space<hbm>> -> memref<32000000xf32, #tpu.memory_space<hbm>>
    tpu.enqueue_indirect_dma source(%dma_start3A_164 : memref<32000000xf32, #tpu.memory_space<hbm>>) target(%arg12 : memref<16384xf32, #tpu.memory_space<vmem>>) offsets(%arg10 : memref<16384xi32, #tpu.memory_space<vmem>>) semaphore(%arg14 : memref<!tpu.dma_semaphore, #tpu.memory_space<semaphore_mem>>)
    %dma_wait3A = arith.constant 0 : i32
    %dma_wait3A_165 = tpu.memref_slice %arg4[%dma_wait3A] : memref<32000000xf32, #tpu.memory_space<hbm>> -> memref<32000000xf32, #tpu.memory_space<hbm>>
    tpu.wait_indirect_dma semaphore(%arg13 : memref<!tpu.dma_semaphore, #tpu.memory_space<semaphore_mem>>) src(%dma_wait3A_165 : memref<32000000xf32, #tpu.memory_space<hbm>>) dst(%arg11 : memref<16384xf32, #tpu.memory_space<vmem>>)
    %dma_wait3A_166 = arith.constant 0 : i32
    %dma_wait3A_167 = tpu.memref_slice %arg5[%dma_wait3A_166] : memref<32000000xf32, #tpu.memory_space<hbm>> -> memref<32000000xf32, #tpu.memory_space<hbm>>
    tpu.wait_indirect_dma semaphore(%arg14 : memref<!tpu.dma_semaphore, #tpu.memory_space<semaphore_mem>>) src(%dma_wait3A_167 : memref<32000000xf32, #tpu.memory_space<hbm>>) dst(%arg12 : memref<16384xf32, #tpu.memory_space<vmem>>)
    %scan3A_168 = arith.constant 0 : i32
    %scan3A_169 = arith.constant 1024 : i32
    %scan3A_170 = arith.addi %scan3A_168, %scan3A_169 : i32
    %scan3A_171 = arith.constant 1 : i32
    scf.for %scan3A_749 = %scan3A_168 to %scan3A_170 step %scan3A_171  : i32 {
      %mul3A_750 = arith.constant 16 : i32
      %mul3A_751 = arith.muli %scan3A_749, %mul3A_750 : i32
      %add3A_752 = arith.constant 0 : i32
      %add3A_753 = arith.addi %add3A_752, %mul3A_751 : i32
      %get3A = arith.index_cast %add3A_753 : i32 to index
      %get3A_754 = tpu.vector_load %arg11[%get3A] {strides = array<i32>} : memref<16384xf32, #tpu.memory_space<vmem>>, vector<16xf32>,
      %get3A_755 = vector.shape_cast %get3A_754 : vector<16xf32> to vector<16xf32>
      %get3A_756 = arith.index_cast %add3A_753 : i32 to index
      %get3A_757 = tpu.vector_load %arg12[%get3A_756] {strides = array<i32>} : memref<16384xf32, #tpu.memory_space<vmem>>, vector<16xf32>,
      %get3A_758 = vector.shape_cast %get3A_757 : vector<16xf32> to vector<16xf32>
      %mul3A_759 = arith.mulf %get3A_755, %get3A_758 : vector<16xf32>
      %swap3A = arith.index_cast %add3A_753 : i32 to index
      %swap3A_760 = tpu.vector_load %arg11[%swap3A] {strides = array<i32>} : memref<16384xf32, #tpu.memory_space<vmem>>, vector<16xf32>,
      %swap3A_761 = vector.shape_cast %swap3A_760 : vector<16xf32> to vector<16xf32>
      %swap3A_762 = vector.shape_cast %mul3A_759 : vector<16xf32> to vector<16xf32>
      tpu.vector_store %arg11[%swap3A], %swap3A_762 {strides = array<i32>} : memref<16384xf32, #tpu.memory_space<vmem>>, vector<16xf32>,
    }
    %scan3A_172 = arith.constant 1024 : i32
    %dma_start3A_173 = arith.constant 0 : i32
    %dma_start3A_174 = arith.constant 0 : i32
    %dma_start3A_175 = tpu.memref_slice %arg11[%dma_start3A_174] : memref<16384xf32, #tpu.memory_space<vmem>> -> memref<512xf32, #tpu.memory_space<vmem>>
    %dma_start3A_176 = tpu.memref_slice %arg6[%dma_start3A_173, %mul3A_2] : memref<32x16384xf32, #tpu.memory_space<hbm>> -> memref<1x512xf32, #tpu.memory_space<hbm>>
    %dma_start3A_177 = tpu.memref_squeeze %dma_start3A_176 : memref<1x512xf32, #tpu.memory_space<hbm>> -> memref<512xf32, #tpu.memory_space<hbm>>
    %dma_start3A_178 = tpu.memref_slice %arg6[%dma_start3A_173, %mul3A_2] : memref<32x16384xf32, #tpu.memory_space<hbm>> -> memref<1x512xf32, #tpu.memory_space<hbm>>
    %dma_start3A_179 = tpu.memref_squeeze %dma_start3A_178 : memref<1x512xf32, #tpu.memory_space<hbm>> -> memref<512xf32, #tpu.memory_space<hbm>>
    %dma_start3A_180 = arith.constant 0 : i32
    %dma_start3A_181 = tpu.memref_slice %arg11[%dma_start3A_180] : memref<16384xf32, #tpu.memory_space<vmem>> -> memref<512xf32, #tpu.memory_space<vmem>>
    tpu.enqueue_dma source(%dma_start3A_181 : memref<512xf32, #tpu.memory_space<vmem>>) target(%dma_start3A_179 : memref<512xf32, #tpu.memory_space<hbm>>) target_semaphore(%arg15 : memref<!tpu.dma_semaphore, #tpu.memory_space<semaphore_mem>>)
    %dma_start3A_182 = arith.constant 1 : i32
    %dma_start3A_183 = arith.constant 512 : i32
    %dma_start3A_184 = tpu.memref_slice %arg11[%dma_start3A_183] : memref<16384xf32, #tpu.memory_space<vmem>> -> memref<512xf32, #tpu.memory_space<vmem>>
    %dma_start3A_185 = tpu.memref_slice %arg6[%dma_start3A_182, %mul3A_2] : memref<32x16384xf32, #tpu.memory_space<hbm>> -> memref<1x512xf32, #tpu.memory_space<hbm>>
    %dma_start3A_186 = tpu.memref_squeeze %dma_start3A_185 : memref<1x512xf32, #tpu.memory_space<hbm>> -> memref<512xf32, #tpu.memory_space<hbm>>
    %dma_start3A_187 = tpu.memref_slice %arg6[%dma_start3A_182, %mul3A_2] : memref<32x16384xf32, #tpu.memory_space<hbm>> -> memref<1x512xf32, #tpu.memory_space<hbm>>
    %dma_start3A_188 = tpu.memref_squeeze %dma_start3A_187 : memref<1x512xf32, #tpu.memory_space<hbm>> -> memref<512xf32, #tpu.memory_space<hbm>>
    %dma_start3A_189 = arith.constant 512 : i32
    %dma_start3A_190 = tpu.memref_slice %arg11[%dma_start3A_189] : memref<16384xf32, #tpu.memory_space<vmem>> -> memref<512xf32, #tpu.memory_space<vmem>>
    tpu.enqueue_dma source(%dma_start3A_190 : memref<512xf32, #tpu.memory_space<vmem>>) target(%dma_start3A_188 : memref<512xf32, #tpu.memory_space<hbm>>) target_semaphore(%arg15 : memref<!tpu.dma_semaphore, #tpu.memory_space<semaphore_mem>>)
    %dma_start3A_191 = arith.constant 2 : i32
    %dma_start3A_192 = arith.constant 1024 : i32
    %dma_start3A_193 = tpu.memref_slice %arg11[%dma_start3A_192] : memref<16384xf32, #tpu.memory_space<vmem>> -> memref<512xf32, #tpu.memory_space<vmem>>
    %dma_start3A_194 = tpu.memref_slice %arg6[%dma_start3A_191, %mul3A_2] : memref<32x16384xf32, #tpu.memory_space<hbm>> -> memref<1x512xf32, #tpu.memory_space<hbm>>
    %dma_start3A_195 = tpu.memref_squeeze %dma_start3A_194 : memref<1x512xf32, #tpu.memory_space<hbm>> -> memref<512xf32, #tpu.memory_space<hbm>>
    %dma_start3A_196 = tpu.memref_slice %arg6[%dma_start3A_191, %mul3A_2] : memref<32x16384xf32, #tpu.memory_space<hbm>> -> memref<1x512xf32, #tpu.memory_space<hbm>>
    %dma_start3A_197 = tpu.memref_squeeze %dma_start3A_196 : memref<1x512xf32, #tpu.memory_space<hbm>> -> memref<512xf32, #tpu.memory_space<hbm>>
    %dma_start3A_198 = arith.constant 1024 : i32
    %dma_start3A_199 = tpu.memref_slice %arg11[%dma_start3A_198] : memref<16384xf32, #tpu.memory_space<vmem>> -> memref<512xf32, #tpu.memory_space<vmem>>
    tpu.enqueue_dma source(%dma_start3A_199 : memref<512xf32, #tpu.memory_space<vmem>>) target(%dma_start3A_197 : memref<512xf32, #tpu.memory_space<hbm>>) target_semaphore(%arg15 : memref<!tpu.dma_semaphore, #tpu.memory_space<semaphore_mem>>)
    %dma_start3A_200 = arith.constant 3 : i32
    %dma_start3A_201 = arith.constant 1536 : i32
    %dma_start3A_202 = tpu.memref_slice %arg11[%dma_start3A_201] : memref<16384xf32, #tpu.memory_space<vmem>> -> memref<512xf32, #tpu.memory_space<vmem>>
    %dma_start3A_203 = tpu.memref_slice %arg6[%dma_start3A_200, %mul3A_2] : memref<32x16384xf32, #tpu.memory_space<hbm>> -> memref<1x512xf32, #tpu.memory_space<hbm>>
    %dma_start3A_204 = tpu.memref_squeeze %dma_start3A_203 : memref<1x512xf32, #tpu.memory_space<hbm>> -> memref<512xf32, #tpu.memory_space<hbm>>
    %dma_start3A_205 = tpu.memref_slice %arg6[%dma_start3A_200, %mul3A_2] : memref<32x16384xf32, #tpu.memory_space<hbm>> -> memref<1x512xf32, #tpu.memory_space<hbm>>
    %dma_start3A_206 = tpu.memref_squeeze %dma_start3A_205 : memref<1x512xf32, #tpu.memory_space<hbm>> -> memref<512xf32, #tpu.memory_space<hbm>>
    %dma_start3A_207 = arith.constant 1536 : i32
    %dma_start3A_208 = tpu.memref_slice %arg11[%dma_start3A_207] : memref<16384xf32, #tpu.memory_space<vmem>> -> memref<512xf32, #tpu.memory_space<vmem>>
    tpu.enqueue_dma source(%dma_start3A_208 : memref<512xf32, #tpu.memory_space<vmem>>) target(%dma_start3A_206 : memref<512xf32, #tpu.memory_space<hbm>>) target_semaphore(%arg15 : memref<!tpu.dma_semaphore, #tpu.memory_space<semaphore_mem>>)
    %dma_start3A_209 = arith.constant 4 : i32
    %dma_start3A_210 = arith.constant 2048 : i32
    %dma_start3A_211 = tpu.memref_slice %arg11[%dma_start3A_210] : memref<16384xf32, #tpu.memory_space<vmem>> -> memref<512xf32, #tpu.memory_space<vmem>>
    %dma_start3A_212 = tpu.memref_slice %arg6[%dma_start3A_209, %mul3A_2] : memref<32x16384xf32, #tpu.memory_space<hbm>> -> memref<1x512xf32, #tpu.memory_space<hbm>>
    %dma_start3A_213 = tpu.memref_squeeze %dma_start3A_212 : memref<1x512xf32, #tpu.memory_space<hbm>> -> memref<512xf32, #tpu.memory_space<hbm>>
    %dma_start3A_214 = tpu.memref_slice %arg6[%dma_start3A_209, %mul3A_2] : memref<32x16384xf32, #tpu.memory_space<hbm>> -> memref<1x512xf32, #tpu.memory_space<hbm>>
    %dma_start3A_215 = tpu.memref_squeeze %dma_start3A_214 : memref<1x512xf32, #tpu.memory_space<hbm>> -> memref<512xf32, #tpu.memory_space<hbm>>
    %dma_start3A_216 = arith.constant 2048 : i32
    %dma_start3A_217 = tpu.memref_slice %arg11[%dma_start3A_216] : memref<16384xf32, #tpu.memory_space<vmem>> -> memref<512xf32, #tpu.memory_space<vmem>>
    tpu.enqueue_dma source(%dma_start3A_217 : memref<512xf32, #tpu.memory_space<vmem>>) target(%dma_start3A_215 : memref<512xf32, #tpu.memory_space<hbm>>) target_semaphore(%arg15 : memref<!tpu.dma_semaphore, #tpu.memory_space<semaphore_mem>>)
    %dma_start3A_218 = arith.constant 5 : i32
    %dma_start3A_219 = arith.constant 2560 : i32
    %dma_start3A_220 = tpu.memref_slice %arg11[%dma_start3A_219] : memref<16384xf32, #tpu.memory_space<vmem>> -> memref<512xf32, #tpu.memory_space<vmem>>
    %dma_start3A_221 = tpu.memref_slice %arg6[%dma_start3A_218, %mul3A_2] : memref<32x16384xf32, #tpu.memory_space<hbm>> -> memref<1x512xf32, #tpu.memory_space<hbm>>
    %dma_start3A_222 = tpu.memref_squeeze %dma_start3A_221 : memref<1x512xf32, #tpu.memory_space<hbm>> -> memref<512xf32, #tpu.memory_space<hbm>>
    %dma_start3A_223 = tpu.memref_slice %arg6[%dma_start3A_218, %mul3A_2] : memref<32x16384xf32, #tpu.memory_space<hbm>> -> memref<1x512xf32, #tpu.memory_space<hbm>>
    %dma_start3A_224 = tpu.memref_squeeze %dma_start3A_223 : memref<1x512xf32, #tpu.memory_space<hbm>> -> memref<512xf32, #tpu.memory_space<hbm>>
    %dma_start3A_225 = arith.constant 2560 : i32
    %dma_start3A_226 = tpu.memref_slice %arg11[%dma_start3A_225] : memref<16384xf32, #tpu.memory_space<vmem>> -> memref<512xf32, #tpu.memory_space<vmem>>
    tpu.enqueue_dma source(%dma_start3A_226 : memref<512xf32, #tpu.memory_space<vmem>>) target(%dma_start3A_224 : memref<512xf32, #tpu.memory_space<hbm>>) target_semaphore(%arg15 : memref<!tpu.dma_semaphore, #tpu.memory_space<semaphore_mem>>)
    %dma_start3A_227 = arith.constant 6 : i32
    %dma_start3A_228 = arith.constant 3072 : i32
    %dma_start3A_229 = tpu.memref_slice %arg11[%dma_start3A_228] : memref<16384xf32, #tpu.memory_space<vmem>> -> memref<512xf32, #tpu.memory_space<vmem>>
    %dma_start3A_230 = tpu.memref_slice %arg6[%dma_start3A_227, %mul3A_2] : memref<32x16384xf32, #tpu.memory_space<hbm>> -> memref<1x512xf32, #tpu.memory_space<hbm>>
    %dma_start3A_231 = tpu.memref_squeeze %dma_start3A_230 : memref<1x512xf32, #tpu.memory_space<hbm>> -> memref<512xf32, #tpu.memory_space<hbm>>
    %dma_start3A_232 = tpu.memref_slice %arg6[%dma_start3A_227, %mul3A_2] : memref<32x16384xf32, #tpu.memory_space<hbm>> -> memref<1x512xf32, #tpu.memory_space<hbm>>
    %dma_start3A_233 = tpu.memref_squeeze %dma_start3A_232 : memref<1x512xf32, #tpu.memory_space<hbm>> -> memref<512xf32, #tpu.memory_space<hbm>>
    %dma_start3A_234 = arith.constant 3072 : i32
    %dma_start3A_235 = tpu.memref_slice %arg11[%dma_start3A_234] : memref<16384xf32, #tpu.memory_space<vmem>> -> memref<512xf32, #tpu.memory_space<vmem>>
    tpu.enqueue_dma source(%dma_start3A_235 : memref<512xf32, #tpu.memory_space<vmem>>) target(%dma_start3A_233 : memref<512xf32, #tpu.memory_space<hbm>>) target_semaphore(%arg15 : memref<!tpu.dma_semaphore, #tpu.memory_space<semaphore_mem>>)
    %dma_start3A_236 = arith.constant 7 : i32
    %dma_start3A_237 = arith.constant 3584 : i32
    %dma_start3A_238 = tpu.memref_slice %arg11[%dma_start3A_237] : memref<16384xf32, #tpu.memory_space<vmem>> -> memref<512xf32, #tpu.memory_space<vmem>>
    %dma_start3A_239 = tpu.memref_slice %arg6[%dma_start3A_236, %mul3A_2] : memref<32x16384xf32, #tpu.memory_space<hbm>> -> memref<1x512xf32, #tpu.memory_space<hbm>>
    %dma_start3A_240 = tpu.memref_squeeze %dma_start3A_239 : memref<1x512xf32, #tpu.memory_space<hbm>> -> memref<512xf32, #tpu.memory_space<hbm>>
    %dma_start3A_241 = tpu.memref_slice %arg6[%dma_start3A_236, %mul3A_2] : memref<32x16384xf32, #tpu.memory_space<hbm>> -> memref<1x512xf32, #tpu.memory_space<hbm>>
    %dma_start3A_242 = tpu.memref_squeeze %dma_start3A_241 : memref<1x512xf32, #tpu.memory_space<hbm>> -> memref<512xf32, #tpu.memory_space<hbm>>
    %dma_start3A_243 = arith.constant 3584 : i32
    %dma_start3A_244 = tpu.memref_slice %arg11[%dma_start3A_243] : memref<16384xf32, #tpu.memory_space<vmem>> -> memref<512xf32, #tpu.memory_space<vmem>>
    tpu.enqueue_dma source(%dma_start3A_244 : memref<512xf32, #tpu.memory_space<vmem>>) target(%dma_start3A_242 : memref<512xf32, #tpu.memory_space<hbm>>) target_semaphore(%arg15 : memref<!tpu.dma_semaphore, #tpu.memory_space<semaphore_mem>>)
    %dma_start3A_245 = arith.constant 8 : i32
    %dma_start3A_246 = arith.constant 4096 : i32
    %dma_start3A_247 = tpu.memref_slice %arg11[%dma_start3A_246] : memref<16384xf32, #tpu.memory_space<vmem>> -> memref<512xf32, #tpu.memory_space<vmem>>
    %dma_start3A_248 = tpu.memref_slice %arg6[%dma_start3A_245, %mul3A_2] : memref<32x16384xf32, #tpu.memory_space<hbm>> -> memref<1x512xf32, #tpu.memory_space<hbm>>
    %dma_start3A_249 = tpu.memref_squeeze %dma_start3A_248 : memref<1x512xf32, #tpu.memory_space<hbm>> -> memref<512xf32, #tpu.memory_space<hbm>>
    %dma_start3A_250 = tpu.memref_slice %arg6[%dma_start3A_245, %mul3A_2] : memref<32x16384xf32, #tpu.memory_space<hbm>> -> memref<1x512xf32, #tpu.memory_space<hbm>>
    %dma_start3A_251 = tpu.memref_squeeze %dma_start3A_250 : memref<1x512xf32, #tpu.memory_space<hbm>> -> memref<512xf32, #tpu.memory_space<hbm>>
    %dma_start3A_252 = arith.constant 4096 : i32
    %dma_start3A_253 = tpu.memref_slice %arg11[%dma_start3A_252] : memref<16384xf32, #tpu.memory_space<vmem>> -> memref<512xf32, #tpu.memory_space<vmem>>
    tpu.enqueue_dma source(%dma_start3A_253 : memref<512xf32, #tpu.memory_space<vmem>>) target(%dma_start3A_251 : memref<512xf32, #tpu.memory_space<hbm>>) target_semaphore(%arg15 : memref<!tpu.dma_semaphore, #tpu.memory_space<semaphore_mem>>)
    %dma_start3A_254 = arith.constant 9 : i32
    %dma_start3A_255 = arith.constant 4608 : i32
    %dma_start3A_256 = tpu.memref_slice %arg11[%dma_start3A_255] : memref<16384xf32, #tpu.memory_space<vmem>> -> memref<512xf32, #tpu.memory_space<vmem>>
    %dma_start3A_257 = tpu.memref_slice %arg6[%dma_start3A_254, %mul3A_2] : memref<32x16384xf32, #tpu.memory_space<hbm>> -> memref<1x512xf32, #tpu.memory_space<hbm>>
    %dma_start3A_258 = tpu.memref_squeeze %dma_start3A_257 : memref<1x512xf32, #tpu.memory_space<hbm>> -> memref<512xf32, #tpu.memory_space<hbm>>
    %dma_start3A_259 = tpu.memref_slice %arg6[%dma_start3A_254, %mul3A_2] : memref<32x16384xf32, #tpu.memory_space<hbm>> -> memref<1x512xf32, #tpu.memory_space<hbm>>
    %dma_start3A_260 = tpu.memref_squeeze %dma_start3A_259 : memref<1x512xf32, #tpu.memory_space<hbm>> -> memref<512xf32, #tpu.memory_space<hbm>>
    %dma_start3A_261 = arith.constant 4608 : i32
    %dma_start3A_262 = tpu.memref_slice %arg11[%dma_start3A_261] : memref<16384xf32, #tpu.memory_space<vmem>> -> memref<512xf32, #tpu.memory_space<vmem>>
    tpu.enqueue_dma source(%dma_start3A_262 : memref<512xf32, #tpu.memory_space<vmem>>) target(%dma_start3A_260 : memref<512xf32, #tpu.memory_space<hbm>>) target_semaphore(%arg15 : memref<!tpu.dma_semaphore, #tpu.memory_space<semaphore_mem>>)
    %dma_start3A_263 = arith.constant 10 : i32
    %dma_start3A_264 = arith.constant 5120 : i32
    %dma_start3A_265 = tpu.memref_slice %arg11[%dma_start3A_264] : memref<16384xf32, #tpu.memory_space<vmem>> -> memref<512xf32, #tpu.memory_space<vmem>>
    %dma_start3A_266 = tpu.memref_slice %arg6[%dma_start3A_263, %mul3A_2] : memref<32x16384xf32, #tpu.memory_space<hbm>> -> memref<1x512xf32, #tpu.memory_space<hbm>>
    %dma_start3A_267 = tpu.memref_squeeze %dma_start3A_266 : memref<1x512xf32, #tpu.memory_space<hbm>> -> memref<512xf32, #tpu.memory_space<hbm>>
    %dma_start3A_268 = tpu.memref_slice %arg6[%dma_start3A_263, %mul3A_2] : memref<32x16384xf32, #tpu.memory_space<hbm>> -> memref<1x512xf32, #tpu.memory_space<hbm>>
    %dma_start3A_269 = tpu.memref_squeeze %dma_start3A_268 : memref<1x512xf32, #tpu.memory_space<hbm>> -> memref<512xf32, #tpu.memory_space<hbm>>
    %dma_start3A_270 = arith.constant 5120 : i32
    %dma_start3A_271 = tpu.memref_slice %arg11[%dma_start3A_270] : memref<16384xf32, #tpu.memory_space<vmem>> -> memref<512xf32, #tpu.memory_space<vmem>>
    tpu.enqueue_dma source(%dma_start3A_271 : memref<512xf32, #tpu.memory_space<vmem>>) target(%dma_start3A_269 : memref<512xf32, #tpu.memory_space<hbm>>) target_semaphore(%arg15 : memref<!tpu.dma_semaphore, #tpu.memory_space<semaphore_mem>>)
    %dma_start3A_272 = arith.constant 11 : i32
    %dma_start3A_273 = arith.constant 5632 : i32
    %dma_start3A_274 = tpu.memref_slice %arg11[%dma_start3A_273] : memref<16384xf32, #tpu.memory_space<vmem>> -> memref<512xf32, #tpu.memory_space<vmem>>
    %dma_start3A_275 = tpu.memref_slice %arg6[%dma_start3A_272, %mul3A_2] : memref<32x16384xf32, #tpu.memory_space<hbm>> -> memref<1x512xf32, #tpu.memory_space<hbm>>
    %dma_start3A_276 = tpu.memref_squeeze %dma_start3A_275 : memref<1x512xf32, #tpu.memory_space<hbm>> -> memref<512xf32, #tpu.memory_space<hbm>>
    %dma_start3A_277 = tpu.memref_slice %arg6[%dma_start3A_272, %mul3A_2] : memref<32x16384xf32, #tpu.memory_space<hbm>> -> memref<1x512xf32, #tpu.memory_space<hbm>>
    %dma_start3A_278 = tpu.memref_squeeze %dma_start3A_277 : memref<1x512xf32, #tpu.memory_space<hbm>> -> memref<512xf32, #tpu.memory_space<hbm>>
    %dma_start3A_279 = arith.constant 5632 : i32
    %dma_start3A_280 = tpu.memref_slice %arg11[%dma_start3A_279] : memref<16384xf32, #tpu.memory_space<vmem>> -> memref<512xf32, #tpu.memory_space<vmem>>
    tpu.enqueue_dma source(%dma_start3A_280 : memref<512xf32, #tpu.memory_space<vmem>>) target(%dma_start3A_278 : memref<512xf32, #tpu.memory_space<hbm>>) target_semaphore(%arg15 : memref<!tpu.dma_semaphore, #tpu.memory_space<semaphore_mem>>)
    %dma_start3A_281 = arith.constant 12 : i32
    %dma_start3A_282 = arith.constant 6144 : i32
    %dma_start3A_283 = tpu.memref_slice %arg11[%dma_start3A_282] : memref<16384xf32, #tpu.memory_space<vmem>> -> memref<512xf32, #tpu.memory_space<vmem>>
    %dma_start3A_284 = tpu.memref_slice %arg6[%dma_start3A_281, %mul3A_2] : memref<32x16384xf32, #tpu.memory_space<hbm>> -> memref<1x512xf32, #tpu.memory_space<hbm>>
    %dma_start3A_285 = tpu.memref_squeeze %dma_start3A_284 : memref<1x512xf32, #tpu.memory_space<hbm>> -> memref<512xf32, #tpu.memory_space<hbm>>
    %dma_start3A_286 = tpu.memref_slice %arg6[%dma_start3A_281, %mul3A_2] : memref<32x16384xf32, #tpu.memory_space<hbm>> -> memref<1x512xf32, #tpu.memory_space<hbm>>
    %dma_start3A_287 = tpu.memref_squeeze %dma_start3A_286 : memref<1x512xf32, #tpu.memory_space<hbm>> -> memref<512xf32, #tpu.memory_space<hbm>>
    %dma_start3A_288 = arith.constant 6144 : i32
    %dma_start3A_289 = tpu.memref_slice %arg11[%dma_start3A_288] : memref<16384xf32, #tpu.memory_space<vmem>> -> memref<512xf32, #tpu.memory_space<vmem>>
    tpu.enqueue_dma source(%dma_start3A_289 : memref<512xf32, #tpu.memory_space<vmem>>) target(%dma_start3A_287 : memref<512xf32, #tpu.memory_space<hbm>>) target_semaphore(%arg15 : memref<!tpu.dma_semaphore, #tpu.memory_space<semaphore_mem>>)
    %dma_start3A_290 = arith.constant 13 : i32
    %dma_start3A_291 = arith.constant 6656 : i32
    %dma_start3A_292 = tpu.memref_slice %arg11[%dma_start3A_291] : memref<16384xf32, #tpu.memory_space<vmem>> -> memref<512xf32, #tpu.memory_space<vmem>>
    %dma_start3A_293 = tpu.memref_slice %arg6[%dma_start3A_290, %mul3A_2] : memref<32x16384xf32, #tpu.memory_space<hbm>> -> memref<1x512xf32, #tpu.memory_space<hbm>>
    %dma_start3A_294 = tpu.memref_squeeze %dma_start3A_293 : memref<1x512xf32, #tpu.memory_space<hbm>> -> memref<512xf32, #tpu.memory_space<hbm>>
    %dma_start3A_295 = tpu.memref_slice %arg6[%dma_start3A_290, %mul3A_2] : memref<32x16384xf32, #tpu.memory_space<hbm>> -> memref<1x512xf32, #tpu.memory_space<hbm>>
    %dma_start3A_296 = tpu.memref_squeeze %dma_start3A_295 : memref<1x512xf32, #tpu.memory_space<hbm>> -> memref<512xf32, #tpu.memory_space<hbm>>
    %dma_start3A_297 = arith.constant 6656 : i32
    %dma_start3A_298 = tpu.memref_slice %arg11[%dma_start3A_297] : memref<16384xf32, #tpu.memory_space<vmem>> -> memref<512xf32, #tpu.memory_space<vmem>>
    tpu.enqueue_dma source(%dma_start3A_298 : memref<512xf32, #tpu.memory_space<vmem>>) target(%dma_start3A_296 : memref<512xf32, #tpu.memory_space<hbm>>) target_semaphore(%arg15 : memref<!tpu.dma_semaphore, #tpu.memory_space<semaphore_mem>>)
    %dma_start3A_299 = arith.constant 14 : i32
    %dma_start3A_300 = arith.constant 7168 : i32
    %dma_start3A_301 = tpu.memref_slice %arg11[%dma_start3A_300] : memref<16384xf32, #tpu.memory_space<vmem>> -> memref<512xf32, #tpu.memory_space<vmem>>
    %dma_start3A_302 = tpu.memref_slice %arg6[%dma_start3A_299, %mul3A_2] : memref<32x16384xf32, #tpu.memory_space<hbm>> -> memref<1x512xf32, #tpu.memory_space<hbm>>
    %dma_start3A_303 = tpu.memref_squeeze %dma_start3A_302 : memref<1x512xf32, #tpu.memory_space<hbm>> -> memref<512xf32, #tpu.memory_space<hbm>>
    %dma_start3A_304 = tpu.memref_slice %arg6[%dma_start3A_299, %mul3A_2] : memref<32x16384xf32, #tpu.memory_space<hbm>> -> memref<1x512xf32, #tpu.memory_space<hbm>>
    %dma_start3A_305 = tpu.memref_squeeze %dma_start3A_304 : memref<1x512xf32, #tpu.memory_space<hbm>> -> memref<512xf32, #tpu.memory_space<hbm>>
    %dma_start3A_306 = arith.constant 7168 : i32
    %dma_start3A_307 = tpu.memref_slice %arg11[%dma_start3A_306] : memref<16384xf32, #tpu.memory_space<vmem>> -> memref<512xf32, #tpu.memory_space<vmem>>
    tpu.enqueue_dma source(%dma_start3A_307 : memref<512xf32, #tpu.memory_space<vmem>>) target(%dma_start3A_305 : memref<512xf32, #tpu.memory_space<hbm>>) target_semaphore(%arg15 : memref<!tpu.dma_semaphore, #tpu.memory_space<semaphore_mem>>)
    %dma_start3A_308 = arith.constant 15 : i32
    %dma_start3A_309 = arith.constant 7680 : i32
    %dma_start3A_310 = tpu.memref_slice %arg11[%dma_start3A_309] : memref<16384xf32, #tpu.memory_space<vmem>> -> memref<512xf32, #tpu.memory_space<vmem>>
    %dma_start3A_311 = tpu.memref_slice %arg6[%dma_start3A_308, %mul3A_2] : memref<32x16384xf32, #tpu.memory_space<hbm>> -> memref<1x512xf32, #tpu.memory_space<hbm>>
    %dma_start3A_312 = tpu.memref_squeeze %dma_start3A_311 : memref<1x512xf32, #tpu.memory_space<hbm>> -> memref<512xf32, #tpu.memory_space<hbm>>
    %dma_start3A_313 = tpu.memref_slice %arg6[%dma_start3A_308, %mul3A_2] : memref<32x16384xf32, #tpu.memory_space<hbm>> -> memref<1x512xf32, #tpu.memory_space<hbm>>
    %dma_start3A_314 = tpu.memref_squeeze %dma_start3A_313 : memref<1x512xf32, #tpu.memory_space<hbm>> -> memref<512xf32, #tpu.memory_space<hbm>>
    %dma_start3A_315 = arith.constant 7680 : i32
    %dma_start3A_316 = tpu.memref_slice %arg11[%dma_start3A_315] : memref<16384xf32, #tpu.memory_space<vmem>> -> memref<512xf32, #tpu.memory_space<vmem>>
    tpu.enqueue_dma source(%dma_start3A_316 : memref<512xf32, #tpu.memory_space<vmem>>) target(%dma_start3A_314 : memref<512xf32, #tpu.memory_space<hbm>>) target_semaphore(%arg15 : memref<!tpu.dma_semaphore, #tpu.memory_space<semaphore_mem>>)
    %dma_start3A_317 = arith.constant 16 : i32
    %dma_start3A_318 = arith.constant 8192 : i32
    %dma_start3A_319 = tpu.memref_slice %arg11[%dma_start3A_318] : memref<16384xf32, #tpu.memory_space<vmem>> -> memref<512xf32, #tpu.memory_space<vmem>>
    %dma_start3A_320 = tpu.memref_slice %arg6[%dma_start3A_317, %mul3A_2] : memref<32x16384xf32, #tpu.memory_space<hbm>> -> memref<1x512xf32, #tpu.memory_space<hbm>>
    %dma_start3A_321 = tpu.memref_squeeze %dma_start3A_320 : memref<1x512xf32, #tpu.memory_space<hbm>> -> memref<512xf32, #tpu.memory_space<hbm>>
    %dma_start3A_322 = tpu.memref_slice %arg6[%dma_start3A_317, %mul3A_2] : memref<32x16384xf32, #tpu.memory_space<hbm>> -> memref<1x512xf32, #tpu.memory_space<hbm>>
    %dma_start3A_323 = tpu.memref_squeeze %dma_start3A_322 : memref<1x512xf32, #tpu.memory_space<hbm>> -> memref<512xf32, #tpu.memory_space<hbm>>
    %dma_start3A_324 = arith.constant 8192 : i32
    %dma_start3A_325 = tpu.memref_slice %arg11[%dma_start3A_324] : memref<16384xf32, #tpu.memory_space<vmem>> -> memref<512xf32, #tpu.memory_space<vmem>>
    tpu.enqueue_dma source(%dma_start3A_325 : memref<512xf32, #tpu.memory_space<vmem>>) target(%dma_start3A_323 : memref<512xf32, #tpu.memory_space<hbm>>) target_semaphore(%arg15 : memref<!tpu.dma_semaphore, #tpu.memory_space<semaphore_mem>>)
    %dma_start3A_326 = arith.constant 17 : i32
    %dma_start3A_327 = arith.constant 8704 : i32
    %dma_start3A_328 = tpu.memref_slice %arg11[%dma_start3A_327] : memref<16384xf32, #tpu.memory_space<vmem>> -> memref<512xf32, #tpu.memory_space<vmem>>
    %dma_start3A_329 = tpu.memref_slice %arg6[%dma_start3A_326, %mul3A_2] : memref<32x16384xf32, #tpu.memory_space<hbm>> -> memref<1x512xf32, #tpu.memory_space<hbm>>
    %dma_start3A_330 = tpu.memref_squeeze %dma_start3A_329 : memref<1x512xf32, #tpu.memory_space<hbm>> -> memref<512xf32, #tpu.memory_space<hbm>>
    %dma_start3A_331 = tpu.memref_slice %arg6[%dma_start3A_326, %mul3A_2] : memref<32x16384xf32, #tpu.memory_space<hbm>> -> memref<1x512xf32, #tpu.memory_space<hbm>>
    %dma_start3A_332 = tpu.memref_squeeze %dma_start3A_331 : memref<1x512xf32, #tpu.memory_space<hbm>> -> memref<512xf32, #tpu.memory_space<hbm>>
    %dma_start3A_333 = arith.constant 8704 : i32
    %dma_start3A_334 = tpu.memref_slice %arg11[%dma_start3A_333] : memref<16384xf32, #tpu.memory_space<vmem>> -> memref<512xf32, #tpu.memory_space<vmem>>
    tpu.enqueue_dma source(%dma_start3A_334 : memref<512xf32, #tpu.memory_space<vmem>>) target(%dma_start3A_332 : memref<512xf32, #tpu.memory_space<hbm>>) target_semaphore(%arg15 : memref<!tpu.dma_semaphore, #tpu.memory_space<semaphore_mem>>)
    %dma_start3A_335 = arith.constant 18 : i32
    %dma_start3A_336 = arith.constant 9216 : i32
    %dma_start3A_337 = tpu.memref_slice %arg11[%dma_start3A_336] : memref<16384xf32, #tpu.memory_space<vmem>> -> memref<512xf32, #tpu.memory_space<vmem>>
    %dma_start3A_338 = tpu.memref_slice %arg6[%dma_start3A_335, %mul3A_2] : memref<32x16384xf32, #tpu.memory_space<hbm>> -> memref<1x512xf32, #tpu.memory_space<hbm>>
    %dma_start3A_339 = tpu.memref_squeeze %dma_start3A_338 : memref<1x512xf32, #tpu.memory_space<hbm>> -> memref<512xf32, #tpu.memory_space<hbm>>
    %dma_start3A_340 = tpu.memref_slice %arg6[%dma_start3A_335, %mul3A_2] : memref<32x16384xf32, #tpu.memory_space<hbm>> -> memref<1x512xf32, #tpu.memory_space<hbm>>
    %dma_start3A_341 = tpu.memref_squeeze %dma_start3A_340 : memref<1x512xf32, #tpu.memory_space<hbm>> -> memref<512xf32, #tpu.memory_space<hbm>>
    %dma_start3A_342 = arith.constant 9216 : i32
    %dma_start3A_343 = tpu.memref_slice %arg11[%dma_start3A_342] : memref<16384xf32, #tpu.memory_space<vmem>> -> memref<512xf32, #tpu.memory_space<vmem>>
    tpu.enqueue_dma source(%dma_start3A_343 : memref<512xf32, #tpu.memory_space<vmem>>) target(%dma_start3A_341 : memref<512xf32, #tpu.memory_space<hbm>>) target_semaphore(%arg15 : memref<!tpu.dma_semaphore, #tpu.memory_space<semaphore_mem>>)
    %dma_start3A_344 = arith.constant 19 : i32
    %dma_start3A_345 = arith.constant 9728 : i32
    %dma_start3A_346 = tpu.memref_slice %arg11[%dma_start3A_345] : memref<16384xf32, #tpu.memory_space<vmem>> -> memref<512xf32, #tpu.memory_space<vmem>>
    %dma_start3A_347 = tpu.memref_slice %arg6[%dma_start3A_344, %mul3A_2] : memref<32x16384xf32, #tpu.memory_space<hbm>> -> memref<1x512xf32, #tpu.memory_space<hbm>>
    %dma_start3A_348 = tpu.memref_squeeze %dma_start3A_347 : memref<1x512xf32, #tpu.memory_space<hbm>> -> memref<512xf32, #tpu.memory_space<hbm>>
    %dma_start3A_349 = tpu.memref_slice %arg6[%dma_start3A_344, %mul3A_2] : memref<32x16384xf32, #tpu.memory_space<hbm>> -> memref<1x512xf32, #tpu.memory_space<hbm>>
    %dma_start3A_350 = tpu.memref_squeeze %dma_start3A_349 : memref<1x512xf32, #tpu.memory_space<hbm>> -> memref<512xf32, #tpu.memory_space<hbm>>
    %dma_start3A_351 = arith.constant 9728 : i32
    %dma_start3A_352 = tpu.memref_slice %arg11[%dma_start3A_351] : memref<16384xf32, #tpu.memory_space<vmem>> -> memref<512xf32, #tpu.memory_space<vmem>>
    tpu.enqueue_dma source(%dma_start3A_352 : memref<512xf32, #tpu.memory_space<vmem>>) target(%dma_start3A_350 : memref<512xf32, #tpu.memory_space<hbm>>) target_semaphore(%arg15 : memref<!tpu.dma_semaphore, #tpu.memory_space<semaphore_mem>>)
    %dma_start3A_353 = arith.constant 20 : i32
    %dma_start3A_354 = arith.constant 10240 : i32
    %dma_start3A_355 = tpu.memref_slice %arg11[%dma_start3A_354] : memref<16384xf32, #tpu.memory_space<vmem>> -> memref<512xf32, #tpu.memory_space<vmem>>
    %dma_start3A_356 = tpu.memref_slice %arg6[%dma_start3A_353, %mul3A_2] : memref<32x16384xf32, #tpu.memory_space<hbm>> -> memref<1x512xf32, #tpu.memory_space<hbm>>
    %dma_start3A_357 = tpu.memref_squeeze %dma_start3A_356 : memref<1x512xf32, #tpu.memory_space<hbm>> -> memref<512xf32, #tpu.memory_space<hbm>>
    %dma_start3A_358 = tpu.memref_slice %arg6[%dma_start3A_353, %mul3A_2] : memref<32x16384xf32, #tpu.memory_space<hbm>> -> memref<1x512xf32, #tpu.memory_space<hbm>>
    %dma_start3A_359 = tpu.memref_squeeze %dma_start3A_358 : memref<1x512xf32, #tpu.memory_space<hbm>> -> memref<512xf32, #tpu.memory_space<hbm>>
    %dma_start3A_360 = arith.constant 10240 : i32
    %dma_start3A_361 = tpu.memref_slice %arg11[%dma_start3A_360] : memref<16384xf32, #tpu.memory_space<vmem>> -> memref<512xf32, #tpu.memory_space<vmem>>
    tpu.enqueue_dma source(%dma_start3A_361 : memref<512xf32, #tpu.memory_space<vmem>>) target(%dma_start3A_359 : memref<512xf32, #tpu.memory_space<hbm>>) target_semaphore(%arg15 : memref<!tpu.dma_semaphore, #tpu.memory_space<semaphore_mem>>)
    %dma_start3A_362 = arith.constant 21 : i32
    %dma_start3A_363 = arith.constant 10752 : i32
    %dma_start3A_364 = tpu.memref_slice %arg11[%dma_start3A_363] : memref<16384xf32, #tpu.memory_space<vmem>> -> memref<512xf32, #tpu.memory_space<vmem>>
    %dma_start3A_365 = tpu.memref_slice %arg6[%dma_start3A_362, %mul3A_2] : memref<32x16384xf32, #tpu.memory_space<hbm>> -> memref<1x512xf32, #tpu.memory_space<hbm>>
    %dma_start3A_366 = tpu.memref_squeeze %dma_start3A_365 : memref<1x512xf32, #tpu.memory_space<hbm>> -> memref<512xf32, #tpu.memory_space<hbm>>
    %dma_start3A_367 = tpu.memref_slice %arg6[%dma_start3A_362, %mul3A_2] : memref<32x16384xf32, #tpu.memory_space<hbm>> -> memref<1x512xf32, #tpu.memory_space<hbm>>
    %dma_start3A_368 = tpu.memref_squeeze %dma_start3A_367 : memref<1x512xf32, #tpu.memory_space<hbm>> -> memref<512xf32, #tpu.memory_space<hbm>>
    %dma_start3A_369 = arith.constant 10752 : i32
    %dma_start3A_370 = tpu.memref_slice %arg11[%dma_start3A_369] : memref<16384xf32, #tpu.memory_space<vmem>> -> memref<512xf32, #tpu.memory_space<vmem>>
    tpu.enqueue_dma source(%dma_start3A_370 : memref<512xf32, #tpu.memory_space<vmem>>) target(%dma_start3A_368 : memref<512xf32, #tpu.memory_space<hbm>>) target_semaphore(%arg15 : memref<!tpu.dma_semaphore, #tpu.memory_space<semaphore_mem>>)
    %dma_start3A_371 = arith.constant 22 : i32
    %dma_start3A_372 = arith.constant 11264 : i32
    %dma_start3A_373 = tpu.memref_slice %arg11[%dma_start3A_372] : memref<16384xf32, #tpu.memory_space<vmem>> -> memref<512xf32, #tpu.memory_space<vmem>>
    %dma_start3A_374 = tpu.memref_slice %arg6[%dma_start3A_371, %mul3A_2] : memref<32x16384xf32, #tpu.memory_space<hbm>> -> memref<1x512xf32, #tpu.memory_space<hbm>>
    %dma_start3A_375 = tpu.memref_squeeze %dma_start3A_374 : memref<1x512xf32, #tpu.memory_space<hbm>> -> memref<512xf32, #tpu.memory_space<hbm>>
    %dma_start3A_376 = tpu.memref_slice %arg6[%dma_start3A_371, %mul3A_2] : memref<32x16384xf32, #tpu.memory_space<hbm>> -> memref<1x512xf32, #tpu.memory_space<hbm>>
    %dma_start3A_377 = tpu.memref_squeeze %dma_start3A_376 : memref<1x512xf32, #tpu.memory_space<hbm>> -> memref<512xf32, #tpu.memory_space<hbm>>
    %dma_start3A_378 = arith.constant 11264 : i32
    %dma_start3A_379 = tpu.memref_slice %arg11[%dma_start3A_378] : memref<16384xf32, #tpu.memory_space<vmem>> -> memref<512xf32, #tpu.memory_space<vmem>>
    tpu.enqueue_dma source(%dma_start3A_379 : memref<512xf32, #tpu.memory_space<vmem>>) target(%dma_start3A_377 : memref<512xf32, #tpu.memory_space<hbm>>) target_semaphore(%arg15 : memref<!tpu.dma_semaphore, #tpu.memory_space<semaphore_mem>>)
    %dma_start3A_380 = arith.constant 23 : i32
    %dma_start3A_381 = arith.constant 11776 : i32
    %dma_start3A_382 = tpu.memref_slice %arg11[%dma_start3A_381] : memref<16384xf32, #tpu.memory_space<vmem>> -> memref<512xf32, #tpu.memory_space<vmem>>
    %dma_start3A_383 = tpu.memref_slice %arg6[%dma_start3A_380, %mul3A_2] : memref<32x16384xf32, #tpu.memory_space<hbm>> -> memref<1x512xf32, #tpu.memory_space<hbm>>
    %dma_start3A_384 = tpu.memref_squeeze %dma_start3A_383 : memref<1x512xf32, #tpu.memory_space<hbm>> -> memref<512xf32, #tpu.memory_space<hbm>>
    %dma_start3A_385 = tpu.memref_slice %arg6[%dma_start3A_380, %mul3A_2] : memref<32x16384xf32, #tpu.memory_space<hbm>> -> memref<1x512xf32, #tpu.memory_space<hbm>>
    %dma_start3A_386 = tpu.memref_squeeze %dma_start3A_385 : memref<1x512xf32, #tpu.memory_space<hbm>> -> memref<512xf32, #tpu.memory_space<hbm>>
    %dma_start3A_387 = arith.constant 11776 : i32
    %dma_start3A_388 = tpu.memref_slice %arg11[%dma_start3A_387] : memref<16384xf32, #tpu.memory_space<vmem>> -> memref<512xf32, #tpu.memory_space<vmem>>
    tpu.enqueue_dma source(%dma_start3A_388 : memref<512xf32, #tpu.memory_space<vmem>>) target(%dma_start3A_386 : memref<512xf32, #tpu.memory_space<hbm>>) target_semaphore(%arg15 : memref<!tpu.dma_semaphore, #tpu.memory_space<semaphore_mem>>)
    %dma_start3A_389 = arith.constant 24 : i32
    %dma_start3A_390 = arith.constant 12288 : i32
    %dma_start3A_391 = tpu.memref_slice %arg11[%dma_start3A_390] : memref<16384xf32, #tpu.memory_space<vmem>> -> memref<512xf32, #tpu.memory_space<vmem>>
    %dma_start3A_392 = tpu.memref_slice %arg6[%dma_start3A_389, %mul3A_2] : memref<32x16384xf32, #tpu.memory_space<hbm>> -> memref<1x512xf32, #tpu.memory_space<hbm>>
    %dma_start3A_393 = tpu.memref_squeeze %dma_start3A_392 : memref<1x512xf32, #tpu.memory_space<hbm>> -> memref<512xf32, #tpu.memory_space<hbm>>
    %dma_start3A_394 = tpu.memref_slice %arg6[%dma_start3A_389, %mul3A_2] : memref<32x16384xf32, #tpu.memory_space<hbm>> -> memref<1x512xf32, #tpu.memory_space<hbm>>
    %dma_start3A_395 = tpu.memref_squeeze %dma_start3A_394 : memref<1x512xf32, #tpu.memory_space<hbm>> -> memref<512xf32, #tpu.memory_space<hbm>>
    %dma_start3A_396 = arith.constant 12288 : i32
    %dma_start3A_397 = tpu.memref_slice %arg11[%dma_start3A_396] : memref<16384xf32, #tpu.memory_space<vmem>> -> memref<512xf32, #tpu.memory_space<vmem>>
    tpu.enqueue_dma source(%dma_start3A_397 : memref<512xf32, #tpu.memory_space<vmem>>) target(%dma_start3A_395 : memref<512xf32, #tpu.memory_space<hbm>>) target_semaphore(%arg15 : memref<!tpu.dma_semaphore, #tpu.memory_space<semaphore_mem>>)
    %dma_start3A_398 = arith.constant 25 : i32
    %dma_start3A_399 = arith.constant 12800 : i32
    %dma_start3A_400 = tpu.memref_slice %arg11[%dma_start3A_399] : memref<16384xf32, #tpu.memory_space<vmem>> -> memref<512xf32, #tpu.memory_space<vmem>>
    %dma_start3A_401 = tpu.memref_slice %arg6[%dma_start3A_398, %mul3A_2] : memref<32x16384xf32, #tpu.memory_space<hbm>> -> memref<1x512xf32, #tpu.memory_space<hbm>>
    %dma_start3A_402 = tpu.memref_squeeze %dma_start3A_401 : memref<1x512xf32, #tpu.memory_space<hbm>> -> memref<512xf32, #tpu.memory_space<hbm>>
    %dma_start3A_403 = tpu.memref_slice %arg6[%dma_start3A_398, %mul3A_2] : memref<32x16384xf32, #tpu.memory_space<hbm>> -> memref<1x512xf32, #tpu.memory_space<hbm>>
    %dma_start3A_404 = tpu.memref_squeeze %dma_start3A_403 : memref<1x512xf32, #tpu.memory_space<hbm>> -> memref<512xf32, #tpu.memory_space<hbm>>
    %dma_start3A_405 = arith.constant 12800 : i32
    %dma_start3A_406 = tpu.memref_slice %arg11[%dma_start3A_405] : memref<16384xf32, #tpu.memory_space<vmem>> -> memref<512xf32, #tpu.memory_space<vmem>>
    tpu.enqueue_dma source(%dma_start3A_406 : memref<512xf32, #tpu.memory_space<vmem>>) target(%dma_start3A_404 : memref<512xf32, #tpu.memory_space<hbm>>) target_semaphore(%arg15 : memref<!tpu.dma_semaphore, #tpu.memory_space<semaphore_mem>>)
    %dma_start3A_407 = arith.constant 26 : i32
    %dma_start3A_408 = arith.constant 13312 : i32
    %dma_start3A_409 = tpu.memref_slice %arg11[%dma_start3A_408] : memref<16384xf32, #tpu.memory_space<vmem>> -> memref<512xf32, #tpu.memory_space<vmem>>
    %dma_start3A_410 = tpu.memref_slice %arg6[%dma_start3A_407, %mul3A_2] : memref<32x16384xf32, #tpu.memory_space<hbm>> -> memref<1x512xf32, #tpu.memory_space<hbm>>
    %dma_start3A_411 = tpu.memref_squeeze %dma_start3A_410 : memref<1x512xf32, #tpu.memory_space<hbm>> -> memref<512xf32, #tpu.memory_space<hbm>>
    %dma_start3A_412 = tpu.memref_slice %arg6[%dma_start3A_407, %mul3A_2] : memref<32x16384xf32, #tpu.memory_space<hbm>> -> memref<1x512xf32, #tpu.memory_space<hbm>>
    %dma_start3A_413 = tpu.memref_squeeze %dma_start3A_412 : memref<1x512xf32, #tpu.memory_space<hbm>> -> memref<512xf32, #tpu.memory_space<hbm>>
    %dma_start3A_414 = arith.constant 13312 : i32
    %dma_start3A_415 = tpu.memref_slice %arg11[%dma_start3A_414] : memref<16384xf32, #tpu.memory_space<vmem>> -> memref<512xf32, #tpu.memory_space<vmem>>
    tpu.enqueue_dma source(%dma_start3A_415 : memref<512xf32, #tpu.memory_space<vmem>>) target(%dma_start3A_413 : memref<512xf32, #tpu.memory_space<hbm>>) target_semaphore(%arg15 : memref<!tpu.dma_semaphore, #tpu.memory_space<semaphore_mem>>)
    %dma_start3A_416 = arith.constant 27 : i32
    %dma_start3A_417 = arith.constant 13824 : i32
    %dma_start3A_418 = tpu.memref_slice %arg11[%dma_start3A_417] : memref<16384xf32, #tpu.memory_space<vmem>> -> memref<512xf32, #tpu.memory_space<vmem>>
    %dma_start3A_419 = tpu.memref_slice %arg6[%dma_start3A_416, %mul3A_2] : memref<32x16384xf32, #tpu.memory_space<hbm>> -> memref<1x512xf32, #tpu.memory_space<hbm>>
    %dma_start3A_420 = tpu.memref_squeeze %dma_start3A_419 : memref<1x512xf32, #tpu.memory_space<hbm>> -> memref<512xf32, #tpu.memory_space<hbm>>
    %dma_start3A_421 = tpu.memref_slice %arg6[%dma_start3A_416, %mul3A_2] : memref<32x16384xf32, #tpu.memory_space<hbm>> -> memref<1x512xf32, #tpu.memory_space<hbm>>
    %dma_start3A_422 = tpu.memref_squeeze %dma_start3A_421 : memref<1x512xf32, #tpu.memory_space<hbm>> -> memref<512xf32, #tpu.memory_space<hbm>>
    %dma_start3A_423 = arith.constant 13824 : i32
    %dma_start3A_424 = tpu.memref_slice %arg11[%dma_start3A_423] : memref<16384xf32, #tpu.memory_space<vmem>> -> memref<512xf32, #tpu.memory_space<vmem>>
    tpu.enqueue_dma source(%dma_start3A_424 : memref<512xf32, #tpu.memory_space<vmem>>) target(%dma_start3A_422 : memref<512xf32, #tpu.memory_space<hbm>>) target_semaphore(%arg15 : memref<!tpu.dma_semaphore, #tpu.memory_space<semaphore_mem>>)
    %dma_start3A_425 = arith.constant 28 : i32
    %dma_start3A_426 = arith.constant 14336 : i32
    %dma_start3A_427 = tpu.memref_slice %arg11[%dma_start3A_426] : memref<16384xf32, #tpu.memory_space<vmem>> -> memref<512xf32, #tpu.memory_space<vmem>>
    %dma_start3A_428 = tpu.memref_slice %arg6[%dma_start3A_425, %mul3A_2] : memref<32x16384xf32, #tpu.memory_space<hbm>> -> memref<1x512xf32, #tpu.memory_space<hbm>>
    %dma_start3A_429 = tpu.memref_squeeze %dma_start3A_428 : memref<1x512xf32, #tpu.memory_space<hbm>> -> memref<512xf32, #tpu.memory_space<hbm>>
    %dma_start3A_430 = tpu.memref_slice %arg6[%dma_start3A_425, %mul3A_2] : memref<32x16384xf32, #tpu.memory_space<hbm>> -> memref<1x512xf32, #tpu.memory_space<hbm>>
    %dma_start3A_431 = tpu.memref_squeeze %dma_start3A_430 : memref<1x512xf32, #tpu.memory_space<hbm>> -> memref<512xf32, #tpu.memory_space<hbm>>
    %dma_start3A_432 = arith.constant 14336 : i32
    %dma_start3A_433 = tpu.memref_slice %arg11[%dma_start3A_432] : memref<16384xf32, #tpu.memory_space<vmem>> -> memref<512xf32, #tpu.memory_space<vmem>>
    tpu.enqueue_dma source(%dma_start3A_433 : memref<512xf32, #tpu.memory_space<vmem>>) target(%dma_start3A_431 : memref<512xf32, #tpu.memory_space<hbm>>) target_semaphore(%arg15 : memref<!tpu.dma_semaphore, #tpu.memory_space<semaphore_mem>>)
    %dma_start3A_434 = arith.constant 29 : i32
    %dma_start3A_435 = arith.constant 14848 : i32
    %dma_start3A_436 = tpu.memref_slice %arg11[%dma_start3A_435] : memref<16384xf32, #tpu.memory_space<vmem>> -> memref<512xf32, #tpu.memory_space<vmem>>
    %dma_start3A_437 = tpu.memref_slice %arg6[%dma_start3A_434, %mul3A_2] : memref<32x16384xf32, #tpu.memory_space<hbm>> -> memref<1x512xf32, #tpu.memory_space<hbm>>
    %dma_start3A_438 = tpu.memref_squeeze %dma_start3A_437 : memref<1x512xf32, #tpu.memory_space<hbm>> -> memref<512xf32, #tpu.memory_space<hbm>>
    %dma_start3A_439 = tpu.memref_slice %arg6[%dma_start3A_434, %mul3A_2] : memref<32x16384xf32, #tpu.memory_space<hbm>> -> memref<1x512xf32, #tpu.memory_space<hbm>>
    %dma_start3A_440 = tpu.memref_squeeze %dma_start3A_439 : memref<1x512xf32, #tpu.memory_space<hbm>> -> memref<512xf32, #tpu.memory_space<hbm>>
    %dma_start3A_441 = arith.constant 14848 : i32
    %dma_start3A_442 = tpu.memref_slice %arg11[%dma_start3A_441] : memref<16384xf32, #tpu.memory_space<vmem>> -> memref<512xf32, #tpu.memory_space<vmem>>
    tpu.enqueue_dma source(%dma_start3A_442 : memref<512xf32, #tpu.memory_space<vmem>>) target(%dma_start3A_440 : memref<512xf32, #tpu.memory_space<hbm>>) target_semaphore(%arg15 : memref<!tpu.dma_semaphore, #tpu.memory_space<semaphore_mem>>)
    %dma_start3A_443 = arith.constant 30 : i32
    %dma_start3A_444 = arith.constant 15360 : i32
    %dma_start3A_445 = tpu.memref_slice %arg11[%dma_start3A_444] : memref<16384xf32, #tpu.memory_space<vmem>> -> memref<512xf32, #tpu.memory_space<vmem>>
    %dma_start3A_446 = tpu.memref_slice %arg6[%dma_start3A_443, %mul3A_2] : memref<32x16384xf32, #tpu.memory_space<hbm>> -> memref<1x512xf32, #tpu.memory_space<hbm>>
    %dma_start3A_447 = tpu.memref_squeeze %dma_start3A_446 : memref<1x512xf32, #tpu.memory_space<hbm>> -> memref<512xf32, #tpu.memory_space<hbm>>
    %dma_start3A_448 = tpu.memref_slice %arg6[%dma_start3A_443, %mul3A_2] : memref<32x16384xf32, #tpu.memory_space<hbm>> -> memref<1x512xf32, #tpu.memory_space<hbm>>
    %dma_start3A_449 = tpu.memref_squeeze %dma_start3A_448 : memref<1x512xf32, #tpu.memory_space<hbm>> -> memref<512xf32, #tpu.memory_space<hbm>>
    %dma_start3A_450 = arith.constant 15360 : i32
    %dma_start3A_451 = tpu.memref_slice %arg11[%dma_start3A_450] : memref<16384xf32, #tpu.memory_space<vmem>> -> memref<512xf32, #tpu.memory_space<vmem>>
    tpu.enqueue_dma source(%dma_start3A_451 : memref<512xf32, #tpu.memory_space<vmem>>) target(%dma_start3A_449 : memref<512xf32, #tpu.memory_space<hbm>>) target_semaphore(%arg15 : memref<!tpu.dma_semaphore, #tpu.memory_space<semaphore_mem>>)
    %dma_start3A_452 = arith.constant 31 : i32
    %dma_start3A_453 = arith.constant 15872 : i32
    %dma_start3A_454 = tpu.memref_slice %arg11[%dma_start3A_453] : memref<16384xf32, #tpu.memory_space<vmem>> -> memref<512xf32, #tpu.memory_space<vmem>>
    %dma_start3A_455 = tpu.memref_slice %arg6[%dma_start3A_452, %mul3A_2] : memref<32x16384xf32, #tpu.memory_space<hbm>> -> memref<1x512xf32, #tpu.memory_space<hbm>>
    %dma_start3A_456 = tpu.memref_squeeze %dma_start3A_455 : memref<1x512xf32, #tpu.memory_space<hbm>> -> memref<512xf32, #tpu.memory_space<hbm>>
    %dma_start3A_457 = tpu.memref_slice %arg6[%dma_start3A_452, %mul3A_2] : memref<32x16384xf32, #tpu.memory_space<hbm>> -> memref<1x512xf32, #tpu.memory_space<hbm>>
    %dma_start3A_458 = tpu.memref_squeeze %dma_start3A_457 : memref<1x512xf32, #tpu.memory_space<hbm>> -> memref<512xf32, #tpu.memory_space<hbm>>
    %dma_start3A_459 = arith.constant 15872 : i32
    %dma_start3A_460 = tpu.memref_slice %arg11[%dma_start3A_459] : memref<16384xf32, #tpu.memory_space<vmem>> -> memref<512xf32, #tpu.memory_space<vmem>>
    tpu.enqueue_dma source(%dma_start3A_460 : memref<512xf32, #tpu.memory_space<vmem>>) target(%dma_start3A_458 : memref<512xf32, #tpu.memory_space<hbm>>) target_semaphore(%arg15 : memref<!tpu.dma_semaphore, #tpu.memory_space<semaphore_mem>>)
    %dma_wait3A_461 = arith.constant 0 : i32
    %dma_wait3A_462 = arith.constant 0 : i32
    %dma_wait3A_463 = tpu.memref_slice %arg11[%dma_wait3A_462] : memref<16384xf32, #tpu.memory_space<vmem>> -> memref<512xf32, #tpu.memory_space<vmem>>
    %dma_wait3A_464 = tpu.memref_slice %arg6[%dma_wait3A_461, %mul3A_2] : memref<32x16384xf32, #tpu.memory_space<hbm>> -> memref<1x512xf32, #tpu.memory_space<hbm>>
    %dma_wait3A_465 = tpu.memref_squeeze %dma_wait3A_464 : memref<1x512xf32, #tpu.memory_space<hbm>> -> memref<512xf32, #tpu.memory_space<hbm>>
    %dma_wait3A_466 = tpu.memref_slice %arg6[%dma_wait3A_461, %mul3A_2] : memref<32x16384xf32, #tpu.memory_space<hbm>> -> memref<1x512xf32, #tpu.memory_space<hbm>>
    %dma_wait3A_467 = tpu.memref_squeeze %dma_wait3A_466 : memref<1x512xf32, #tpu.memory_space<hbm>> -> memref<512xf32, #tpu.memory_space<hbm>>
    %dma_wait3A_468 = arith.constant 0 : i32
    %dma_wait3A_469 = tpu.memref_slice %arg11[%dma_wait3A_468] : memref<16384xf32, #tpu.memory_space<vmem>> -> memref<512xf32, #tpu.memory_space<vmem>>
    tpu.wait_dma2 semaphore(%arg15 : memref<!tpu.dma_semaphore, #tpu.memory_space<semaphore_mem>>) src(%dma_wait3A_469 : memref<512xf32, #tpu.memory_space<vmem>>) dst(%dma_wait3A_467 : memref<512xf32, #tpu.memory_space<hbm>>)
    %dma_wait3A_470 = arith.constant 1 : i32
    %dma_wait3A_471 = arith.constant 512 : i32
    %dma_wait3A_472 = tpu.memref_slice %arg11[%dma_wait3A_471] : memref<16384xf32, #tpu.memory_space<vmem>> -> memref<512xf32, #tpu.memory_space<vmem>>
    %dma_wait3A_473 = tpu.memref_slice %arg6[%dma_wait3A_470, %mul3A_2] : memref<32x16384xf32, #tpu.memory_space<hbm>> -> memref<1x512xf32, #tpu.memory_space<hbm>>
    %dma_wait3A_474 = tpu.memref_squeeze %dma_wait3A_473 : memref<1x512xf32, #tpu.memory_space<hbm>> -> memref<512xf32, #tpu.memory_space<hbm>>
    %dma_wait3A_475 = tpu.memref_slice %arg6[%dma_wait3A_470, %mul3A_2] : memref<32x16384xf32, #tpu.memory_space<hbm>> -> memref<1x512xf32, #tpu.memory_space<hbm>>
    %dma_wait3A_476 = tpu.memref_squeeze %dma_wait3A_475 : memref<1x512xf32, #tpu.memory_space<hbm>> -> memref<512xf32, #tpu.memory_space<hbm>>
    %dma_wait3A_477 = arith.constant 512 : i32
    %dma_wait3A_478 = tpu.memref_slice %arg11[%dma_wait3A_477] : memref<16384xf32, #tpu.memory_space<vmem>> -> memref<512xf32, #tpu.memory_space<vmem>>
    tpu.wait_dma2 semaphore(%arg15 : memref<!tpu.dma_semaphore, #tpu.memory_space<semaphore_mem>>) src(%dma_wait3A_478 : memref<512xf32, #tpu.memory_space<vmem>>) dst(%dma_wait3A_476 : memref<512xf32, #tpu.memory_space<hbm>>)
    %dma_wait3A_479 = arith.constant 2 : i32
    %dma_wait3A_480 = arith.constant 1024 : i32
    %dma_wait3A_481 = tpu.memref_slice %arg11[%dma_wait3A_480] : memref<16384xf32, #tpu.memory_space<vmem>> -> memref<512xf32, #tpu.memory_space<vmem>>
    %dma_wait3A_482 = tpu.memref_slice %arg6[%dma_wait3A_479, %mul3A_2] : memref<32x16384xf32, #tpu.memory_space<hbm>> -> memref<1x512xf32, #tpu.memory_space<hbm>>
    %dma_wait3A_483 = tpu.memref_squeeze %dma_wait3A_482 : memref<1x512xf32, #tpu.memory_space<hbm>> -> memref<512xf32, #tpu.memory_space<hbm>>
    %dma_wait3A_484 = tpu.memref_slice %arg6[%dma_wait3A_479, %mul3A_2] : memref<32x16384xf32, #tpu.memory_space<hbm>> -> memref<1x512xf32, #tpu.memory_space<hbm>>
    %dma_wait3A_485 = tpu.memref_squeeze %dma_wait3A_484 : memref<1x512xf32, #tpu.memory_space<hbm>> -> memref<512xf32, #tpu.memory_space<hbm>>
    %dma_wait3A_486 = arith.constant 1024 : i32
    %dma_wait3A_487 = tpu.memref_slice %arg11[%dma_wait3A_486] : memref<16384xf32, #tpu.memory_space<vmem>> -> memref<512xf32, #tpu.memory_space<vmem>>
    tpu.wait_dma2 semaphore(%arg15 : memref<!tpu.dma_semaphore, #tpu.memory_space<semaphore_mem>>) src(%dma_wait3A_487 : memref<512xf32, #tpu.memory_space<vmem>>) dst(%dma_wait3A_485 : memref<512xf32, #tpu.memory_space<hbm>>)
    %dma_wait3A_488 = arith.constant 3 : i32
    %dma_wait3A_489 = arith.constant 1536 : i32
    %dma_wait3A_490 = tpu.memref_slice %arg11[%dma_wait3A_489] : memref<16384xf32, #tpu.memory_space<vmem>> -> memref<512xf32, #tpu.memory_space<vmem>>
    %dma_wait3A_491 = tpu.memref_slice %arg6[%dma_wait3A_488, %mul3A_2] : memref<32x16384xf32, #tpu.memory_space<hbm>> -> memref<1x512xf32, #tpu.memory_space<hbm>>
    %dma_wait3A_492 = tpu.memref_squeeze %dma_wait3A_491 : memref<1x512xf32, #tpu.memory_space<hbm>> -> memref<512xf32, #tpu.memory_space<hbm>>
    %dma_wait3A_493 = tpu.memref_slice %arg6[%dma_wait3A_488, %mul3A_2] : memref<32x16384xf32, #tpu.memory_space<hbm>> -> memref<1x512xf32, #tpu.memory_space<hbm>>
    %dma_wait3A_494 = tpu.memref_squeeze %dma_wait3A_493 : memref<1x512xf32, #tpu.memory_space<hbm>> -> memref<512xf32, #tpu.memory_space<hbm>>
    %dma_wait3A_495 = arith.constant 1536 : i32
    %dma_wait3A_496 = tpu.memref_slice %arg11[%dma_wait3A_495] : memref<16384xf32, #tpu.memory_space<vmem>> -> memref<512xf32, #tpu.memory_space<vmem>>
    tpu.wait_dma2 semaphore(%arg15 : memref<!tpu.dma_semaphore, #tpu.memory_space<semaphore_mem>>) src(%dma_wait3A_496 : memref<512xf32, #tpu.memory_space<vmem>>) dst(%dma_wait3A_494 : memref<512xf32, #tpu.memory_space<hbm>>)
    %dma_wait3A_497 = arith.constant 4 : i32
    %dma_wait3A_498 = arith.constant 2048 : i32
    %dma_wait3A_499 = tpu.memref_slice %arg11[%dma_wait3A_498] : memref<16384xf32, #tpu.memory_space<vmem>> -> memref<512xf32, #tpu.memory_space<vmem>>
    %dma_wait3A_500 = tpu.memref_slice %arg6[%dma_wait3A_497, %mul3A_2] : memref<32x16384xf32, #tpu.memory_space<hbm>> -> memref<1x512xf32, #tpu.memory_space<hbm>>
    %dma_wait3A_501 = tpu.memref_squeeze %dma_wait3A_500 : memref<1x512xf32, #tpu.memory_space<hbm>> -> memref<512xf32, #tpu.memory_space<hbm>>
    %dma_wait3A_502 = tpu.memref_slice %arg6[%dma_wait3A_497, %mul3A_2] : memref<32x16384xf32, #tpu.memory_space<hbm>> -> memref<1x512xf32, #tpu.memory_space<hbm>>
    %dma_wait3A_503 = tpu.memref_squeeze %dma_wait3A_502 : memref<1x512xf32, #tpu.memory_space<hbm>> -> memref<512xf32, #tpu.memory_space<hbm>>
    %dma_wait3A_504 = arith.constant 2048 : i32
    %dma_wait3A_505 = tpu.memref_slice %arg11[%dma_wait3A_504] : memref<16384xf32, #tpu.memory_space<vmem>> -> memref<512xf32, #tpu.memory_space<vmem>>
    tpu.wait_dma2 semaphore(%arg15 : memref<!tpu.dma_semaphore, #tpu.memory_space<semaphore_mem>>) src(%dma_wait3A_505 : memref<512xf32, #tpu.memory_space<vmem>>) dst(%dma_wait3A_503 : memref<512xf32, #tpu.memory_space<hbm>>)
    %dma_wait3A_506 = arith.constant 5 : i32
    %dma_wait3A_507 = arith.constant 2560 : i32
    %dma_wait3A_508 = tpu.memref_slice %arg11[%dma_wait3A_507] : memref<16384xf32, #tpu.memory_space<vmem>> -> memref<512xf32, #tpu.memory_space<vmem>>
    %dma_wait3A_509 = tpu.memref_slice %arg6[%dma_wait3A_506, %mul3A_2] : memref<32x16384xf32, #tpu.memory_space<hbm>> -> memref<1x512xf32, #tpu.memory_space<hbm>>
    %dma_wait3A_510 = tpu.memref_squeeze %dma_wait3A_509 : memref<1x512xf32, #tpu.memory_space<hbm>> -> memref<512xf32, #tpu.memory_space<hbm>>
    %dma_wait3A_511 = tpu.memref_slice %arg6[%dma_wait3A_506, %mul3A_2] : memref<32x16384xf32, #tpu.memory_space<hbm>> -> memref<1x512xf32, #tpu.memory_space<hbm>>
    %dma_wait3A_512 = tpu.memref_squeeze %dma_wait3A_511 : memref<1x512xf32, #tpu.memory_space<hbm>> -> memref<512xf32, #tpu.memory_space<hbm>>
    %dma_wait3A_513 = arith.constant 2560 : i32
    %dma_wait3A_514 = tpu.memref_slice %arg11[%dma_wait3A_513] : memref<16384xf32, #tpu.memory_space<vmem>> -> memref<512xf32, #tpu.memory_space<vmem>>
    tpu.wait_dma2 semaphore(%arg15 : memref<!tpu.dma_semaphore, #tpu.memory_space<semaphore_mem>>) src(%dma_wait3A_514 : memref<512xf32, #tpu.memory_space<vmem>>) dst(%dma_wait3A_512 : memref<512xf32, #tpu.memory_space<hbm>>)
    %dma_wait3A_515 = arith.constant 6 : i32
    %dma_wait3A_516 = arith.constant 3072 : i32
    %dma_wait3A_517 = tpu.memref_slice %arg11[%dma_wait3A_516] : memref<16384xf32, #tpu.memory_space<vmem>> -> memref<512xf32, #tpu.memory_space<vmem>>
    %dma_wait3A_518 = tpu.memref_slice %arg6[%dma_wait3A_515, %mul3A_2] : memref<32x16384xf32, #tpu.memory_space<hbm>> -> memref<1x512xf32, #tpu.memory_space<hbm>>
    %dma_wait3A_519 = tpu.memref_squeeze %dma_wait3A_518 : memref<1x512xf32, #tpu.memory_space<hbm>> -> memref<512xf32, #tpu.memory_space<hbm>>
    %dma_wait3A_520 = tpu.memref_slice %arg6[%dma_wait3A_515, %mul3A_2] : memref<32x16384xf32, #tpu.memory_space<hbm>> -> memref<1x512xf32, #tpu.memory_space<hbm>>
    %dma_wait3A_521 = tpu.memref_squeeze %dma_wait3A_520 : memref<1x512xf32, #tpu.memory_space<hbm>> -> memref<512xf32, #tpu.memory_space<hbm>>
    %dma_wait3A_522 = arith.constant 3072 : i32
    %dma_wait3A_523 = tpu.memref_slice %arg11[%dma_wait3A_522] : memref<16384xf32, #tpu.memory_space<vmem>> -> memref<512xf32, #tpu.memory_space<vmem>>
    tpu.wait_dma2 semaphore(%arg15 : memref<!tpu.dma_semaphore, #tpu.memory_space<semaphore_mem>>) src(%dma_wait3A_523 : memref<512xf32, #tpu.memory_space<vmem>>) dst(%dma_wait3A_521 : memref<512xf32, #tpu.memory_space<hbm>>)
    %dma_wait3A_524 = arith.constant 7 : i32
    %dma_wait3A_525 = arith.constant 3584 : i32
    %dma_wait3A_526 = tpu.memref_slice %arg11[%dma_wait3A_525] : memref<16384xf32, #tpu.memory_space<vmem>> -> memref<512xf32, #tpu.memory_space<vmem>>
    %dma_wait3A_527 = tpu.memref_slice %arg6[%dma_wait3A_524, %mul3A_2] : memref<32x16384xf32, #tpu.memory_space<hbm>> -> memref<1x512xf32, #tpu.memory_space<hbm>>
    %dma_wait3A_528 = tpu.memref_squeeze %dma_wait3A_527 : memref<1x512xf32, #tpu.memory_space<hbm>> -> memref<512xf32, #tpu.memory_space<hbm>>
    %dma_wait3A_529 = tpu.memref_slice %arg6[%dma_wait3A_524, %mul3A_2] : memref<32x16384xf32, #tpu.memory_space<hbm>> -> memref<1x512xf32, #tpu.memory_space<hbm>>
    %dma_wait3A_530 = tpu.memref_squeeze %dma_wait3A_529 : memref<1x512xf32, #tpu.memory_space<hbm>> -> memref<512xf32, #tpu.memory_space<hbm>>
    %dma_wait3A_531 = arith.constant 3584 : i32
    %dma_wait3A_532 = tpu.memref_slice %arg11[%dma_wait3A_531] : memref<16384xf32, #tpu.memory_space<vmem>> -> memref<512xf32, #tpu.memory_space<vmem>>
    tpu.wait_dma2 semaphore(%arg15 : memref<!tpu.dma_semaphore, #tpu.memory_space<semaphore_mem>>) src(%dma_wait3A_532 : memref<512xf32, #tpu.memory_space<vmem>>) dst(%dma_wait3A_530 : memref<512xf32, #tpu.memory_space<hbm>>)
    %dma_wait3A_533 = arith.constant 8 : i32
    %dma_wait3A_534 = arith.constant 4096 : i32
    %dma_wait3A_535 = tpu.memref_slice %arg11[%dma_wait3A_534] : memref<16384xf32, #tpu.memory_space<vmem>> -> memref<512xf32, #tpu.memory_space<vmem>>
    %dma_wait3A_536 = tpu.memref_slice %arg6[%dma_wait3A_533, %mul3A_2] : memref<32x16384xf32, #tpu.memory_space<hbm>> -> memref<1x512xf32, #tpu.memory_space<hbm>>
    %dma_wait3A_537 = tpu.memref_squeeze %dma_wait3A_536 : memref<1x512xf32, #tpu.memory_space<hbm>> -> memref<512xf32, #tpu.memory_space<hbm>>
    %dma_wait3A_538 = tpu.memref_slice %arg6[%dma_wait3A_533, %mul3A_2] : memref<32x16384xf32, #tpu.memory_space<hbm>> -> memref<1x512xf32, #tpu.memory_space<hbm>>
    %dma_wait3A_539 = tpu.memref_squeeze %dma_wait3A_538 : memref<1x512xf32, #tpu.memory_space<hbm>> -> memref<512xf32, #tpu.memory_space<hbm>>
    %dma_wait3A_540 = arith.constant 4096 : i32
    %dma_wait3A_541 = tpu.memref_slice %arg11[%dma_wait3A_540] : memref<16384xf32, #tpu.memory_space<vmem>> -> memref<512xf32, #tpu.memory_space<vmem>>
    tpu.wait_dma2 semaphore(%arg15 : memref<!tpu.dma_semaphore, #tpu.memory_space<semaphore_mem>>) src(%dma_wait3A_541 : memref<512xf32, #tpu.memory_space<vmem>>) dst(%dma_wait3A_539 : memref<512xf32, #tpu.memory_space<hbm>>)
    %dma_wait3A_542 = arith.constant 9 : i32
    %dma_wait3A_543 = arith.constant 4608 : i32
    %dma_wait3A_544 = tpu.memref_slice %arg11[%dma_wait3A_543] : memref<16384xf32, #tpu.memory_space<vmem>> -> memref<512xf32, #tpu.memory_space<vmem>>
    %dma_wait3A_545 = tpu.memref_slice %arg6[%dma_wait3A_542, %mul3A_2] : memref<32x16384xf32, #tpu.memory_space<hbm>> -> memref<1x512xf32, #tpu.memory_space<hbm>>
    %dma_wait3A_546 = tpu.memref_squeeze %dma_wait3A_545 : memref<1x512xf32, #tpu.memory_space<hbm>> -> memref<512xf32, #tpu.memory_space<hbm>>
    %dma_wait3A_547 = tpu.memref_slice %arg6[%dma_wait3A_542, %mul3A_2] : memref<32x16384xf32, #tpu.memory_space<hbm>> -> memref<1x512xf32, #tpu.memory_space<hbm>>
    %dma_wait3A_548 = tpu.memref_squeeze %dma_wait3A_547 : memref<1x512xf32, #tpu.memory_space<hbm>> -> memref<512xf32, #tpu.memory_space<hbm>>
    %dma_wait3A_549 = arith.constant 4608 : i32
    %dma_wait3A_550 = tpu.memref_slice %arg11[%dma_wait3A_549] : memref<16384xf32, #tpu.memory_space<vmem>> -> memref<512xf32, #tpu.memory_space<vmem>>
    tpu.wait_dma2 semaphore(%arg15 : memref<!tpu.dma_semaphore, #tpu.memory_space<semaphore_mem>>) src(%dma_wait3A_550 : memref<512xf32, #tpu.memory_space<vmem>>) dst(%dma_wait3A_548 : memref<512xf32, #tpu.memory_space<hbm>>)
    %dma_wait3A_551 = arith.constant 10 : i32
    %dma_wait3A_552 = arith.constant 5120 : i32
    %dma_wait3A_553 = tpu.memref_slice %arg11[%dma_wait3A_552] : memref<16384xf32, #tpu.memory_space<vmem>> -> memref<512xf32, #tpu.memory_space<vmem>>
    %dma_wait3A_554 = tpu.memref_slice %arg6[%dma_wait3A_551, %mul3A_2] : memref<32x16384xf32, #tpu.memory_space<hbm>> -> memref<1x512xf32, #tpu.memory_space<hbm>>
    %dma_wait3A_555 = tpu.memref_squeeze %dma_wait3A_554 : memref<1x512xf32, #tpu.memory_space<hbm>> -> memref<512xf32, #tpu.memory_space<hbm>>
    %dma_wait3A_556 = tpu.memref_slice %arg6[%dma_wait3A_551, %mul3A_2] : memref<32x16384xf32, #tpu.memory_space<hbm>> -> memref<1x512xf32, #tpu.memory_space<hbm>>
    %dma_wait3A_557 = tpu.memref_squeeze %dma_wait3A_556 : memref<1x512xf32, #tpu.memory_space<hbm>> -> memref<512xf32, #tpu.memory_space<hbm>>
    %dma_wait3A_558 = arith.constant 5120 : i32
    %dma_wait3A_559 = tpu.memref_slice %arg11[%dma_wait3A_558] : memref<16384xf32, #tpu.memory_space<vmem>> -> memref<512xf32, #tpu.memory_space<vmem>>
    tpu.wait_dma2 semaphore(%arg15 : memref<!tpu.dma_semaphore, #tpu.memory_space<semaphore_mem>>) src(%dma_wait3A_559 : memref<512xf32, #tpu.memory_space<vmem>>) dst(%dma_wait3A_557 : memref<512xf32, #tpu.memory_space<hbm>>)
    %dma_wait3A_560 = arith.constant 11 : i32
    %dma_wait3A_561 = arith.constant 5632 : i32
    %dma_wait3A_562 = tpu.memref_slice %arg11[%dma_wait3A_561] : memref<16384xf32, #tpu.memory_space<vmem>> -> memref<512xf32, #tpu.memory_space<vmem>>
    %dma_wait3A_563 = tpu.memref_slice %arg6[%dma_wait3A_560, %mul3A_2] : memref<32x16384xf32, #tpu.memory_space<hbm>> -> memref<1x512xf32, #tpu.memory_space<hbm>>
    %dma_wait3A_564 = tpu.memref_squeeze %dma_wait3A_563 : memref<1x512xf32, #tpu.memory_space<hbm>> -> memref<512xf32, #tpu.memory_space<hbm>>
    %dma_wait3A_565 = tpu.memref_slice %arg6[%dma_wait3A_560, %mul3A_2] : memref<32x16384xf32, #tpu.memory_space<hbm>> -> memref<1x512xf32, #tpu.memory_space<hbm>>
    %dma_wait3A_566 = tpu.memref_squeeze %dma_wait3A_565 : memref<1x512xf32, #tpu.memory_space<hbm>> -> memref<512xf32, #tpu.memory_space<hbm>>
    %dma_wait3A_567 = arith.constant 5632 : i32
    %dma_wait3A_568 = tpu.memref_slice %arg11[%dma_wait3A_567] : memref<16384xf32, #tpu.memory_space<vmem>> -> memref<512xf32, #tpu.memory_space<vmem>>
    tpu.wait_dma2 semaphore(%arg15 : memref<!tpu.dma_semaphore, #tpu.memory_space<semaphore_mem>>) src(%dma_wait3A_568 : memref<512xf32, #tpu.memory_space<vmem>>) dst(%dma_wait3A_566 : memref<512xf32, #tpu.memory_space<hbm>>)
    %dma_wait3A_569 = arith.constant 12 : i32
    %dma_wait3A_570 = arith.constant 6144 : i32
    %dma_wait3A_571 = tpu.memref_slice %arg11[%dma_wait3A_570] : memref<16384xf32, #tpu.memory_space<vmem>> -> memref<512xf32, #tpu.memory_space<vmem>>
    %dma_wait3A_572 = tpu.memref_slice %arg6[%dma_wait3A_569, %mul3A_2] : memref<32x16384xf32, #tpu.memory_space<hbm>> -> memref<1x512xf32, #tpu.memory_space<hbm>>
    %dma_wait3A_573 = tpu.memref_squeeze %dma_wait3A_572 : memref<1x512xf32, #tpu.memory_space<hbm>> -> memref<512xf32, #tpu.memory_space<hbm>>
    %dma_wait3A_574 = tpu.memref_slice %arg6[%dma_wait3A_569, %mul3A_2] : memref<32x16384xf32, #tpu.memory_space<hbm>> -> memref<1x512xf32, #tpu.memory_space<hbm>>
    %dma_wait3A_575 = tpu.memref_squeeze %dma_wait3A_574 : memref<1x512xf32, #tpu.memory_space<hbm>> -> memref<512xf32, #tpu.memory_space<hbm>>
    %dma_wait3A_576 = arith.constant 6144 : i32
    %dma_wait3A_577 = tpu.memref_slice %arg11[%dma_wait3A_576] : memref<16384xf32, #tpu.memory_space<vmem>> -> memref<512xf32, #tpu.memory_space<vmem>>
    tpu.wait_dma2 semaphore(%arg15 : memref<!tpu.dma_semaphore, #tpu.memory_space<semaphore_mem>>) src(%dma_wait3A_577 : memref<512xf32, #tpu.memory_space<vmem>>) dst(%dma_wait3A_575 : memref<512xf32, #tpu.memory_space<hbm>>)
    %dma_wait3A_578 = arith.constant 13 : i32
    %dma_wait3A_579 = arith.constant 6656 : i32
    %dma_wait3A_580 = tpu.memref_slice %arg11[%dma_wait3A_579] : memref<16384xf32, #tpu.memory_space<vmem>> -> memref<512xf32, #tpu.memory_space<vmem>>
    %dma_wait3A_581 = tpu.memref_slice %arg6[%dma_wait3A_578, %mul3A_2] : memref<32x16384xf32, #tpu.memory_space<hbm>> -> memref<1x512xf32, #tpu.memory_space<hbm>>
    %dma_wait3A_582 = tpu.memref_squeeze %dma_wait3A_581 : memref<1x512xf32, #tpu.memory_space<hbm>> -> memref<512xf32, #tpu.memory_space<hbm>>
    %dma_wait3A_583 = tpu.memref_slice %arg6[%dma_wait3A_578, %mul3A_2] : memref<32x16384xf32, #tpu.memory_space<hbm>> -> memref<1x512xf32, #tpu.memory_space<hbm>>
    %dma_wait3A_584 = tpu.memref_squeeze %dma_wait3A_583 : memref<1x512xf32, #tpu.memory_space<hbm>> -> memref<512xf32, #tpu.memory_space<hbm>>
    %dma_wait3A_585 = arith.constant 6656 : i32
    %dma_wait3A_586 = tpu.memref_slice %arg11[%dma_wait3A_585] : memref<16384xf32, #tpu.memory_space<vmem>> -> memref<512xf32, #tpu.memory_space<vmem>>
    tpu.wait_dma2 semaphore(%arg15 : memref<!tpu.dma_semaphore, #tpu.memory_space<semaphore_mem>>) src(%dma_wait3A_586 : memref<512xf32, #tpu.memory_space<vmem>>) dst(%dma_wait3A_584 : memref<512xf32, #tpu.memory_space<hbm>>)
    %dma_wait3A_587 = arith.constant 14 : i32
    %dma_wait3A_588 = arith.constant 7168 : i32
    %dma_wait3A_589 = tpu.memref_slice %arg11[%dma_wait3A_588] : memref<16384xf32, #tpu.memory_space<vmem>> -> memref<512xf32, #tpu.memory_space<vmem>>
    %dma_wait3A_590 = tpu.memref_slice %arg6[%dma_wait3A_587, %mul3A_2] : memref<32x16384xf32, #tpu.memory_space<hbm>> -> memref<1x512xf32, #tpu.memory_space<hbm>>
    %dma_wait3A_591 = tpu.memref_squeeze %dma_wait3A_590 : memref<1x512xf32, #tpu.memory_space<hbm>> -> memref<512xf32, #tpu.memory_space<hbm>>
    %dma_wait3A_592 = tpu.memref_slice %arg6[%dma_wait3A_587, %mul3A_2] : memref<32x16384xf32, #tpu.memory_space<hbm>> -> memref<1x512xf32, #tpu.memory_space<hbm>>
    %dma_wait3A_593 = tpu.memref_squeeze %dma_wait3A_592 : memref<1x512xf32, #tpu.memory_space<hbm>> -> memref<512xf32, #tpu.memory_space<hbm>>
    %dma_wait3A_594 = arith.constant 7168 : i32
    %dma_wait3A_595 = tpu.memref_slice %arg11[%dma_wait3A_594] : memref<16384xf32, #tpu.memory_space<vmem>> -> memref<512xf32, #tpu.memory_space<vmem>>
    tpu.wait_dma2 semaphore(%arg15 : memref<!tpu.dma_semaphore, #tpu.memory_space<semaphore_mem>>) src(%dma_wait3A_595 : memref<512xf32, #tpu.memory_space<vmem>>) dst(%dma_wait3A_593 : memref<512xf32, #tpu.memory_space<hbm>>)
    %dma_wait3A_596 = arith.constant 15 : i32
    %dma_wait3A_597 = arith.constant 7680 : i32
    %dma_wait3A_598 = tpu.memref_slice %arg11[%dma_wait3A_597] : memref<16384xf32, #tpu.memory_space<vmem>> -> memref<512xf32, #tpu.memory_space<vmem>>
    %dma_wait3A_599 = tpu.memref_slice %arg6[%dma_wait3A_596, %mul3A_2] : memref<32x16384xf32, #tpu.memory_space<hbm>> -> memref<1x512xf32, #tpu.memory_space<hbm>>
    %dma_wait3A_600 = tpu.memref_squeeze %dma_wait3A_599 : memref<1x512xf32, #tpu.memory_space<hbm>> -> memref<512xf32, #tpu.memory_space<hbm>>
    %dma_wait3A_601 = tpu.memref_slice %arg6[%dma_wait3A_596, %mul3A_2] : memref<32x16384xf32, #tpu.memory_space<hbm>> -> memref<1x512xf32, #tpu.memory_space<hbm>>
    %dma_wait3A_602 = tpu.memref_squeeze %dma_wait3A_601 : memref<1x512xf32, #tpu.memory_space<hbm>> -> memref<512xf32, #tpu.memory_space<hbm>>
    %dma_wait3A_603 = arith.constant 7680 : i32
    %dma_wait3A_604 = tpu.memref_slice %arg11[%dma_wait3A_603] : memref<16384xf32, #tpu.memory_space<vmem>> -> memref<512xf32, #tpu.memory_space<vmem>>
    tpu.wait_dma2 semaphore(%arg15 : memref<!tpu.dma_semaphore, #tpu.memory_space<semaphore_mem>>) src(%dma_wait3A_604 : memref<512xf32, #tpu.memory_space<vmem>>) dst(%dma_wait3A_602 : memref<512xf32, #tpu.memory_space<hbm>>)
    %dma_wait3A_605 = arith.constant 16 : i32
    %dma_wait3A_606 = arith.constant 8192 : i32
    %dma_wait3A_607 = tpu.memref_slice %arg11[%dma_wait3A_606] : memref<16384xf32, #tpu.memory_space<vmem>> -> memref<512xf32, #tpu.memory_space<vmem>>
    %dma_wait3A_608 = tpu.memref_slice %arg6[%dma_wait3A_605, %mul3A_2] : memref<32x16384xf32, #tpu.memory_space<hbm>> -> memref<1x512xf32, #tpu.memory_space<hbm>>
    %dma_wait3A_609 = tpu.memref_squeeze %dma_wait3A_608 : memref<1x512xf32, #tpu.memory_space<hbm>> -> memref<512xf32, #tpu.memory_space<hbm>>
    %dma_wait3A_610 = tpu.memref_slice %arg6[%dma_wait3A_605, %mul3A_2] : memref<32x16384xf32, #tpu.memory_space<hbm>> -> memref<1x512xf32, #tpu.memory_space<hbm>>
    %dma_wait3A_611 = tpu.memref_squeeze %dma_wait3A_610 : memref<1x512xf32, #tpu.memory_space<hbm>> -> memref<512xf32, #tpu.memory_space<hbm>>
    %dma_wait3A_612 = arith.constant 8192 : i32
    %dma_wait3A_613 = tpu.memref_slice %arg11[%dma_wait3A_612] : memref<16384xf32, #tpu.memory_space<vmem>> -> memref<512xf32, #tpu.memory_space<vmem>>
    tpu.wait_dma2 semaphore(%arg15 : memref<!tpu.dma_semaphore, #tpu.memory_space<semaphore_mem>>) src(%dma_wait3A_613 : memref<512xf32, #tpu.memory_space<vmem>>) dst(%dma_wait3A_611 : memref<512xf32, #tpu.memory_space<hbm>>)
    %dma_wait3A_614 = arith.constant 17 : i32
    %dma_wait3A_615 = arith.constant 8704 : i32
    %dma_wait3A_616 = tpu.memref_slice %arg11[%dma_wait3A_615] : memref<16384xf32, #tpu.memory_space<vmem>> -> memref<512xf32, #tpu.memory_space<vmem>>
    %dma_wait3A_617 = tpu.memref_slice %arg6[%dma_wait3A_614, %mul3A_2] : memref<32x16384xf32, #tpu.memory_space<hbm>> -> memref<1x512xf32, #tpu.memory_space<hbm>>
    %dma_wait3A_618 = tpu.memref_squeeze %dma_wait3A_617 : memref<1x512xf32, #tpu.memory_space<hbm>> -> memref<512xf32, #tpu.memory_space<hbm>>
    %dma_wait3A_619 = tpu.memref_slice %arg6[%dma_wait3A_614, %mul3A_2] : memref<32x16384xf32, #tpu.memory_space<hbm>> -> memref<1x512xf32, #tpu.memory_space<hbm>>
    %dma_wait3A_620 = tpu.memref_squeeze %dma_wait3A_619 : memref<1x512xf32, #tpu.memory_space<hbm>> -> memref<512xf32, #tpu.memory_space<hbm>>
    %dma_wait3A_621 = arith.constant 8704 : i32
    %dma_wait3A_622 = tpu.memref_slice %arg11[%dma_wait3A_621] : memref<16384xf32, #tpu.memory_space<vmem>> -> memref<512xf32, #tpu.memory_space<vmem>>
    tpu.wait_dma2 semaphore(%arg15 : memref<!tpu.dma_semaphore, #tpu.memory_space<semaphore_mem>>) src(%dma_wait3A_622 : memref<512xf32, #tpu.memory_space<vmem>>) dst(%dma_wait3A_620 : memref<512xf32, #tpu.memory_space<hbm>>)
    %dma_wait3A_623 = arith.constant 18 : i32
    %dma_wait3A_624 = arith.constant 9216 : i32
    %dma_wait3A_625 = tpu.memref_slice %arg11[%dma_wait3A_624] : memref<16384xf32, #tpu.memory_space<vmem>> -> memref<512xf32, #tpu.memory_space<vmem>>
    %dma_wait3A_626 = tpu.memref_slice %arg6[%dma_wait3A_623, %mul3A_2] : memref<32x16384xf32, #tpu.memory_space<hbm>> -> memref<1x512xf32, #tpu.memory_space<hbm>>
    %dma_wait3A_627 = tpu.memref_squeeze %dma_wait3A_626 : memref<1x512xf32, #tpu.memory_space<hbm>> -> memref<512xf32, #tpu.memory_space<hbm>>
    %dma_wait3A_628 = tpu.memref_slice %arg6[%dma_wait3A_623, %mul3A_2] : memref<32x16384xf32, #tpu.memory_space<hbm>> -> memref<1x512xf32, #tpu.memory_space<hbm>>
    %dma_wait3A_629 = tpu.memref_squeeze %dma_wait3A_628 : memref<1x512xf32, #tpu.memory_space<hbm>> -> memref<512xf32, #tpu.memory_space<hbm>>
    %dma_wait3A_630 = arith.constant 9216 : i32
    %dma_wait3A_631 = tpu.memref_slice %arg11[%dma_wait3A_630] : memref<16384xf32, #tpu.memory_space<vmem>> -> memref<512xf32, #tpu.memory_space<vmem>>
    tpu.wait_dma2 semaphore(%arg15 : memref<!tpu.dma_semaphore, #tpu.memory_space<semaphore_mem>>) src(%dma_wait3A_631 : memref<512xf32, #tpu.memory_space<vmem>>) dst(%dma_wait3A_629 : memref<512xf32, #tpu.memory_space<hbm>>)
    %dma_wait3A_632 = arith.constant 19 : i32
    %dma_wait3A_633 = arith.constant 9728 : i32
    %dma_wait3A_634 = tpu.memref_slice %arg11[%dma_wait3A_633] : memref<16384xf32, #tpu.memory_space<vmem>> -> memref<512xf32, #tpu.memory_space<vmem>>
    %dma_wait3A_635 = tpu.memref_slice %arg6[%dma_wait3A_632, %mul3A_2] : memref<32x16384xf32, #tpu.memory_space<hbm>> -> memref<1x512xf32, #tpu.memory_space<hbm>>
    %dma_wait3A_636 = tpu.memref_squeeze %dma_wait3A_635 : memref<1x512xf32, #tpu.memory_space<hbm>> -> memref<512xf32, #tpu.memory_space<hbm>>
    %dma_wait3A_637 = tpu.memref_slice %arg6[%dma_wait3A_632, %mul3A_2] : memref<32x16384xf32, #tpu.memory_space<hbm>> -> memref<1x512xf32, #tpu.memory_space<hbm>>
    %dma_wait3A_638 = tpu.memref_squeeze %dma_wait3A_637 : memref<1x512xf32, #tpu.memory_space<hbm>> -> memref<512xf32, #tpu.memory_space<hbm>>
    %dma_wait3A_639 = arith.constant 9728 : i32
    %dma_wait3A_640 = tpu.memref_slice %arg11[%dma_wait3A_639] : memref<16384xf32, #tpu.memory_space<vmem>> -> memref<512xf32, #tpu.memory_space<vmem>>
    tpu.wait_dma2 semaphore(%arg15 : memref<!tpu.dma_semaphore, #tpu.memory_space<semaphore_mem>>) src(%dma_wait3A_640 : memref<512xf32, #tpu.memory_space<vmem>>) dst(%dma_wait3A_638 : memref<512xf32, #tpu.memory_space<hbm>>)
    %dma_wait3A_641 = arith.constant 20 : i32
    %dma_wait3A_642 = arith.constant 10240 : i32
    %dma_wait3A_643 = tpu.memref_slice %arg11[%dma_wait3A_642] : memref<16384xf32, #tpu.memory_space<vmem>> -> memref<512xf32, #tpu.memory_space<vmem>>
    %dma_wait3A_644 = tpu.memref_slice %arg6[%dma_wait3A_641, %mul3A_2] : memref<32x16384xf32, #tpu.memory_space<hbm>> -> memref<1x512xf32, #tpu.memory_space<hbm>>
    %dma_wait3A_645 = tpu.memref_squeeze %dma_wait3A_644 : memref<1x512xf32, #tpu.memory_space<hbm>> -> memref<512xf32, #tpu.memory_space<hbm>>
    %dma_wait3A_646 = tpu.memref_slice %arg6[%dma_wait3A_641, %mul3A_2] : memref<32x16384xf32, #tpu.memory_space<hbm>> -> memref<1x512xf32, #tpu.memory_space<hbm>>
    %dma_wait3A_647 = tpu.memref_squeeze %dma_wait3A_646 : memref<1x512xf32, #tpu.memory_space<hbm>> -> memref<512xf32, #tpu.memory_space<hbm>>
    %dma_wait3A_648 = arith.constant 10240 : i32
    %dma_wait3A_649 = tpu.memref_slice %arg11[%dma_wait3A_648] : memref<16384xf32, #tpu.memory_space<vmem>> -> memref<512xf32, #tpu.memory_space<vmem>>
    tpu.wait_dma2 semaphore(%arg15 : memref<!tpu.dma_semaphore, #tpu.memory_space<semaphore_mem>>) src(%dma_wait3A_649 : memref<512xf32, #tpu.memory_space<vmem>>) dst(%dma_wait3A_647 : memref<512xf32, #tpu.memory_space<hbm>>)
    %dma_wait3A_650 = arith.constant 21 : i32
    %dma_wait3A_651 = arith.constant 10752 : i32
    %dma_wait3A_652 = tpu.memref_slice %arg11[%dma_wait3A_651] : memref<16384xf32, #tpu.memory_space<vmem>> -> memref<512xf32, #tpu.memory_space<vmem>>
    %dma_wait3A_653 = tpu.memref_slice %arg6[%dma_wait3A_650, %mul3A_2] : memref<32x16384xf32, #tpu.memory_space<hbm>> -> memref<1x512xf32, #tpu.memory_space<hbm>>
    %dma_wait3A_654 = tpu.memref_squeeze %dma_wait3A_653 : memref<1x512xf32, #tpu.memory_space<hbm>> -> memref<512xf32, #tpu.memory_space<hbm>>
    %dma_wait3A_655 = tpu.memref_slice %arg6[%dma_wait3A_650, %mul3A_2] : memref<32x16384xf32, #tpu.memory_space<hbm>> -> memref<1x512xf32, #tpu.memory_space<hbm>>
    %dma_wait3A_656 = tpu.memref_squeeze %dma_wait3A_655 : memref<1x512xf32, #tpu.memory_space<hbm>> -> memref<512xf32, #tpu.memory_space<hbm>>
    %dma_wait3A_657 = arith.constant 10752 : i32
    %dma_wait3A_658 = tpu.memref_slice %arg11[%dma_wait3A_657] : memref<16384xf32, #tpu.memory_space<vmem>> -> memref<512xf32, #tpu.memory_space<vmem>>
    tpu.wait_dma2 semaphore(%arg15 : memref<!tpu.dma_semaphore, #tpu.memory_space<semaphore_mem>>) src(%dma_wait3A_658 : memref<512xf32, #tpu.memory_space<vmem>>) dst(%dma_wait3A_656 : memref<512xf32, #tpu.memory_space<hbm>>)
    %dma_wait3A_659 = arith.constant 22 : i32
    %dma_wait3A_660 = arith.constant 11264 : i32
    %dma_wait3A_661 = tpu.memref_slice %arg11[%dma_wait3A_660] : memref<16384xf32, #tpu.memory_space<vmem>> -> memref<512xf32, #tpu.memory_space<vmem>>
    %dma_wait3A_662 = tpu.memref_slice %arg6[%dma_wait3A_659, %mul3A_2] : memref<32x16384xf32, #tpu.memory_space<hbm>> -> memref<1x512xf32, #tpu.memory_space<hbm>>
    %dma_wait3A_663 = tpu.memref_squeeze %dma_wait3A_662 : memref<1x512xf32, #tpu.memory_space<hbm>> -> memref<512xf32, #tpu.memory_space<hbm>>
    %dma_wait3A_664 = tpu.memref_slice %arg6[%dma_wait3A_659, %mul3A_2] : memref<32x16384xf32, #tpu.memory_space<hbm>> -> memref<1x512xf32, #tpu.memory_space<hbm>>
    %dma_wait3A_665 = tpu.memref_squeeze %dma_wait3A_664 : memref<1x512xf32, #tpu.memory_space<hbm>> -> memref<512xf32, #tpu.memory_space<hbm>>
    %dma_wait3A_666 = arith.constant 11264 : i32
    %dma_wait3A_667 = tpu.memref_slice %arg11[%dma_wait3A_666] : memref<16384xf32, #tpu.memory_space<vmem>> -> memref<512xf32, #tpu.memory_space<vmem>>
    tpu.wait_dma2 semaphore(%arg15 : memref<!tpu.dma_semaphore, #tpu.memory_space<semaphore_mem>>) src(%dma_wait3A_667 : memref<512xf32, #tpu.memory_space<vmem>>) dst(%dma_wait3A_665 : memref<512xf32, #tpu.memory_space<hbm>>)
    %dma_wait3A_668 = arith.constant 23 : i32
    %dma_wait3A_669 = arith.constant 11776 : i32
    %dma_wait3A_670 = tpu.memref_slice %arg11[%dma_wait3A_669] : memref<16384xf32, #tpu.memory_space<vmem>> -> memref<512xf32, #tpu.memory_space<vmem>>
    %dma_wait3A_671 = tpu.memref_slice %arg6[%dma_wait3A_668, %mul3A_2] : memref<32x16384xf32, #tpu.memory_space<hbm>> -> memref<1x512xf32, #tpu.memory_space<hbm>>
    %dma_wait3A_672 = tpu.memref_squeeze %dma_wait3A_671 : memref<1x512xf32, #tpu.memory_space<hbm>> -> memref<512xf32, #tpu.memory_space<hbm>>
    %dma_wait3A_673 = tpu.memref_slice %arg6[%dma_wait3A_668, %mul3A_2] : memref<32x16384xf32, #tpu.memory_space<hbm>> -> memref<1x512xf32, #tpu.memory_space<hbm>>
    %dma_wait3A_674 = tpu.memref_squeeze %dma_wait3A_673 : memref<1x512xf32, #tpu.memory_space<hbm>> -> memref<512xf32, #tpu.memory_space<hbm>>
    %dma_wait3A_675 = arith.constant 11776 : i32
    %dma_wait3A_676 = tpu.memref_slice %arg11[%dma_wait3A_675] : memref<16384xf32, #tpu.memory_space<vmem>> -> memref<512xf32, #tpu.memory_space<vmem>>
    tpu.wait_dma2 semaphore(%arg15 : memref<!tpu.dma_semaphore, #tpu.memory_space<semaphore_mem>>) src(%dma_wait3A_676 : memref<512xf32, #tpu.memory_space<vmem>>) dst(%dma_wait3A_674 : memref<512xf32, #tpu.memory_space<hbm>>)
    %dma_wait3A_677 = arith.constant 24 : i32
    %dma_wait3A_678 = arith.constant 12288 : i32
    %dma_wait3A_679 = tpu.memref_slice %arg11[%dma_wait3A_678] : memref<16384xf32, #tpu.memory_space<vmem>> -> memref<512xf32, #tpu.memory_space<vmem>>
    %dma_wait3A_680 = tpu.memref_slice %arg6[%dma_wait3A_677, %mul3A_2] : memref<32x16384xf32, #tpu.memory_space<hbm>> -> memref<1x512xf32, #tpu.memory_space<hbm>>
    %dma_wait3A_681 = tpu.memref_squeeze %dma_wait3A_680 : memref<1x512xf32, #tpu.memory_space<hbm>> -> memref<512xf32, #tpu.memory_space<hbm>>
    %dma_wait3A_682 = tpu.memref_slice %arg6[%dma_wait3A_677, %mul3A_2] : memref<32x16384xf32, #tpu.memory_space<hbm>> -> memref<1x512xf32, #tpu.memory_space<hbm>>
    %dma_wait3A_683 = tpu.memref_squeeze %dma_wait3A_682 : memref<1x512xf32, #tpu.memory_space<hbm>> -> memref<512xf32, #tpu.memory_space<hbm>>
    %dma_wait3A_684 = arith.constant 12288 : i32
    %dma_wait3A_685 = tpu.memref_slice %arg11[%dma_wait3A_684] : memref<16384xf32, #tpu.memory_space<vmem>> -> memref<512xf32, #tpu.memory_space<vmem>>
    tpu.wait_dma2 semaphore(%arg15 : memref<!tpu.dma_semaphore, #tpu.memory_space<semaphore_mem>>) src(%dma_wait3A_685 : memref<512xf32, #tpu.memory_space<vmem>>) dst(%dma_wait3A_683 : memref<512xf32, #tpu.memory_space<hbm>>)
    %dma_wait3A_686 = arith.constant 25 : i32
    %dma_wait3A_687 = arith.constant 12800 : i32
    %dma_wait3A_688 = tpu.memref_slice %arg11[%dma_wait3A_687] : memref<16384xf32, #tpu.memory_space<vmem>> -> memref<512xf32, #tpu.memory_space<vmem>>
    %dma_wait3A_689 = tpu.memref_slice %arg6[%dma_wait3A_686, %mul3A_2] : memref<32x16384xf32, #tpu.memory_space<hbm>> -> memref<1x512xf32, #tpu.memory_space<hbm>>
    %dma_wait3A_690 = tpu.memref_squeeze %dma_wait3A_689 : memref<1x512xf32, #tpu.memory_space<hbm>> -> memref<512xf32, #tpu.memory_space<hbm>>
    %dma_wait3A_691 = tpu.memref_slice %arg6[%dma_wait3A_686, %mul3A_2] : memref<32x16384xf32, #tpu.memory_space<hbm>> -> memref<1x512xf32, #tpu.memory_space<hbm>>
    %dma_wait3A_692 = tpu.memref_squeeze %dma_wait3A_691 : memref<1x512xf32, #tpu.memory_space<hbm>> -> memref<512xf32, #tpu.memory_space<hbm>>
    %dma_wait3A_693 = arith.constant 12800 : i32
    %dma_wait3A_694 = tpu.memref_slice %arg11[%dma_wait3A_693] : memref<16384xf32, #tpu.memory_space<vmem>> -> memref<512xf32, #tpu.memory_space<vmem>>
    tpu.wait_dma2 semaphore(%arg15 : memref<!tpu.dma_semaphore, #tpu.memory_space<semaphore_mem>>) src(%dma_wait3A_694 : memref<512xf32, #tpu.memory_space<vmem>>) dst(%dma_wait3A_692 : memref<512xf32, #tpu.memory_space<hbm>>)
    %dma_wait3A_695 = arith.constant 26 : i32
    %dma_wait3A_696 = arith.constant 13312 : i32
    %dma_wait3A_697 = tpu.memref_slice %arg11[%dma_wait3A_696] : memref<16384xf32, #tpu.memory_space<vmem>> -> memref<512xf32, #tpu.memory_space<vmem>>
    %dma_wait3A_698 = tpu.memref_slice %arg6[%dma_wait3A_695, %mul3A_2] : memref<32x16384xf32, #tpu.memory_space<hbm>> -> memref<1x512xf32, #tpu.memory_space<hbm>>
    %dma_wait3A_699 = tpu.memref_squeeze %dma_wait3A_698 : memref<1x512xf32, #tpu.memory_space<hbm>> -> memref<512xf32, #tpu.memory_space<hbm>>
    %dma_wait3A_700 = tpu.memref_slice %arg6[%dma_wait3A_695, %mul3A_2] : memref<32x16384xf32, #tpu.memory_space<hbm>> -> memref<1x512xf32, #tpu.memory_space<hbm>>
    %dma_wait3A_701 = tpu.memref_squeeze %dma_wait3A_700 : memref<1x512xf32, #tpu.memory_space<hbm>> -> memref<512xf32, #tpu.memory_space<hbm>>
    %dma_wait3A_702 = arith.constant 13312 : i32
    %dma_wait3A_703 = tpu.memref_slice %arg11[%dma_wait3A_702] : memref<16384xf32, #tpu.memory_space<vmem>> -> memref<512xf32, #tpu.memory_space<vmem>>
    tpu.wait_dma2 semaphore(%arg15 : memref<!tpu.dma_semaphore, #tpu.memory_space<semaphore_mem>>) src(%dma_wait3A_703 : memref<512xf32, #tpu.memory_space<vmem>>) dst(%dma_wait3A_701 : memref<512xf32, #tpu.memory_space<hbm>>)
    %dma_wait3A_704 = arith.constant 27 : i32
    %dma_wait3A_705 = arith.constant 13824 : i32
    %dma_wait3A_706 = tpu.memref_slice %arg11[%dma_wait3A_705] : memref<16384xf32, #tpu.memory_space<vmem>> -> memref<512xf32, #tpu.memory_space<vmem>>
    %dma_wait3A_707 = tpu.memref_slice %arg6[%dma_wait3A_704, %mul3A_2] : memref<32x16384xf32, #tpu.memory_space<hbm>> -> memref<1x512xf32, #tpu.memory_space<hbm>>
    %dma_wait3A_708 = tpu.memref_squeeze %dma_wait3A_707 : memref<1x512xf32, #tpu.memory_space<hbm>> -> memref<512xf32, #tpu.memory_space<hbm>>
    %dma_wait3A_709 = tpu.memref_slice %arg6[%dma_wait3A_704, %mul3A_2] : memref<32x16384xf32, #tpu.memory_space<hbm>> -> memref<1x512xf32, #tpu.memory_space<hbm>>
    %dma_wait3A_710 = tpu.memref_squeeze %dma_wait3A_709 : memref<1x512xf32, #tpu.memory_space<hbm>> -> memref<512xf32, #tpu.memory_space<hbm>>
    %dma_wait3A_711 = arith.constant 13824 : i32
    %dma_wait3A_712 = tpu.memref_slice %arg11[%dma_wait3A_711] : memref<16384xf32, #tpu.memory_space<vmem>> -> memref<512xf32, #tpu.memory_space<vmem>>
    tpu.wait_dma2 semaphore(%arg15 : memref<!tpu.dma_semaphore, #tpu.memory_space<semaphore_mem>>) src(%dma_wait3A_712 : memref<512xf32, #tpu.memory_space<vmem>>) dst(%dma_wait3A_710 : memref<512xf32, #tpu.memory_space<hbm>>)
    %dma_wait3A_713 = arith.constant 28 : i32
    %dma_wait3A_714 = arith.constant 14336 : i32
    %dma_wait3A_715 = tpu.memref_slice %arg11[%dma_wait3A_714] : memref<16384xf32, #tpu.memory_space<vmem>> -> memref<512xf32, #tpu.memory_space<vmem>>
    %dma_wait3A_716 = tpu.memref_slice %arg6[%dma_wait3A_713, %mul3A_2] : memref<32x16384xf32, #tpu.memory_space<hbm>> -> memref<1x512xf32, #tpu.memory_space<hbm>>
    %dma_wait3A_717 = tpu.memref_squeeze %dma_wait3A_716 : memref<1x512xf32, #tpu.memory_space<hbm>> -> memref<512xf32, #tpu.memory_space<hbm>>
    %dma_wait3A_718 = tpu.memref_slice %arg6[%dma_wait3A_713, %mul3A_2] : memref<32x16384xf32, #tpu.memory_space<hbm>> -> memref<1x512xf32, #tpu.memory_space<hbm>>
    %dma_wait3A_719 = tpu.memref_squeeze %dma_wait3A_718 : memref<1x512xf32, #tpu.memory_space<hbm>> -> memref<512xf32, #tpu.memory_space<hbm>>
    %dma_wait3A_720 = arith.constant 14336 : i32
    %dma_wait3A_721 = tpu.memref_slice %arg11[%dma_wait3A_720] : memref<16384xf32, #tpu.memory_space<vmem>> -> memref<512xf32, #tpu.memory_space<vmem>>
    tpu.wait_dma2 semaphore(%arg15 : memref<!tpu.dma_semaphore, #tpu.memory_space<semaphore_mem>>) src(%dma_wait3A_721 : memref<512xf32, #tpu.memory_space<vmem>>) dst(%dma_wait3A_719 : memref<512xf32, #tpu.memory_space<hbm>>)
    %dma_wait3A_722 = arith.constant 29 : i32
    %dma_wait3A_723 = arith.constant 14848 : i32
    %dma_wait3A_724 = tpu.memref_slice %arg11[%dma_wait3A_723] : memref<16384xf32, #tpu.memory_space<vmem>> -> memref<512xf32, #tpu.memory_space<vmem>>
    %dma_wait3A_725 = tpu.memref_slice %arg6[%dma_wait3A_722, %mul3A_2] : memref<32x16384xf32, #tpu.memory_space<hbm>> -> memref<1x512xf32, #tpu.memory_space<hbm>>
    %dma_wait3A_726 = tpu.memref_squeeze %dma_wait3A_725 : memref<1x512xf32, #tpu.memory_space<hbm>> -> memref<512xf32, #tpu.memory_space<hbm>>
    %dma_wait3A_727 = tpu.memref_slice %arg6[%dma_wait3A_722, %mul3A_2] : memref<32x16384xf32, #tpu.memory_space<hbm>> -> memref<1x512xf32, #tpu.memory_space<hbm>>
    %dma_wait3A_728 = tpu.memref_squeeze %dma_wait3A_727 : memref<1x512xf32, #tpu.memory_space<hbm>> -> memref<512xf32, #tpu.memory_space<hbm>>
    %dma_wait3A_729 = arith.constant 14848 : i32
    %dma_wait3A_730 = tpu.memref_slice %arg11[%dma_wait3A_729] : memref<16384xf32, #tpu.memory_space<vmem>> -> memref<512xf32, #tpu.memory_space<vmem>>
    tpu.wait_dma2 semaphore(%arg15 : memref<!tpu.dma_semaphore, #tpu.memory_space<semaphore_mem>>) src(%dma_wait3A_730 : memref<512xf32, #tpu.memory_space<vmem>>) dst(%dma_wait3A_728 : memref<512xf32, #tpu.memory_space<hbm>>)
    %dma_wait3A_731 = arith.constant 30 : i32
    %dma_wait3A_732 = arith.constant 15360 : i32
    %dma_wait3A_733 = tpu.memref_slice %arg11[%dma_wait3A_732] : memref<16384xf32, #tpu.memory_space<vmem>> -> memref<512xf32, #tpu.memory_space<vmem>>
    %dma_wait3A_734 = tpu.memref_slice %arg6[%dma_wait3A_731, %mul3A_2] : memref<32x16384xf32, #tpu.memory_space<hbm>> -> memref<1x512xf32, #tpu.memory_space<hbm>>
    %dma_wait3A_735 = tpu.memref_squeeze %dma_wait3A_734 : memref<1x512xf32, #tpu.memory_space<hbm>> -> memref<512xf32, #tpu.memory_space<hbm>>
    %dma_wait3A_736 = tpu.memref_slice %arg6[%dma_wait3A_731, %mul3A_2] : memref<32x16384xf32, #tpu.memory_space<hbm>> -> memref<1x512xf32, #tpu.memory_space<hbm>>
    %dma_wait3A_737 = tpu.memref_squeeze %dma_wait3A_736 : memref<1x512xf32, #tpu.memory_space<hbm>> -> memref<512xf32, #tpu.memory_space<hbm>>
    %dma_wait3A_738 = arith.constant 15360 : i32
    %dma_wait3A_739 = tpu.memref_slice %arg11[%dma_wait3A_738] : memref<16384xf32, #tpu.memory_space<vmem>> -> memref<512xf32, #tpu.memory_space<vmem>>
    tpu.wait_dma2 semaphore(%arg15 : memref<!tpu.dma_semaphore, #tpu.memory_space<semaphore_mem>>) src(%dma_wait3A_739 : memref<512xf32, #tpu.memory_space<vmem>>) dst(%dma_wait3A_737 : memref<512xf32, #tpu.memory_space<hbm>>)
    %dma_wait3A_740 = arith.constant 31 : i32
    %dma_wait3A_741 = arith.constant 15872 : i32
    %dma_wait3A_742 = tpu.memref_slice %arg11[%dma_wait3A_741] : memref<16384xf32, #tpu.memory_space<vmem>> -> memref<512xf32, #tpu.memory_space<vmem>>
    %dma_wait3A_743 = tpu.memref_slice %arg6[%dma_wait3A_740, %mul3A_2] : memref<32x16384xf32, #tpu.memory_space<hbm>> -> memref<1x512xf32, #tpu.memory_space<hbm>>
    %dma_wait3A_744 = tpu.memref_squeeze %dma_wait3A_743 : memref<1x512xf32, #tpu.memory_space<hbm>> -> memref<512xf32, #tpu.memory_space<hbm>>
    %dma_wait3A_745 = tpu.memref_slice %arg6[%dma_wait3A_740, %mul3A_2] : memref<32x16384xf32, #tpu.memory_space<hbm>> -> memref<1x512xf32, #tpu.memory_space<hbm>>
    %dma_wait3A_746 = tpu.memref_squeeze %dma_wait3A_745 : memref<1x512xf32, #tpu.memory_space<hbm>> -> memref<512xf32, #tpu.memory_space<hbm>>
    %dma_wait3A_747 = arith.constant 15872 : i32
    %dma_wait3A_748 = tpu.memref_slice %arg11[%dma_wait3A_747] : memref<16384xf32, #tpu.memory_space<vmem>> -> memref<512xf32, #tpu.memory_space<vmem>>
    tpu.wait_dma2 semaphore(%arg15 : memref<!tpu.dma_semaphore, #tpu.memory_space<semaphore_mem>>) src(%dma_wait3A_748 : memref<512xf32, #tpu.memory_space<vmem>>) dst(%dma_wait3A_746 : memref<512xf32, #tpu.memory_space<hbm>>)
    return
  }
}

</mosaic_0001>

<sc_bundles>
// kernel: kernel.3.cloned.1.call-start
scs
__scs_entry_jumppad:
0x0: {  	(pc) =	sbr.rel $0x88, $3  }
0x1: {  	(tag) =	ssettag $0x0;
	lr =	simm.s32 $0x1  }
0x2: {  	[smem:$0x3F9D] =	sst lr;
	_ =	strace $0xD0000000  }
0x3: {  	_ = 	snop  }
0x4: {  	_ = 	snop  }
0x5: {  	_ = 	snop  }
0x6: {  	_ = 	snop  }
0x7: {  	_ = 	snop  }
__scs_overlays_trampoline_lowered:
0x8: {  	[smem:$0x3FAC] =	sst s0  }
0x9: {  	[smem:$0x3FAD] =	sst s1  }
0xa: {  	[smem:$0x3FAE] =	sst s2  }
0xb: {  	[smem:$0x3FAF] =	sst s3  }
0xc: {  	[smem:$0x3FB0] =	sst s4  }
0xd: {  	[smem:$0x3FB1] =	sst s5  }
0xe: {  	[smem:$0x3FB2] =	sst s6  }
0xf: {  	[smem:$0x3FB3] =	sst s7  }
0x10: {  	[smem:$0x3FB4] =	sst s8  }
0x11: {  	[smem:$0x3FB5] =	sst s9;
	s0 =	simm.s32 @!p0 $0x0  }
0x12: {  	s1 =	sld [smem:$0x3F9B];
	s0 =	simm.s32 @p0 $0x1  }
0x13: {  	[smem:$0x3FB6] =	sst s0;
	s0 =	simm.s32 @!p1 $0x0  }
0x14: {  	s2 =	sld [smem:$0x3F9A];
	s0 =	simm.s32 @p1 $0x1  }
0x15: {  	[smem:$0x3FB7] =	sst s0;
	s0 =	simm.s32 @!p2 $0x0  }
0x16: {  	s3 =	sld [smem:$0x3FDB];
	s0 =	simm.s32 @p2 $0x1  }
0x17: {  	s4 =	simm.s32 $0x1BF5;
	[smem:$0x3FB9] =	sst s0  }
0x18: {  	s0 =	sld [smem:$0x3F9C];
	_ =	swait.ge [sflag:s4], $0x0  }
0x19: {  	s7 =	sld [smem:$0x3F9D]  }
0x1a: {  	s8 =	sadd.s32 $0xFFFFE003, lr  }
0x1b: {  	s9 =	sadd.s32 $0xFFFFFEF7, lr;
	s5 =	simm.s32 $0xFFFFFFFF;
	p2 =	slt.u32 s8, $0xFFFFF086  }
0x1c: {  	p1 =	slt.u32 s9, $0xF7A;
	s5 =	simm.s32 @!p2 $0x0  }
0x1d: {  	s5 =	simm.s32 @p1 $0x1;
	p0 =	seq.s32 s7, s2  }
0x1e: {  	s7 =	smul.u32 @!p0 $0xF7A, s2;
	p2 =	seq.s32 @!p0 s5, $0x0  }
0x1f: {  	s9 =	smul.u32 $0xF7A, s1;
	s8 =	simm.s32 @!p0 $0x1BF5;
	p2 =	por !p2, p0  }
0x20: {  	[sflag:s8] =	ssyncset.s32 @!p0 $0xFFFFF086;
	s6 =	sadd.s32 @!p0 s3, s7;
	s7 =	simm.s32 @!p0 $0x108  }
0x21: {  	s3 =	sadd.s32 s3, s9;
	s6 =	sadd.s32 @!p0 $0x88, s6;
	s7 =	simm.s32 @p2 $0x1082  }
0x22: {  	[simem:s7], [sflag:s8] =	dma.local @!p0 [hbm:s6], $0xF7A  }
0x23: {  	s9 =	sor.u32 $0xD0000000, s2;
	s6 =	simm.s32 $0x108;
	_ =	swait.ge @!p0 [sflag:s8], $0x0  }
0x24: {  	s3 =	sadd.s32 $0x88, s3;
	s6 =	simm.s32 @!p1 $0x1082;
	[sflag:s4] =	ssyncset.s32 $0xFFFFF086  }
0x25: {  	[simem:s6], [sflag:s4] =	dma.local [hbm:s3], $0xF7A  }
0x26: {  	[smem:$0x3F9D] =	sst s1;
	(tag) =	ssettag s2;
	_ =	strace s9  }
0x27: {  	s1 =	sld [smem:$0x3FAD]  }
0x28: {  	s2 =	sld [smem:$0x3FAE]  }
0x29: {  	s4 =	sld [smem:$0x3FB0]  }
0x2a: {  	p0 =	seq.s32 s5, $0x0;
	s5 =	sld [smem:$0x3FB1]  }
0x2b: {  	s6 =	sld [smem:$0x3FB2]  }
0x2c: {  	s7 =	sld [smem:$0x3FB3]  }
0x2d: {  	s3 =	simm.s32 $0x108;
	s8 =	sld [smem:$0x3FB4]  }
0x2e: {  	s3 =	simm.s32 @!p0 $0x1082;
	s9 =	sld [smem:$0x3FB5]  }
0x2f: {  	lr =	sadd.s32 s0, s3;
	s0 =	sld [smem:$0x3FAC]  }
0x30: {  	s3 =	sld [smem:$0x3FAF]  }
0x31: {  	[smem:$0x3FB8] =	sst s10  }
0x32: {  	s10 =	sld [smem:$0x3FB6];
	_ =	sdelay $0x3  }
0x33: {  	p0 =	seq.s32 s10, $0x1;
	s10 =	sld [smem:$0x3FB8];
	_ =	sdelay $0x3  }
0x34: {  	[smem:$0x3FB8] =	sst s10  }
0x35: {  	s10 =	sld [smem:$0x3FB7];
	_ =	sdelay $0x3  }
0x36: {  	p1 =	seq.s32 s10, $0x1;
	s10 =	sld [smem:$0x3FB8];
	_ =	sdelay $0x3  }
0x37: {  	[smem:$0x3FB8] =	sst s10  }
0x38: {  	s10 =	sld [smem:$0x3FB9]  }
0x39: {  	_ = 	snop;
	(pc) =	sbr.ind lr, $3  }
0x3a: {  	_ = 	snop  }
0x3b: {  	_ = 	snop  }
0x3c: {  	p2 =	seq.s32 s10, $0x1;
	s10 =	sld [smem:$0x3FB8]  }
0x3d: {  	_ =	shalt  }
0x3e: {  	_ =	shalt  }
0x3f: {  	_ =	shalt  }
0x40: {  	_ =	shalt  }
0x41: {  	_ =	shalt  }
0x42: {  	_ =	shalt  }
0x43: {  	_ =	shalt  }
0x44: {  	_ =	shalt  }
0x45: {  	_ =	shalt  }
0x46: {  	_ =	shalt  }
0x47: {  	_ =	shalt  }
0x48: {  	_ =	shalt  }
0x49: {  	_ =	shalt  }
0x4a: {  	_ =	shalt  }
0x4b: {  	_ =	shalt  }
0x4c: {  	_ =	shalt  }
0x4d: {  	_ =	shalt  }
0x4e: {  	_ =	shalt  }
0x4f: {  	_ =	shalt  }
0x50: {  	_ =	shalt  }
0x51: {  	_ =	shalt  }
0x52: {  	_ =	shalt  }
0x53: {  	_ =	shalt  }
0x54: {  	_ =	shalt  }
0x55: {  	_ =	shalt  }
0x56: {  	_ =	shalt  }
0x57: {  	_ =	shalt  }
0x58: {  	_ =	shalt  }
0x59: {  	_ =	shalt  }
0x5a: {  	_ =	shalt  }
0x5b: {  	_ =	shalt  }
0x5c: {  	_ =	shalt  }
0x5d: {  	_ =	shalt  }
0x5e: {  	_ =	shalt  }
0x5f: {  	_ =	shalt  }
0x60: {  	_ =	shalt  }
0x61: {  	_ =	shalt  }
0x62: {  	_ =	shalt  }
0x63: {  	_ =	shalt  }
0x64: {  	_ =	shalt  }
0x65: {  	_ =	shalt  }
0x66: {  	_ =	shalt  }
0x67: {  	_ =	shalt  }
0x68: {  	_ =	shalt  }
0x69: {  	_ =	shalt  }
0x6a: {  	_ =	shalt  }
0x6b: {  	_ =	shalt  }
0x6c: {  	_ =	shalt  }
0x6d: {  	_ =	shalt  }
0x6e: {  	_ =	shalt  }
0x6f: {  	_ =	shalt  }
0x70: {  	_ =	shalt  }
0x71: {  	_ =	shalt  }
0x72: {  	_ =	shalt  }
0x73: {  	_ =	shalt  }
0x74: {  	_ =	shalt  }
0x75: {  	_ =	shalt  }
0x76: {  	_ =	shalt  }
0x77: {  	_ =	shalt  }
0x78: {  	_ =	shalt  }
0x79: {  	_ =	shalt  }
0x7a: {  	_ =	shalt  }
0x7b: {  	_ =	shalt  }
0x7c: {  	_ =	shalt  }
0x7d: {  	_ =	shalt  }
0x7e: {  	_ =	shalt  }
0x7f: {  	_ =	shalt  }
0x80: {  	_ =	shalt  }
0x81: {  	_ =	shalt  }
0x82: {  	_ =	shalt  }
0x83: {  	_ =	shalt  }
0x84: {  	_ =	shalt  }
0x85: {  	_ =	shalt  }
0x86: {  	_ =	shalt  }
0x87: {  	_ =	shalt  }
.Lfunc_end0:
.L_simem_size_0:
called_computation_lowered:
.L_overlay_start_0:
0x88: {  	s2 =	sld [smem:$0x3FD9]  }
0x89: {  	s3 =	sld [smem:$0x3FFE];
	_ =	sdelay $0x1  }
0x8a: {  	s1 =	srdreg.scid  }
0x8b: {  	s0 =	sand.u32 $0x1, s1  }
0x8c: {  	s17 =	sshll.u32 s0, $0xA;
	s2 =	sadd.s32 s3, s2  }
0x8d: {  	s2 =	sadd.s32 s2, s17  }
0x8e: {  	[smem:$0x3FC4] =	sst s2  }
0x8f: {  	_ = 	snop  }
0x90: {  	s2 =	sld [smem:$0x3FC9]  }
0x91: {  	s18 =	sld [smem:$0x3FC8]  }
0x92: {  	s4 =	sld [smem:$0x3FD0];
	(tm) =	ssettm $0x1  }
0x93: {  	s5 =	sld [smem:$0x3FFB];
	_ =	sdelay $0x3  }
0x94: {  	_ =	strace s5  }
0x95: {  	s5 =	sld [smem:$0x3FFC];
	_ =	sdelay $0x3  }
0x96: {  	_ =	strace s5  }
0x97: {  	s5 =	sld [smem:$0x3FFD];
	_ =	sdelay $0x3  }
0x98: {  	_ =	strace s5  }
0x99: {  	_ =	strace $0x8FFFFFFF  }
0x9a: {  	s19 =	sld [smem:$0x3FDB];
	_ =	sdelay $0x1  }
0x9b: {  	s6 =	simm.s32 $_scs_section_size  }
0x9c: {  	s7 =	simm.s32 $_size__tile_overlayer_lowered;
	s8 =	simm.s32 $_tile_overlayer_lowered  }
0x9d: {  	s22 =	simm.s32 $0x1BFF;
	s21 =	sshll.u32 s8, $0x1;
	s5 =	sadd.s32 s6, s19  }
0x9e: {  	s9 =	simm.s32 $0x0;
	s20 =	sshll.u32 s7, $0x1;
	s7 =	sadd.s32 s21, s5  }
0x9f: {  	[timem:s9], [sflag:s22] =	dma.local [hbm:s7], s20  }
0xa0: {  	_ =	swait.ge [sflag:s22], s20  }
0xa1: {  	s6 =	ssub.s32 $0x0, s20;
	[sflag:s22] =	ssyncset.done $0x0  }
0xa2: {  	[sflag:s22] =	ssyncadd.s32 s6;
	_ =	sdelay $0x1  }
0xa3: {  	s23 =	simm.s32 $0x1B8B  }
0xa4: {  	_ =	swait.ge [sflag:s23], $0x1  }
0xa5: {  	[sflag:s23] =	ssyncset.done $0x0  }
0xa6: {  	s25 =	simm.s32 $0x1B8E;
	s24 =	sld [smem:$0x3FFE];
	[sflag:s23] =	ssyncadd.s32 $0xFFFFFFFF  }
0xa7: {  	s26 =	simm.s32 $execute0_lowered;
	[smem:$0x3FD2] =	sst s25  }
0xa8: {  	s7 =	sshll.u32 s26, $0x1;
	_ =	strace $0x80000046;
	[dreg:$0x1] =	wrdreg $0xFFFFFFFF  }
0xa9: {  	s28 =	simm.s32 $_size_execute0_lowered;
	s5 =	sadd.s32 s5, s7;
	[dreg:$0x0] =	wrdreg $0x0  }
0xaa: {  	s7 =	sshll.u32 s28, $0x1;
	[dreg:$0x2] =	wrdreg s5  }
0xab: {  	[dreg:$0x3] =	wrdreg s7  }
0xac: {  	[dreg:$0x4] =	wrdreg $0xC0  }
0xad: {  	_ =	task [dreg:s9], $0x5FFFF  }
0xae: {  	[dreg:$0x1] =	wrdreg $0xFFFFFFFF  }
0xaf: {  	[dreg:$0x0] =	wrdreg $0x60  }
0xb0: {  	[dreg:$0x2] =	wrdreg s2  }
0xb1: {  	[dreg:$0x3] =	wrdreg s18  }
0xb2: {  	[dreg:$0x4] =	wrdreg s24  }
0xb3: {  	[dreg:$0x5] =	wrdreg s4  }
0xb4: {  	[dreg:$0x6] =	wrdreg $0x9  }
0xb5: {  	_ =	task.clear_ibuf [dreg:s9], $0x7FFFF;
	_ =	strace $0x90000046  }
0xb6: {  	s29 =	simm.s32 $0x9;
	_ =	strace $0x80000048  }
0xb7: {  	_ =	swait.ge [sflag:s29], $0x1  }
0xb8: {  	[sflag:s29] =	ssyncadd.s32 $0xFFFFFFFF  }
0xb9: {  	_ =	strace $0x90000048  }
0xba: {  	_ =	sfence  }
0xbb: {  	s30 =	sld [smem:$0x0];
	_ =	sdelay $0x2  }
0xbc: {  	s31 =	sshll.u32 s1, $0xD;
	s1 =	sshrl.u32 s1, $0x2  }
0xbd: {  	s3 =	sand.u32 $0x4000, s31;
	s1 =	sadd.s32 s1, s30  }
0xbe: {  	s0 =	sor.u32 s3, s0;
	s1 =	sshll.u32 s1, $0x11  }
0xbf: {  	s0 =	sor.u32 s1, s0  }
0xc0: {  	s0 =	sadd.s32 $0x8F2B, s0  }
0xc1: {  	[sflag:s0] =	ssyncadd.remote.s32 $0x1  }
0xc2: {  	_ =	sfence.sel $0xFFFF  }
0xc3: {  	[dreg:$0x0] =	wrdreg $0xFFFFFFFF;
	(pc) =	sbr.abs _section_cstart, $3  }
0xc4: {  	[dreg:$0x1] =	wrdreg $0xFFFFFFFF  }
0xc5: {  	_ =	task.clear_ibuf [dreg:s9], $0x2FFFF;
	_ =	strace $0x9FFFFFFF  }
0xc6: {  	(tm) =	ssettm $0x7FFFFFFF  }
0xc7: {  	_ =	shalt  }
tec
execute0_lowered:
.L_overlay_start_1:
0x0: {  	(tag) =	ssettag $0x1  }
0x1: {  	s0 =	rddreg [dreg:$0x0]  }
0x2: {  	s1 =	rddreg [dreg:$0x1];
	s3 =	srdreg.scid  }
0x3: {  	s7 =	rddreg [dreg:$0x2];
	s5 =	stileid.u32;
	s3 =	sand.u32 $0x1, s3  }
0x4: {  	s5 =	sshll.u32 s5, $0xA;
	s8 =	ssub.s32 $0x2, s3;
	s3 =	sshll.u32 s3, $0x9  }
0x5: {  	s2 =	rddreg [dreg:$0x3];
	s4 =	simm.s32 $0x0;
	s3 =	sor.u32 s3, s5  }
0x6: {  	[smem:$0x7FF] =	sst s4;
	s9 =	sadd.s32 $0x3D0A00, s7;
	s10 =	sshrl.u32 s3, $0x3  }
0x7: {  	_ =	strace $0x80000047;
	[dreg:$0x5] =	wrdreg s9;
	s0 =	sadd.s32 s0, s10  }
0x8: {  	s7 =	sadd.s32 s2, s3;
	s11 =	sadd.s32 s1, s10;
	[dreg:$0x6] =	wrdreg s0  }
0x9: {  	s12 =	sadd.s32 $0x10, s7;
	[dreg:$0x7] =	wrdreg s11  }
0xa: {  	s6 =	sshrl.u32 s8, $0x1;
	s13 =	sadd.s32 $0x20, s7;
	[dreg:$0x8] =	wrdreg s12  }
0xb: {  	s4 =	ssub.s32 s8, s6;
	s14 =	sadd.s32 $0x30, s7;
	[dreg:$0x9] =	wrdreg s13  }
0xc: {  	s15 =	sadd.s32 $0x40, s7;
	s16 =	sadd.s32 $0x50, s7;
	[dreg:$0xa] =	wrdreg s14  }
0xd: {  	s17 =	sadd.s32 $0x60, s7;
	s18 =	sadd.s32 $0x70, s7;
	[dreg:$0xb] =	wrdreg s15  }
0xe: {  	s19 =	sadd.s32 $0x4000, s7;
	s20 =	sadd.s32 $0x4010, s7;
	[dreg:$0xc] =	wrdreg s16  }
0xf: {  	s21 =	sadd.s32 $0x4020, s7;
	s22 =	sadd.s32 $0x4030, s7;
	[dreg:$0xd] =	wrdreg s17  }
0x10: {  	s23 =	sadd.s32 $0x4040, s7;
	s24 =	sadd.s32 $0x4050, s7;
	[dreg:$0xe] =	wrdreg s18  }
0x11: {  	s25 =	sadd.s32 $0x4060, s7;
	s26 =	sadd.s32 $0x4070, s7;
	[dreg:$0xf] =	wrdreg s19  }
0x12: {  	s28 =	sadd.s32 $0x8030, s7;
	s29 =	sadd.s32 $0x8040, s7;
	[dreg:$0x10] =	wrdreg s20  }
0x13: {  	s30 =	sadd.s32 $0x8050, s7;
	s31 =	sadd.s32 $0x8060, s7;
	[dreg:$0x11] =	wrdreg s21  }
0x14: {  	s2 =	sadd.s32 $0xC000, s7;
	s1 =	sadd.s32 $0xC010, s7;
	[dreg:$0x12] =	wrdreg s22  }
0x15: {  	s3 =	sadd.s32 $0xC020, s7;
	s5 =	sadd.s32 $0xC040, s7;
	[dreg:$0x13] =	wrdreg s23  }
0x16: {  	s6 =	sadd.s32 $0xC050, s7;
	s8 =	sadd.s32 $0xC060, s7;
	[dreg:$0x14] =	wrdreg s24  }
0x17: {  	s9 =	sadd.s32 $0xC070, s7;
	s10 =	simm.s32 $0x4;
	[dreg:$0x15] =	wrdreg s25  }
0x18: {  	[dreg:$0x16] =	wrdreg s26;
	s23 =	sadd.s32 $0x8000, s7;
	s24 =	sadd.s32 $0x8010, s7  }
0x19: {  	s25 =	smax.u32 s4, $0x1;
	s26 =	sadd.s32 $0x8020, s7;
	s0 =	sadd.s32 $0x8070, s7  }
0x1a: {  	s4 =	sadd.s32 $0xC030, s7;
	s11 =	simm.s32 $0x4000;
	s12 =	simm.s32 $0x400  }
0x1b: {  	s13 =	simm.s32 $0x8400;
	s14 =	simm.s32 $0x1;
	s15 =	simm.s32 $0x2  }
0x1c: {  	s16 =	simm.s32 $0x80;
	s17 =	simm.s32 $0x3;
	s18 =	simm.s32 $0x0  }
.LBB2_1:
0x1d: {  	s19 =	simm.s32 $0x0;
	s20 =	rddreg [dreg:$0x6]  }
0x1e: {  	[tilespmem:s19], [sflag:$0x4] =	stream.linear.gather [hbm4b:s20+s19], $0x200, $0x38;
	[tilespmem:$0x10400] =	vst v63  }
0x1f: {  	_ =	swait.ge [sflag:s10], $0x200  }
0x20: {  	[sflag:s10] =	ssyncset.done $0x0  }
0x21: {  	s21 =	simm.s32 $0x200;
	s22 =	rddreg [dreg:$0x7];
	[sflag:s10] =	ssyncadd.s32 $0xFFFFFE00  }
0x22: {  	[tilespmem:s21], [sflag:$0x4] =	stream.linear.gather [hbm4b:s22+s19], $0x200, $0x38;
	[tilespmem:$0x10400] =	vst v63  }
0x23: {  	_ =	swait.ge [sflag:s10], $0x200  }
0x24: {  	[sflag:s10] =	ssyncset.done $0x0  }
0x25: {  	s19 =	simm.s32 $0x0;
	[sflag:s10] =	ssyncadd.s32 $0xFFFFFE00  }
0x26: {  	v0 =	vld [tilespmem:s19+$0x200]  }
0x27: {  	v1 =	vld [tilespmem:s19+$0x0];
	_ =	sdelay $0x2  }
0x28: {  	s20 =	simm.s32 $0x40  }
.LBB2_2:
0x29: {  	s21 =	sshra.s32 s20, $0x2;
	p0 =	sne.s32 s20, $0x7C0;
	s20 =	sadd.s32 $0x40, s20;
	[tilespmem:s19+$0x4400] =	vst v0  }
.Ltmp0:
0x2a: {  	v0 =	vld [tilespmem:s21+$0x200];
	[tilespmem:s19+$0x400] =	vst v1;
	s19 =	smov.u32 s21;
	(pc) =	sbr.rel @p0 .LBB2_2-.Ltmp0, $1  }
0x2b: {  	v1 =	vld [tilespmem:s19+$0x0];
	_ =	sdelay $0x3  }
0x2c: {  	[tilespmem:s19+$0x4400] =	vst v0  }
0x2d: {  	[tilespmem:s19+$0x400] =	vst v1;
	s19 =	simm.s32 $0x0  }
0x2e: {  	v0 =	vld [tilespmem:s19+$0x200]  }
0x2f: {  	s21 =	simm.s32 $0x40;
	s20 =	simm.s32 $0x0;
	v1 =	vld [tilespmem:s19+$0x0]  }
.LBB2_4:
0x30: {  	p0 =	sne.s32 s21, $0x7C0  }
.Ltmp1:
0x31: {  	_ = 	snop;
	(pc) =	sbr.rel @p0 .LBB2_4-.Ltmp1, $4  }
0x32: {  	_ = 	snop  }
0x33: {  	s22 =	sshra.s32 s21, $0x2;
	s21 =	sadd.s32 $0x40, s21;
	v2 =	vadd.s32 $0xF4240, v0  }
0x34: {  	v0 =	vld [tilespmem:s22+$0x200];
	v3 =	vadd.s32 $0xF4240, v1;
	[tilespmem:s20+$0x4600] =	vst v2  }
0x35: {  	v1 =	vld [tilespmem:s22+$0x0];
	[tilespmem:s20+$0x600] =	vst v3;
	s20 =	smov.u32 s22  }
0x36: {  	_ =	sdelay $0x2  }
0x37: {  	v0 =	vadd.s32 $0xF4240, v0  }
0x38: {  	v1 =	vadd.s32 $0xF4240, v1;
	[tilespmem:s20+$0x4600] =	vst v0  }
0x39: {  	[tilespmem:s20+$0x600] =	vst v1  }
0x3a: {  	v0 =	vld [tilespmem:s19+$0x200]  }
0x3b: {  	s20 =	simm.s32 $0x40;
	v1 =	vld [tilespmem:s19+$0x0]  }
.LBB2_6:
0x3c: {  	p0 =	sne.s32 s20, $0x7C0  }
.Ltmp2:
0x3d: {  	_ = 	snop;
	(pc) =	sbr.rel @p0 .LBB2_6-.Ltmp2, $4  }
0x3e: {  	_ = 	snop  }
0x3f: {  	s21 =	sshra.s32 s20, $0x2;
	s20 =	sadd.s32 $0x40, s20;
	v2 =	vadd.s32 $0x1E8480, v0  }
0x40: {  	v0 =	vld [tilespmem:s21+$0x200];
	v3 =	vadd.s32 $0x1E8480, v1;
	[tilespmem:s19+$0x4800] =	vst v2  }
0x41: {  	v1 =	vld [tilespmem:s21+$0x0];
	[tilespmem:s19+$0x800] =	vst v3;
	s19 =	smov.u32 s21  }
0x42: {  	_ =	sdelay $0x2  }
0x43: {  	v0 =	vadd.s32 $0x1E8480, v0  }
0x44: {  	v1 =	vadd.s32 $0x1E8480, v1;
	[tilespmem:s19+$0x4800] =	vst v0  }
0x45: {  	[tilespmem:s19+$0x800] =	vst v1;
	s19 =	simm.s32 $0x0  }
0x46: {  	v0 =	vld [tilespmem:s19+$0x200]  }
0x47: {  	s21 =	simm.s32 $0x40;
	s20 =	simm.s32 $0x0;
	v1 =	vld [tilespmem:s19+$0x0]  }
.LBB2_8:
0x48: {  	p0 =	sne.s32 s21, $0x7C0  }
.Ltmp3:
0x49: {  	_ = 	snop;
	(pc) =	sbr.rel @p0 .LBB2_8-.Ltmp3, $4  }
0x4a: {  	_ = 	snop  }
0x4b: {  	s22 =	sshra.s32 s21, $0x2;
	s21 =	sadd.s32 $0x40, s21;
	v2 =	vadd.s32 $0x2DC6C0, v0  }
0x4c: {  	v0 =	vld [tilespmem:s22+$0x200];
	v3 =	vadd.s32 $0x2DC6C0, v1;
	[tilespmem:s20+$0x4A00] =	vst v2  }
0x4d: {  	v1 =	vld [tilespmem:s22+$0x0];
	[tilespmem:s20+$0xA00] =	vst v3;
	s20 =	smov.u32 s22  }
0x4e: {  	_ =	sdelay $0x2  }
0x4f: {  	v0 =	vadd.s32 $0x2DC6C0, v0  }
0x50: {  	v1 =	vadd.s32 $0x2DC6C0, v1;
	[tilespmem:s20+$0x4A00] =	vst v0  }
0x51: {  	[tilespmem:s20+$0xA00] =	vst v1  }
0x52: {  	v0 =	vld [tilespmem:s19+$0x200]  }
0x53: {  	s20 =	simm.s32 $0x40;
	v1 =	vld [tilespmem:s19+$0x0]  }
.LBB2_10:
0x54: {  	p0 =	sne.s32 s20, $0x7C0  }
.Ltmp4:
0x55: {  	_ = 	snop;
	(pc) =	sbr.rel @p0 .LBB2_10-.Ltmp4, $4  }
0x56: {  	_ = 	snop  }
0x57: {  	s21 =	sshra.s32 s20, $0x2;
	s20 =	sadd.s32 $0x40, s20;
	v2 =	vadd.s32 $0x3D0900, v0  }
0x58: {  	v0 =	vld [tilespmem:s21+$0x200];
	v3 =	vadd.s32 $0x3D0900, v1;
	[tilespmem:s19+$0x4C00] =	vst v2  }
0x59: {  	v1 =	vld [tilespmem:s21+$0x0];
	[tilespmem:s19+$0xC00] =	vst v3;
	s19 =	smov.u32 s21  }
0x5a: {  	_ =	sdelay $0x2  }
0x5b: {  	v0 =	vadd.s32 $0x3D0900, v0  }
0x5c: {  	v1 =	vadd.s32 $0x3D0900, v1;
	[tilespmem:s19+$0x4C00] =	vst v0  }
0x5d: {  	[tilespmem:s19+$0xC00] =	vst v1;
	s19 =	simm.s32 $0x0  }
0x5e: {  	v0 =	vld [tilespmem:s19+$0x200]  }
0x5f: {  	s21 =	simm.s32 $0x40;
	s20 =	simm.s32 $0x0;
	v1 =	vld [tilespmem:s19+$0x0]  }
.LBB2_12:
0x60: {  	p0 =	sne.s32 s21, $0x7C0  }
.Ltmp5:
0x61: {  	_ = 	snop;
	(pc) =	sbr.rel @p0 .LBB2_12-.Ltmp5, $4  }
0x62: {  	_ = 	snop  }
0x63: {  	s22 =	sshra.s32 s21, $0x2;
	s21 =	sadd.s32 $0x40, s21;
	v2 =	vadd.s32 $0x4C4B40, v0  }
0x64: {  	v0 =	vld [tilespmem:s22+$0x200];
	v3 =	vadd.s32 $0x4C4B40, v1;
	[tilespmem:s20+$0x4E00] =	vst v2  }
0x65: {  	v1 =	vld [tilespmem:s22+$0x0];
	[tilespmem:s20+$0xE00] =	vst v3;
	s20 =	smov.u32 s22  }
0x66: {  	_ =	sdelay $0x2  }
0x67: {  	v0 =	vadd.s32 $0x4C4B40, v0  }
0x68: {  	v1 =	vadd.s32 $0x4C4B40, v1;
	[tilespmem:s20+$0x4E00] =	vst v0  }
0x69: {  	[tilespmem:s20+$0xE00] =	vst v1  }
0x6a: {  	v0 =	vld [tilespmem:s19+$0x200]  }
0x6b: {  	s20 =	simm.s32 $0x40;
	v1 =	vld [tilespmem:s19+$0x0]  }
.LBB2_14:
0x6c: {  	p0 =	sne.s32 s20, $0x7C0  }
.Ltmp6:
0x6d: {  	_ = 	snop;
	(pc) =	sbr.rel @p0 .LBB2_14-.Ltmp6, $4  }
0x6e: {  	_ = 	snop  }
0x6f: {  	s21 =	sshra.s32 s20, $0x2;
	s20 =	sadd.s32 $0x40, s20;
	v2 =	vadd.s32 $0x5B8D80, v0  }
0x70: {  	v0 =	vld [tilespmem:s21+$0x200];
	v3 =	vadd.s32 $0x5B8D80, v1;
	[tilespmem:s19+$0x5000] =	vst v2  }
0x71: {  	v1 =	vld [tilespmem:s21+$0x0];
	[tilespmem:s19+$0x1000] =	vst v3;
	s19 =	smov.u32 s21  }
0x72: {  	_ =	sdelay $0x2  }
0x73: {  	v0 =	vadd.s32 $0x5B8D80, v0  }
0x74: {  	v1 =	vadd.s32 $0x5B8D80, v1;
	[tilespmem:s19+$0x5000] =	vst v0  }
0x75: {  	[tilespmem:s19+$0x1000] =	vst v1;
	s19 =	simm.s32 $0x0  }
0x76: {  	v0 =	vld [tilespmem:s19+$0x200]  }
0x77: {  	s21 =	simm.s32 $0x40;
	s20 =	simm.s32 $0x0;
	v1 =	vld [tilespmem:s19+$0x0]  }
.LBB2_16:
0x78: {  	p0 =	sne.s32 s21, $0x7C0  }
.Ltmp7:
0x79: {  	_ = 	snop;
	(pc) =	sbr.rel @p0 .LBB2_16-.Ltmp7, $4  }
0x7a: {  	_ = 	snop  }
0x7b: {  	s22 =	sshra.s32 s21, $0x2;
	s21 =	sadd.s32 $0x40, s21;
	v2 =	vadd.s32 $0x6ACFC0, v0  }
0x7c: {  	v0 =	vld [tilespmem:s22+$0x200];
	v3 =	vadd.s32 $0x6ACFC0, v1;
	[tilespmem:s20+$0x5200] =	vst v2  }
0x7d: {  	v1 =	vld [tilespmem:s22+$0x0];
	[tilespmem:s20+$0x1200] =	vst v3;
	s20 =	smov.u32 s22  }
0x7e: {  	_ =	sdelay $0x2  }
0x7f: {  	v0 =	vadd.s32 $0x6ACFC0, v0  }
0x80: {  	v1 =	vadd.s32 $0x6ACFC0, v1;
	[tilespmem:s20+$0x5200] =	vst v0  }
0x81: {  	[tilespmem:s20+$0x1200] =	vst v1  }
0x82: {  	v0 =	vld [tilespmem:s19+$0x200]  }
0x83: {  	s20 =	simm.s32 $0x40;
	v1 =	vld [tilespmem:s19+$0x0]  }
.LBB2_18:
0x84: {  	p0 =	sne.s32 s20, $0x7C0  }
.Ltmp8:
0x85: {  	_ = 	snop;
	(pc) =	sbr.rel @p0 .LBB2_18-.Ltmp8, $4  }
0x86: {  	_ = 	snop  }
0x87: {  	s21 =	sshra.s32 s20, $0x2;
	s20 =	sadd.s32 $0x40, s20;
	v2 =	vadd.s32 $0x7A1200, v0  }
0x88: {  	v0 =	vld [tilespmem:s21+$0x200];
	v3 =	vadd.s32 $0x7A1200, v1;
	[tilespmem:s19+$0x5400] =	vst v2  }
0x89: {  	v1 =	vld [tilespmem:s21+$0x0];
	[tilespmem:s19+$0x1400] =	vst v3;
	s19 =	smov.u32 s21  }
0x8a: {  	_ =	sdelay $0x2  }
0x8b: {  	v0 =	vadd.s32 $0x7A1200, v0  }
0x8c: {  	v1 =	vadd.s32 $0x7A1200, v1;
	[tilespmem:s19+$0x5400] =	vst v0  }
0x8d: {  	[tilespmem:s19+$0x1400] =	vst v1;
	s19 =	simm.s32 $0x0  }
0x8e: {  	v0 =	vld [tilespmem:s19+$0x200]  }
0x8f: {  	s21 =	simm.s32 $0x40;
	s20 =	simm.s32 $0x0;
	v1 =	vld [tilespmem:s19+$0x0]  }
.LBB2_20:
0x90: {  	p0 =	sne.s32 s21, $0x7C0  }
.Ltmp9:
0x91: {  	_ = 	snop;
	(pc) =	sbr.rel @p0 .LBB2_20-.Ltmp9, $4  }
0x92: {  	_ = 	snop  }
0x93: {  	s22 =	sshra.s32 s21, $0x2;
	s21 =	sadd.s32 $0x40, s21;
	v2 =	vadd.s32 $0x895440, v0  }
0x94: {  	v0 =	vld [tilespmem:s22+$0x200];
	v3 =	vadd.s32 $0x895440, v1;
	[tilespmem:s20+$0x5600] =	vst v2  }
0x95: {  	v1 =	vld [tilespmem:s22+$0x0];
	[tilespmem:s20+$0x1600] =	vst v3;
	s20 =	smov.u32 s22  }
0x96: {  	_ =	sdelay $0x2  }
0x97: {  	v0 =	vadd.s32 $0x895440, v0  }
0x98: {  	v1 =	vadd.s32 $0x895440, v1;
	[tilespmem:s20+$0x5600] =	vst v0  }
0x99: {  	[tilespmem:s20+$0x1600] =	vst v1  }
0x9a: {  	v0 =	vld [tilespmem:s19+$0x200]  }
0x9b: {  	s20 =	simm.s32 $0x40;
	v1 =	vld [tilespmem:s19+$0x0]  }
.LBB2_22:
0x9c: {  	p0 =	sne.s32 s20, $0x7C0  }
.Ltmp10:
0x9d: {  	_ = 	snop;
	(pc) =	sbr.rel @p0 .LBB2_22-.Ltmp10, $4  }
0x9e: {  	_ = 	snop  }
0x9f: {  	s21 =	sshra.s32 s20, $0x2;
	s20 =	sadd.s32 $0x40, s20;
	v2 =	vadd.s32 $0x989680, v0  }
0xa0: {  	v0 =	vld [tilespmem:s21+$0x200];
	v3 =	vadd.s32 $0x989680, v1;
	[tilespmem:s19+$0x5800] =	vst v2  }
0xa1: {  	v1 =	vld [tilespmem:s21+$0x0];
	[tilespmem:s19+$0x1800] =	vst v3;
	s19 =	smov.u32 s21  }
0xa2: {  	_ =	sdelay $0x2  }
0xa3: {  	v0 =	vadd.s32 $0x989680, v0  }
0xa4: {  	v1 =	vadd.s32 $0x989680, v1;
	[tilespmem:s19+$0x5800] =	vst v0  }
0xa5: {  	[tilespmem:s19+$0x1800] =	vst v1;
	s19 =	simm.s32 $0x0  }
0xa6: {  	v0 =	vld [tilespmem:s19+$0x200]  }
0xa7: {  	s21 =	simm.s32 $0x40;
	s20 =	simm.s32 $0x0;
	v1 =	vld [tilespmem:s19+$0x0]  }
.LBB2_24:
0xa8: {  	p0 =	sne.s32 s21, $0x7C0  }
.Ltmp11:
0xa9: {  	_ = 	snop;
	(pc) =	sbr.rel @p0 .LBB2_24-.Ltmp11, $4  }
0xaa: {  	_ = 	snop  }
0xab: {  	s22 =	sshra.s32 s21, $0x2;
	s21 =	sadd.s32 $0x40, s21;
	v2 =	vadd.s32 $0xA7D8C0, v0  }
0xac: {  	v0 =	vld [tilespmem:s22+$0x200];
	v3 =	vadd.s32 $0xA7D8C0, v1;
	[tilespmem:s20+$0x5A00] =	vst v2  }
0xad: {  	v1 =	vld [tilespmem:s22+$0x0];
	[tilespmem:s20+$0x1A00] =	vst v3;
	s20 =	smov.u32 s22  }
0xae: {  	_ =	sdelay $0x2  }
0xaf: {  	v0 =	vadd.s32 $0xA7D8C0, v0  }
0xb0: {  	v1 =	vadd.s32 $0xA7D8C0, v1;
	[tilespmem:s20+$0x5A00] =	vst v0  }
0xb1: {  	[tilespmem:s20+$0x1A00] =	vst v1  }
0xb2: {  	v0 =	vld [tilespmem:s19+$0x200]  }
0xb3: {  	s20 =	simm.s32 $0x40;
	v1 =	vld [tilespmem:s19+$0x0]  }
.LBB2_26:
0xb4: {  	p0 =	sne.s32 s20, $0x7C0  }
.Ltmp12:
0xb5: {  	_ = 	snop;
	(pc) =	sbr.rel @p0 .LBB2_26-.Ltmp12, $4  }
0xb6: {  	_ = 	snop  }
0xb7: {  	s21 =	sshra.s32 s20, $0x2;
	s20 =	sadd.s32 $0x40, s20;
	v2 =	vadd.s32 $0xB71B00, v0  }
0xb8: {  	v0 =	vld [tilespmem:s21+$0x200];
	v3 =	vadd.s32 $0xB71B00, v1;
	[tilespmem:s19+$0x5C00] =	vst v2  }
0xb9: {  	v1 =	vld [tilespmem:s21+$0x0];
	[tilespmem:s19+$0x1C00] =	vst v3;
	s19 =	smov.u32 s21  }
0xba: {  	_ =	sdelay $0x2  }
0xbb: {  	v0 =	vadd.s32 $0xB71B00, v0  }
0xbc: {  	v1 =	vadd.s32 $0xB71B00, v1;
	[tilespmem:s19+$0x5C00] =	vst v0  }
0xbd: {  	[tilespmem:s19+$0x1C00] =	vst v1;
	s19 =	simm.s32 $0x0  }
0xbe: {  	v0 =	vld [tilespmem:s19+$0x200]  }
0xbf: {  	s21 =	simm.s32 $0x40;
	s20 =	simm.s32 $0x0;
	v1 =	vld [tilespmem:s19+$0x0]  }
.LBB2_28:
0xc0: {  	p0 =	sne.s32 s21, $0x7C0  }
.Ltmp13:
0xc1: {  	_ = 	snop;
	(pc) =	sbr.rel @p0 .LBB2_28-.Ltmp13, $4  }
0xc2: {  	_ = 	snop  }
0xc3: {  	s22 =	sshra.s32 s21, $0x2;
	s21 =	sadd.s32 $0x40, s21;
	v2 =	vadd.s32 $0xC65D40, v0  }
0xc4: {  	v0 =	vld [tilespmem:s22+$0x200];
	v3 =	vadd.s32 $0xC65D40, v1;
	[tilespmem:s20+$0x5E00] =	vst v2  }
0xc5: {  	v1 =	vld [tilespmem:s22+$0x0];
	[tilespmem:s20+$0x1E00] =	vst v3;
	s20 =	smov.u32 s22  }
0xc6: {  	_ =	sdelay $0x2  }
0xc7: {  	v0 =	vadd.s32 $0xC65D40, v0  }
0xc8: {  	v1 =	vadd.s32 $0xC65D40, v1;
	[tilespmem:s20+$0x5E00] =	vst v0  }
0xc9: {  	[tilespmem:s20+$0x1E00] =	vst v1  }
0xca: {  	v0 =	vld [tilespmem:s19+$0x200]  }
0xcb: {  	s20 =	simm.s32 $0x40;
	v1 =	vld [tilespmem:s19+$0x0]  }
.LBB2_30:
0xcc: {  	p0 =	sne.s32 s20, $0x7C0  }
.Ltmp14:
0xcd: {  	_ = 	snop;
	(pc) =	sbr.rel @p0 .LBB2_30-.Ltmp14, $4  }
0xce: {  	_ = 	snop  }
0xcf: {  	s21 =	sshra.s32 s20, $0x2;
	s20 =	sadd.s32 $0x40, s20;
	v2 =	vadd.s32 $0xD59F80, v0  }
0xd0: {  	v0 =	vld [tilespmem:s21+$0x200];
	v3 =	vadd.s32 $0xD59F80, v1;
	[tilespmem:s19+$0x6000] =	vst v2  }
0xd1: {  	v1 =	vld [tilespmem:s21+$0x0];
	[tilespmem:s19+$0x2000] =	vst v3;
	s19 =	smov.u32 s21  }
0xd2: {  	_ =	sdelay $0x2  }
0xd3: {  	v0 =	vadd.s32 $0xD59F80, v0  }
0xd4: {  	v1 =	vadd.s32 $0xD59F80, v1;
	[tilespmem:s19+$0x6000] =	vst v0  }
0xd5: {  	[tilespmem:s19+$0x2000] =	vst v1;
	s19 =	simm.s32 $0x0  }
0xd6: {  	v0 =	vld [tilespmem:s19+$0x200]  }
0xd7: {  	s21 =	simm.s32 $0x40;
	s20 =	simm.s32 $0x0;
	v1 =	vld [tilespmem:s19+$0x0]  }
.LBB2_32:
0xd8: {  	p0 =	sne.s32 s21, $0x7C0  }
.Ltmp15:
0xd9: {  	_ = 	snop;
	(pc) =	sbr.rel @p0 .LBB2_32-.Ltmp15, $4  }
0xda: {  	_ = 	snop  }
0xdb: {  	s22 =	sshra.s32 s21, $0x2;
	s21 =	sadd.s32 $0x40, s21;
	v2 =	vadd.s32 $0xE4E1C0, v0  }
0xdc: {  	v0 =	vld [tilespmem:s22+$0x200];
	v3 =	vadd.s32 $0xE4E1C0, v1;
	[tilespmem:s20+$0x6200] =	vst v2  }
0xdd: {  	v1 =	vld [tilespmem:s22+$0x0];
	[tilespmem:s20+$0x2200] =	vst v3;
	s20 =	smov.u32 s22  }
0xde: {  	_ =	sdelay $0x2  }
0xdf: {  	v0 =	vadd.s32 $0xE4E1C0, v0  }
0xe0: {  	v1 =	vadd.s32 $0xE4E1C0, v1;
	[tilespmem:s20+$0x6200] =	vst v0  }
0xe1: {  	[tilespmem:s20+$0x2200] =	vst v1  }
0xe2: {  	v0 =	vld [tilespmem:s19+$0x200]  }
0xe3: {  	s20 =	simm.s32 $0x40;
	v1 =	vld [tilespmem:s19+$0x0]  }
.LBB2_34:
0xe4: {  	p0 =	sne.s32 s20, $0x7C0  }
.Ltmp16:
0xe5: {  	_ = 	snop;
	(pc) =	sbr.rel @p0 .LBB2_34-.Ltmp16, $4  }
0xe6: {  	_ = 	snop  }
0xe7: {  	s21 =	sshra.s32 s20, $0x2;
	s20 =	sadd.s32 $0x40, s20;
	v2 =	vadd.s32 $0xF42400, v0  }
0xe8: {  	v0 =	vld [tilespmem:s21+$0x200];
	v3 =	vadd.s32 $0xF42400, v1;
	[tilespmem:s19+$0x6400] =	vst v2  }
0xe9: {  	v1 =	vld [tilespmem:s21+$0x0];
	[tilespmem:s19+$0x2400] =	vst v3;
	s19 =	smov.u32 s21  }
0xea: {  	_ =	sdelay $0x2  }
0xeb: {  	v0 =	vadd.s32 $0xF42400, v0  }
0xec: {  	v1 =	vadd.s32 $0xF42400, v1;
	[tilespmem:s19+$0x6400] =	vst v0  }
0xed: {  	[tilespmem:s19+$0x2400] =	vst v1;
	s19 =	simm.s32 $0x0  }
0xee: {  	v0 =	vld [tilespmem:s19+$0x200]  }
0xef: {  	s21 =	simm.s32 $0x40;
	s20 =	simm.s32 $0x0;
	v1 =	vld [tilespmem:s19+$0x0]  }
.LBB2_36:
0xf0: {  	p0 =	sne.s32 s21, $0x7C0  }
.Ltmp17:
0xf1: {  	_ = 	snop;
	(pc) =	sbr.rel @p0 .LBB2_36-.Ltmp17, $4  }
0xf2: {  	_ = 	snop  }
0xf3: {  	s22 =	sshra.s32 s21, $0x2;
	s21 =	sadd.s32 $0x40, s21;
	v2 =	vadd.s32 $0x1036640, v0  }
0xf4: {  	v0 =	vld [tilespmem:s22+$0x200];
	v3 =	vadd.s32 $0x1036640, v1;
	[tilespmem:s20+$0x6600] =	vst v2  }
0xf5: {  	v1 =	vld [tilespmem:s22+$0x0];
	[tilespmem:s20+$0x2600] =	vst v3;
	s20 =	smov.u32 s22  }
0xf6: {  	_ =	sdelay $0x2  }
0xf7: {  	v0 =	vadd.s32 $0x1036640, v0  }
0xf8: {  	v1 =	vadd.s32 $0x1036640, v1;
	[tilespmem:s20+$0x6600] =	vst v0  }
0xf9: {  	[tilespmem:s20+$0x2600] =	vst v1  }
0xfa: {  	v0 =	vld [tilespmem:s19+$0x200]  }
0xfb: {  	s20 =	simm.s32 $0x40;
	v1 =	vld [tilespmem:s19+$0x0]  }
.LBB2_38:
0xfc: {  	p0 =	sne.s32 s20, $0x7C0  }
.Ltmp18:
0xfd: {  	_ = 	snop;
	(pc) =	sbr.rel @p0 .LBB2_38-.Ltmp18, $4  }
0xfe: {  	_ = 	snop  }
0xff: {  	s21 =	sshra.s32 s20, $0x2;
	s20 =	sadd.s32 $0x40, s20;
	v2 =	vadd.s32 $0x112A880, v0  }
0x100: {  	v0 =	vld [tilespmem:s21+$0x200];
	v3 =	vadd.s32 $0x112A880, v1;
	[tilespmem:s19+$0x6800] =	vst v2  }
0x101: {  	v1 =	vld [tilespmem:s21+$0x0];
	[tilespmem:s19+$0x2800] =	vst v3;
	s19 =	smov.u32 s21  }
0x102: {  	_ =	sdelay $0x2  }
0x103: {  	v0 =	vadd.s32 $0x112A880, v0  }
0x104: {  	v1 =	vadd.s32 $0x112A880, v1;
	[tilespmem:s19+$0x6800] =	vst v0  }
0x105: {  	[tilespmem:s19+$0x2800] =	vst v1;
	s19 =	simm.s32 $0x0  }
0x106: {  	v0 =	vld [tilespmem:s19+$0x200]  }
0x107: {  	s21 =	simm.s32 $0x40;
	s20 =	simm.s32 $0x0;
	v1 =	vld [tilespmem:s19+$0x0]  }
.LBB2_40:
0x108: {  	p0 =	sne.s32 s21, $0x7C0  }
.Ltmp19:
0x109: {  	_ = 	snop;
	(pc) =	sbr.rel @p0 .LBB2_40-.Ltmp19, $4  }
0x10a: {  	_ = 	snop  }
0x10b: {  	s22 =	sshra.s32 s21, $0x2;
	s21 =	sadd.s32 $0x40, s21;
	v2 =	vadd.s32 $0x121EAC0, v0  }
0x10c: {  	v0 =	vld [tilespmem:s22+$0x200];
	v3 =	vadd.s32 $0x121EAC0, v1;
	[tilespmem:s20+$0x6A00] =	vst v2  }
0x10d: {  	v1 =	vld [tilespmem:s22+$0x0];
	[tilespmem:s20+$0x2A00] =	vst v3;
	s20 =	smov.u32 s22  }
0x10e: {  	_ =	sdelay $0x2  }
0x10f: {  	v0 =	vadd.s32 $0x121EAC0, v0  }
0x110: {  	v1 =	vadd.s32 $0x121EAC0, v1;
	[tilespmem:s20+$0x6A00] =	vst v0  }
0x111: {  	[tilespmem:s20+$0x2A00] =	vst v1  }
0x112: {  	v0 =	vld [tilespmem:s19+$0x200]  }
0x113: {  	s20 =	simm.s32 $0x40;
	v1 =	vld [tilespmem:s19+$0x0]  }
.LBB2_42:
0x114: {  	p0 =	sne.s32 s20, $0x7C0  }
.Ltmp20:
0x115: {  	_ = 	snop;
	(pc) =	sbr.rel @p0 .LBB2_42-.Ltmp20, $4  }
0x116: {  	_ = 	snop  }
0x117: {  	s21 =	sshra.s32 s20, $0x2;
	s20 =	sadd.s32 $0x40, s20;
	v2 =	vadd.s32 $0x1312D00, v0  }
0x118: {  	v0 =	vld [tilespmem:s21+$0x200];
	v3 =	vadd.s32 $0x1312D00, v1;
	[tilespmem:s19+$0x6C00] =	vst v2  }
0x119: {  	v1 =	vld [tilespmem:s21+$0x0];
	[tilespmem:s19+$0x2C00] =	vst v3;
	s19 =	smov.u32 s21  }
0x11a: {  	_ =	sdelay $0x2  }
0x11b: {  	v0 =	vadd.s32 $0x1312D00, v0  }
0x11c: {  	v1 =	vadd.s32 $0x1312D00, v1;
	[tilespmem:s19+$0x6C00] =	vst v0  }
0x11d: {  	[tilespmem:s19+$0x2C00] =	vst v1;
	s19 =	simm.s32 $0x0  }
0x11e: {  	v0 =	vld [tilespmem:s19+$0x200]  }
0x11f: {  	s21 =	simm.s32 $0x40;
	s20 =	simm.s32 $0x0;
	v1 =	vld [tilespmem:s19+$0x0]  }
.LBB2_44:
0x120: {  	p0 =	sne.s32 s21, $0x7C0  }
.Ltmp21:
0x121: {  	_ = 	snop;
	(pc) =	sbr.rel @p0 .LBB2_44-.Ltmp21, $4  }
0x122: {  	_ = 	snop  }
0x123: {  	s22 =	sshra.s32 s21, $0x2;
	s21 =	sadd.s32 $0x40, s21;
	v2 =	vadd.s32 $0x1406F40, v0  }
0x124: {  	v0 =	vld [tilespmem:s22+$0x200];
	v3 =	vadd.s32 $0x1406F40, v1;
	[tilespmem:s20+$0x6E00] =	vst v2  }
0x125: {  	v1 =	vld [tilespmem:s22+$0x0];
	[tilespmem:s20+$0x2E00] =	vst v3;
	s20 =	smov.u32 s22  }
0x126: {  	_ =	sdelay $0x2  }
0x127: {  	v0 =	vadd.s32 $0x1406F40, v0  }
0x128: {  	v1 =	vadd.s32 $0x1406F40, v1;
	[tilespmem:s20+$0x6E00] =	vst v0  }
0x129: {  	[tilespmem:s20+$0x2E00] =	vst v1  }
0x12a: {  	v0 =	vld [tilespmem:s19+$0x200]  }
0x12b: {  	s20 =	simm.s32 $0x40;
	v1 =	vld [tilespmem:s19+$0x0]  }
.LBB2_46:
0x12c: {  	p0 =	sne.s32 s20, $0x7C0  }
.Ltmp22:
0x12d: {  	_ = 	snop;
	(pc) =	sbr.rel @p0 .LBB2_46-.Ltmp22, $4  }
0x12e: {  	_ = 	snop  }
0x12f: {  	s21 =	sshra.s32 s20, $0x2;
	s20 =	sadd.s32 $0x40, s20;
	v2 =	vadd.s32 $0x14FB180, v0  }
0x130: {  	v0 =	vld [tilespmem:s21+$0x200];
	v3 =	vadd.s32 $0x14FB180, v1;
	[tilespmem:s19+$0x7000] =	vst v2  }
0x131: {  	v1 =	vld [tilespmem:s21+$0x0];
	[tilespmem:s19+$0x3000] =	vst v3;
	s19 =	smov.u32 s21  }
0x132: {  	_ =	sdelay $0x2  }
0x133: {  	v0 =	vadd.s32 $0x14FB180, v0  }
0x134: {  	v1 =	vadd.s32 $0x14FB180, v1;
	[tilespmem:s19+$0x7000] =	vst v0  }
0x135: {  	[tilespmem:s19+$0x3000] =	vst v1;
	s19 =	simm.s32 $0x0  }
0x136: {  	v0 =	vld [tilespmem:s19+$0x200]  }
0x137: {  	s21 =	simm.s32 $0x40;
	s20 =	simm.s32 $0x0;
	v1 =	vld [tilespmem:s19+$0x0]  }
.LBB2_48:
0x138: {  	p0 =	sne.s32 s21, $0x7C0  }
.Ltmp23:
0x139: {  	_ = 	snop;
	(pc) =	sbr.rel @p0 .LBB2_48-.Ltmp23, $4  }
0x13a: {  	_ = 	snop  }
0x13b: {  	s22 =	sshra.s32 s21, $0x2;
	s21 =	sadd.s32 $0x40, s21;
	v2 =	vadd.s32 $0x15EF3C0, v0  }
0x13c: {  	v0 =	vld [tilespmem:s22+$0x200];
	v3 =	vadd.s32 $0x15EF3C0, v1;
	[tilespmem:s20+$0x7200] =	vst v2  }
0x13d: {  	v1 =	vld [tilespmem:s22+$0x0];
	[tilespmem:s20+$0x3200] =	vst v3;
	s20 =	smov.u32 s22  }
0x13e: {  	_ =	sdelay $0x2  }
0x13f: {  	v0 =	vadd.s32 $0x15EF3C0, v0  }
0x140: {  	v1 =	vadd.s32 $0x15EF3C0, v1;
	[tilespmem:s20+$0x7200] =	vst v0  }
0x141: {  	[tilespmem:s20+$0x3200] =	vst v1  }
0x142: {  	v0 =	vld [tilespmem:s19+$0x200]  }
0x143: {  	s20 =	simm.s32 $0x40;
	v1 =	vld [tilespmem:s19+$0x0]  }
.LBB2_50:
0x144: {  	p0 =	sne.s32 s20, $0x7C0  }
.Ltmp24:
0x145: {  	_ = 	snop;
	(pc) =	sbr.rel @p0 .LBB2_50-.Ltmp24, $4  }
0x146: {  	_ = 	snop  }
0x147: {  	s21 =	sshra.s32 s20, $0x2;
	s20 =	sadd.s32 $0x40, s20;
	v2 =	vadd.s32 $0x16E3600, v0  }
0x148: {  	v0 =	vld [tilespmem:s21+$0x200];
	v3 =	vadd.s32 $0x16E3600, v1;
	[tilespmem:s19+$0x7400] =	vst v2  }
0x149: {  	v1 =	vld [tilespmem:s21+$0x0];
	[tilespmem:s19+$0x3400] =	vst v3;
	s19 =	smov.u32 s21  }
0x14a: {  	_ =	sdelay $0x2  }
0x14b: {  	v0 =	vadd.s32 $0x16E3600, v0  }
0x14c: {  	v1 =	vadd.s32 $0x16E3600, v1;
	[tilespmem:s19+$0x7400] =	vst v0  }
0x14d: {  	[tilespmem:s19+$0x3400] =	vst v1;
	s19 =	simm.s32 $0x0  }
0x14e: {  	v0 =	vld [tilespmem:s19+$0x200]  }
0x14f: {  	s21 =	simm.s32 $0x40;
	s20 =	simm.s32 $0x0;
	v1 =	vld [tilespmem:s19+$0x0]  }
.LBB2_52:
0x150: {  	p0 =	sne.s32 s21, $0x7C0  }
.Ltmp25:
0x151: {  	_ = 	snop;
	(pc) =	sbr.rel @p0 .LBB2_52-.Ltmp25, $4  }
0x152: {  	_ = 	snop  }
0x153: {  	s22 =	sshra.s32 s21, $0x2;
	s21 =	sadd.s32 $0x40, s21;
	v2 =	vadd.s32 $0x17D7840, v0  }
0x154: {  	v0 =	vld [tilespmem:s22+$0x200];
	v3 =	vadd.s32 $0x17D7840, v1;
	[tilespmem:s20+$0x7600] =	vst v2  }
0x155: {  	v1 =	vld [tilespmem:s22+$0x0];
	[tilespmem:s20+$0x3600] =	vst v3;
	s20 =	smov.u32 s22  }
0x156: {  	_ =	sdelay $0x2  }
0x157: {  	v0 =	vadd.s32 $0x17D7840, v0  }
0x158: {  	v1 =	vadd.s32 $0x17D7840, v1;
	[tilespmem:s20+$0x7600] =	vst v0  }
0x159: {  	[tilespmem:s20+$0x3600] =	vst v1  }
0x15a: {  	v0 =	vld [tilespmem:s19+$0x200]  }
0x15b: {  	s20 =	simm.s32 $0x40;
	v1 =	vld [tilespmem:s19+$0x0]  }
.LBB2_54:
0x15c: {  	p0 =	sne.s32 s20, $0x7C0  }
.Ltmp26:
0x15d: {  	_ = 	snop;
	(pc) =	sbr.rel @p0 .LBB2_54-.Ltmp26, $4  }
0x15e: {  	_ = 	snop  }
0x15f: {  	s21 =	sshra.s32 s20, $0x2;
	s20 =	sadd.s32 $0x40, s20;
	v2 =	vadd.s32 $0x18CBA80, v0  }
0x160: {  	v0 =	vld [tilespmem:s21+$0x200];
	v3 =	vadd.s32 $0x18CBA80, v1;
	[tilespmem:s19+$0x7800] =	vst v2  }
0x161: {  	v1 =	vld [tilespmem:s21+$0x0];
	[tilespmem:s19+$0x3800] =	vst v3;
	s19 =	smov.u32 s21  }
0x162: {  	_ =	sdelay $0x2  }
0x163: {  	v0 =	vadd.s32 $0x18CBA80, v0  }
0x164: {  	v1 =	vadd.s32 $0x18CBA80, v1;
	[tilespmem:s19+$0x7800] =	vst v0  }
0x165: {  	[tilespmem:s19+$0x3800] =	vst v1;
	s19 =	simm.s32 $0x0  }
0x166: {  	v0 =	vld [tilespmem:s19+$0x200]  }
0x167: {  	s21 =	simm.s32 $0x40;
	s20 =	simm.s32 $0x0;
	v1 =	vld [tilespmem:s19+$0x0]  }
.LBB2_56:
0x168: {  	p0 =	sne.s32 s21, $0x7C0  }
.Ltmp27:
0x169: {  	_ = 	snop;
	(pc) =	sbr.rel @p0 .LBB2_56-.Ltmp27, $4  }
0x16a: {  	_ = 	snop  }
0x16b: {  	s22 =	sshra.s32 s21, $0x2;
	s21 =	sadd.s32 $0x40, s21;
	v2 =	vadd.s32 $0x19BFCC0, v0  }
0x16c: {  	v0 =	vld [tilespmem:s22+$0x200];
	v3 =	vadd.s32 $0x19BFCC0, v1;
	[tilespmem:s20+$0x7A00] =	vst v2  }
0x16d: {  	v1 =	vld [tilespmem:s22+$0x0];
	[tilespmem:s20+$0x3A00] =	vst v3;
	s20 =	smov.u32 s22  }
0x16e: {  	_ =	sdelay $0x2  }
0x16f: {  	v0 =	vadd.s32 $0x19BFCC0, v0  }
0x170: {  	v1 =	vadd.s32 $0x19BFCC0, v1;
	[tilespmem:s20+$0x7A00] =	vst v0  }
0x171: {  	[tilespmem:s20+$0x3A00] =	vst v1  }
0x172: {  	v0 =	vld [tilespmem:s19+$0x200]  }
0x173: {  	s20 =	simm.s32 $0x40;
	v1 =	vld [tilespmem:s19+$0x0]  }
.LBB2_58:
0x174: {  	p0 =	sne.s32 s20, $0x7C0  }
.Ltmp28:
0x175: {  	_ = 	snop;
	(pc) =	sbr.rel @p0 .LBB2_58-.Ltmp28, $4  }
0x176: {  	_ = 	snop  }
0x177: {  	s21 =	sshra.s32 s20, $0x2;
	s20 =	sadd.s32 $0x40, s20;
	v2 =	vadd.s32 $0x1AB3F00, v0  }
0x178: {  	v0 =	vld [tilespmem:s21+$0x200];
	v3 =	vadd.s32 $0x1AB3F00, v1;
	[tilespmem:s19+$0x7C00] =	vst v2  }
0x179: {  	v1 =	vld [tilespmem:s21+$0x0];
	[tilespmem:s19+$0x3C00] =	vst v3;
	s19 =	smov.u32 s21  }
0x17a: {  	_ =	sdelay $0x2  }
0x17b: {  	v0 =	vadd.s32 $0x1AB3F00, v0  }
0x17c: {  	v1 =	vadd.s32 $0x1AB3F00, v1;
	[tilespmem:s19+$0x7C00] =	vst v0  }
0x17d: {  	[tilespmem:s19+$0x3C00] =	vst v1;
	s19 =	simm.s32 $0x0  }
0x17e: {  	v0 =	vld [tilespmem:s19+$0x200]  }
0x17f: {  	s21 =	simm.s32 $0x40;
	s20 =	simm.s32 $0x0;
	v1 =	vld [tilespmem:s19+$0x0]  }
.LBB2_60:
0x180: {  	p0 =	sne.s32 s21, $0x7C0  }
.Ltmp29:
0x181: {  	_ = 	snop;
	(pc) =	sbr.rel @p0 .LBB2_60-.Ltmp29, $4  }
0x182: {  	_ = 	snop  }
0x183: {  	s22 =	sshra.s32 s21, $0x2;
	s21 =	sadd.s32 $0x40, s21;
	v2 =	vadd.s32 $0x1BA8140, v0  }
0x184: {  	v0 =	vld [tilespmem:s22+$0x200];
	v3 =	vadd.s32 $0x1BA8140, v1;
	[tilespmem:s20+$0x7E00] =	vst v2  }
0x185: {  	v1 =	vld [tilespmem:s22+$0x0];
	[tilespmem:s20+$0x3E00] =	vst v3;
	s20 =	smov.u32 s22  }
0x186: {  	_ =	sdelay $0x2  }
0x187: {  	v0 =	vadd.s32 $0x1BA8140, v0  }
0x188: {  	v1 =	vadd.s32 $0x1BA8140, v1;
	[tilespmem:s20+$0x7E00] =	vst v0  }
0x189: {  	[tilespmem:s20+$0x3E00] =	vst v1  }
0x18a: {  	v0 =	vld [tilespmem:s19+$0x200]  }
0x18b: {  	s20 =	simm.s32 $0x40;
	v1 =	vld [tilespmem:s19+$0x0]  }
.LBB2_62:
0x18c: {  	p0 =	sne.s32 s20, $0x7C0  }
.Ltmp30:
0x18d: {  	_ = 	snop;
	(pc) =	sbr.rel @p0 .LBB2_62-.Ltmp30, $4  }
0x18e: {  	_ = 	snop  }
0x18f: {  	s21 =	sshra.s32 s20, $0x2;
	s20 =	sadd.s32 $0x40, s20;
	v2 =	vadd.s32 $0x1C9C380, v0  }
0x190: {  	v0 =	vld [tilespmem:s21+$0x200];
	v3 =	vadd.s32 $0x1C9C380, v1;
	[tilespmem:s19+$0x8000] =	vst v2  }
0x191: {  	v1 =	vld [tilespmem:s21+$0x0];
	[tilespmem:s19+$0x4000] =	vst v3;
	s19 =	smov.u32 s21  }
0x192: {  	_ =	sdelay $0x2  }
0x193: {  	v0 =	vadd.s32 $0x1C9C380, v0  }
0x194: {  	v1 =	vadd.s32 $0x1C9C380, v1;
	[tilespmem:s19+$0x8000] =	vst v0  }
0x195: {  	[tilespmem:s19+$0x4000] =	vst v1;
	s19 =	simm.s32 $0x0  }
0x196: {  	v0 =	vld [tilespmem:s19+$0x200]  }
0x197: {  	s20 =	simm.s32 $0x40;
	v1 =	vld [tilespmem:s19+$0x0]  }
.LBB2_64:
0x198: {  	p0 =	sne.s32 s20, $0x7C0  }
.Ltmp31:
0x199: {  	_ = 	snop;
	(pc) =	sbr.rel @p0 .LBB2_64-.Ltmp31, $4  }
0x19a: {  	_ = 	snop  }
0x19b: {  	s21 =	sshra.s32 s20, $0x2;
	s20 =	sadd.s32 $0x40, s20;
	v2 =	vadd.s32 $0x1D905C0, v0  }
0x19c: {  	v0 =	vld [tilespmem:s21+$0x200];
	v3 =	vadd.s32 $0x1D905C0, v1;
	[tilespmem:s19+$0x8200] =	vst v2  }
0x19d: {  	v1 =	vld [tilespmem:s21+$0x0];
	[tilespmem:s19+$0x4200] =	vst v3;
	s19 =	smov.u32 s21  }
0x19e: {  	_ =	sdelay $0x2  }
0x19f: {  	v0 =	vadd.s32 $0x1D905C0, v0  }
0x1a0: {  	v1 =	vadd.s32 $0x1D905C0, v1;
	[tilespmem:s19+$0x8200] =	vst v0  }
0x1a1: {  	s21 =	rddreg [dreg:$0x2];
	[tilespmem:s19+$0x4200] =	vst v1  }
0x1a2: {  	[tilespmem:s13], [sflag:$0x1] =	stream.indirect.gather [hbm4b:s21+s11], $0x1, s12, s11, $0xb8;
	[tilespmem:$0x10400] =	vst v63  }
0x1a3: {  	s22 =	rddreg [dreg:$0x5];
	s20 =	simm.s32 $0x4400;
	s21 =	simm.s32 $0xC400  }
0x1a4: {  	[tilespmem:s21], [sflag:$0x2] =	stream.indirect.gather [hbm4b:s22+s11], $0x1, s20, s11, $0xb8;
	[tilespmem:$0x10400] =	vst v63  }
0x1a5: {  	_ =	swait.ge [sflag:s14], $0x4000  }
0x1a6: {  	[sflag:s14] =	ssyncset.done $0x0  }
0x1a7: {  	[sflag:s14] =	ssyncadd.s32 $0xFFFFC000  }
0x1a8: {  	_ =	swait.ge [sflag:s15], $0x4000  }
0x1a9: {  	[sflag:s15] =	ssyncset.done $0x0  }
0x1aa: {  	s19 =	simm.s32 $0x0;
	[sflag:s15] =	ssyncadd.s32 $0xFFFFC000  }
0x1ab: {  	s20 =	simm.s32 $0x40;
	v0 =	vld [tilespmem:s19+$0xC400]  }
.LBB2_66:
0x1ac: {  	p0 =	sne.s32 s20, $0xFFC0;
	v1 =	vld [tilespmem:s19+$0x8400];
	_ =	sdelay $0x2  }
.Ltmp32:
0x1ad: {  	(pc) =	sbr.rel @p0 .LBB2_66-.Ltmp32, $4  }
0x1ae: {  	_ = 	snop  }
0x1af: {  	v1 =	vmul.f32 v0, v1  }
0x1b0: {  	s21 =	sshra.s32 s20, $0x2  }
0x1b1: {  	s20 =	sadd.s32 $0x40, s20;
	v0 =	vld [tilespmem:s21+$0xC400];
	[tilespmem:s19+$0x8400] =	vst v1;
	s19 =	smov.u32 s21  }
0x1b2: {  	v1 =	vld [tilespmem:s19+$0x8400];
	_ =	sdelay $0x4  }
0x1b3: {  	v0 =	vmul.f32 v0, v1;
	_ =	sdelay $0x1  }
0x1b4: {  	[tilespmem:s19+$0x8400] =	vst v0  }
0x1b5: {  	[hbm4b:s7+s16] =	stream.strided.scatter [tilespmem:s13], [sflag:$0x3], $0x200, s12, s16, $0x38;
	[tilespmem:$0x10400] =	vst v63  }
0x1b6: {  	s22 =	rddreg [dreg:$0x8];
	s20 =	simm.s32 $0x8600  }
0x1b7: {  	[hbm4b:s22+s16] =	stream.strided.scatter [tilespmem:s20], [sflag:$0x3], $0x200, s12, s16, $0x38;
	[tilespmem:$0x10400] =	vst v63  }
0x1b8: {  	s21 =	rddreg [dreg:$0x9];
	s22 =	simm.s32 $0x8800  }
0x1b9: {  	[hbm4b:s21+s16] =	stream.strided.scatter [tilespmem:s22], [sflag:$0x3], $0x200, s12, s16, $0x38;
	[tilespmem:$0x10400] =	vst v63  }
0x1ba: {  	s21 =	rddreg [dreg:$0xa];
	s22 =	simm.s32 $0x8A00  }
0x1bb: {  	[hbm4b:s21+s16] =	stream.strided.scatter [tilespmem:s22], [sflag:$0x3], $0x200, s12, s16, $0x38;
	[tilespmem:$0x10400] =	vst v63  }
0x1bc: {  	s21 =	rddreg [dreg:$0xb];
	s22 =	simm.s32 $0x8C00  }
0x1bd: {  	[hbm4b:s21+s16] =	stream.strided.scatter [tilespmem:s22], [sflag:$0x3], $0x200, s12, s16, $0x38;
	[tilespmem:$0x10400] =	vst v63  }
0x1be: {  	s21 =	rddreg [dreg:$0xc];
	s22 =	simm.s32 $0x8E00  }
0x1bf: {  	[hbm4b:s21+s16] =	stream.strided.scatter [tilespmem:s22], [sflag:$0x3], $0x200, s12, s16, $0x38;
	[tilespmem:$0x10400] =	vst v63  }
0x1c0: {  	s21 =	rddreg [dreg:$0xd];
	s22 =	simm.s32 $0x9000  }
0x1c1: {  	[hbm4b:s21+s16] =	stream.strided.scatter [tilespmem:s22], [sflag:$0x3], $0x200, s12, s16, $0x38;
	[tilespmem:$0x10400] =	vst v63  }
0x1c2: {  	s21 =	rddreg [dreg:$0xe];
	s22 =	simm.s32 $0x9200  }
0x1c3: {  	[hbm4b:s21+s16] =	stream.strided.scatter [tilespmem:s22], [sflag:$0x3], $0x200, s12, s16, $0x38;
	[tilespmem:$0x10400] =	vst v63  }
0x1c4: {  	s21 =	rddreg [dreg:$0xf];
	s22 =	simm.s32 $0x9400  }
0x1c5: {  	[hbm4b:s21+s16] =	stream.strided.scatter [tilespmem:s22], [sflag:$0x3], $0x200, s12, s16, $0x38;
	[tilespmem:$0x10400] =	vst v63  }
0x1c6: {  	s21 =	rddreg [dreg:$0x10];
	s22 =	simm.s32 $0x9600  }
0x1c7: {  	[hbm4b:s21+s16] =	stream.strided.scatter [tilespmem:s22], [sflag:$0x3], $0x200, s12, s16, $0x38;
	[tilespmem:$0x10400] =	vst v63  }
0x1c8: {  	s21 =	rddreg [dreg:$0x11];
	s22 =	simm.s32 $0x9800  }
0x1c9: {  	[hbm4b:s21+s16] =	stream.strided.scatter [tilespmem:s22], [sflag:$0x3], $0x200, s12, s16, $0x38;
	[tilespmem:$0x10400] =	vst v63  }
0x1ca: {  	s21 =	rddreg [dreg:$0x12];
	s22 =	simm.s32 $0x9A00  }
0x1cb: {  	[hbm4b:s21+s16] =	stream.strided.scatter [tilespmem:s22], [sflag:$0x3], $0x200, s12, s16, $0x38;
	[tilespmem:$0x10400] =	vst v63  }
0x1cc: {  	s21 =	rddreg [dreg:$0x13];
	s22 =	simm.s32 $0x9C00  }
0x1cd: {  	[hbm4b:s21+s16] =	stream.strided.scatter [tilespmem:s22], [sflag:$0x3], $0x200, s12, s16, $0x38;
	[tilespmem:$0x10400] =	vst v63  }
0x1ce: {  	s21 =	rddreg [dreg:$0x14];
	s22 =	simm.s32 $0x9E00  }
0x1cf: {  	[hbm4b:s21+s16] =	stream.strided.scatter [tilespmem:s22], [sflag:$0x3], $0x200, s12, s16, $0x38;
	[tilespmem:$0x10400] =	vst v63  }
0x1d0: {  	s21 =	rddreg [dreg:$0x15];
	s22 =	simm.s32 $0xA000  }
0x1d1: {  	[hbm4b:s21+s16] =	stream.strided.scatter [tilespmem:s22], [sflag:$0x3], $0x200, s12, s16, $0x38;
	[tilespmem:$0x10400] =	vst v63  }
0x1d2: {  	s20 =	rddreg [dreg:$0x16];
	s21 =	simm.s32 $0xA200  }
0x1d3: {  	[hbm4b:s20+s16] =	stream.strided.scatter [tilespmem:s21], [sflag:$0x3], $0x200, s12, s16, $0x38;
	[tilespmem:$0x10400] =	vst v63  }
0x1d4: {  	s22 =	simm.s32 $0xA400  }
0x1d5: {  	[hbm4b:s23+s16] =	stream.strided.scatter [tilespmem:s22], [sflag:$0x3], $0x200, s12, s16, $0x38;
	[tilespmem:$0x10400] =	vst v63  }
0x1d6: {  	s20 =	simm.s32 $0xA600  }
0x1d7: {  	[hbm4b:s24+s16] =	stream.strided.scatter [tilespmem:s20], [sflag:$0x3], $0x200, s12, s16, $0x38;
	[tilespmem:$0x10400] =	vst v63  }
0x1d8: {  	s21 =	simm.s32 $0xA800  }
0x1d9: {  	[hbm4b:s26+s16] =	stream.strided.scatter [tilespmem:s21], [sflag:$0x3], $0x200, s12, s16, $0x38;
	[tilespmem:$0x10400] =	vst v63  }
0x1da: {  	s22 =	simm.s32 $0xAA00  }
0x1db: {  	[hbm4b:s28+s16] =	stream.strided.scatter [tilespmem:s22], [sflag:$0x3], $0x200, s12, s16, $0x38;
	[tilespmem:$0x10400] =	vst v63  }
0x1dc: {  	s20 =	simm.s32 $0xAC00  }
0x1dd: {  	[hbm4b:s29+s16] =	stream.strided.scatter [tilespmem:s20], [sflag:$0x3], $0x200, s12, s16, $0x38;
	[tilespmem:$0x10400] =	vst v63  }
0x1de: {  	s21 =	simm.s32 $0xAE00  }
0x1df: {  	[hbm4b:s30+s16] =	stream.strided.scatter [tilespmem:s21], [sflag:$0x3], $0x200, s12, s16, $0x38;
	[tilespmem:$0x10400] =	vst v63  }
0x1e0: {  	s22 =	simm.s32 $0xB000  }
0x1e1: {  	[hbm4b:s31+s16] =	stream.strided.scatter [tilespmem:s22], [sflag:$0x3], $0x200, s12, s16, $0x38;
	[tilespmem:$0x10400] =	vst v63  }
0x1e2: {  	s20 =	simm.s32 $0xB200  }
0x1e3: {  	[hbm4b:s0+s16] =	stream.strided.scatter [tilespmem:s20], [sflag:$0x3], $0x200, s12, s16, $0x38;
	[tilespmem:$0x10400] =	vst v63  }
0x1e4: {  	s21 =	simm.s32 $0xB400  }
0x1e5: {  	[hbm4b:s2+s16] =	stream.strided.scatter [tilespmem:s21], [sflag:$0x3], $0x200, s12, s16, $0x38;
	[tilespmem:$0x10400] =	vst v63  }
0x1e6: {  	s22 =	simm.s32 $0xB600  }
0x1e7: {  	[hbm4b:s1+s16] =	stream.strided.scatter [tilespmem:s22], [sflag:$0x3], $0x200, s12, s16, $0x38;
	[tilespmem:$0x10400] =	vst v63  }
0x1e8: {  	s20 =	simm.s32 $0xB800  }
0x1e9: {  	[hbm4b:s3+s16] =	stream.strided.scatter [tilespmem:s20], [sflag:$0x3], $0x200, s12, s16, $0x38;
	[tilespmem:$0x10400] =	vst v63  }
0x1ea: {  	s21 =	simm.s32 $0xBA00  }
0x1eb: {  	[hbm4b:s4+s16] =	stream.strided.scatter [tilespmem:s21], [sflag:$0x3], $0x200, s12, s16, $0x38;
	[tilespmem:$0x10400] =	vst v63  }
0x1ec: {  	s22 =	simm.s32 $0xBC00  }
0x1ed: {  	[hbm4b:s5+s16] =	stream.strided.scatter [tilespmem:s22], [sflag:$0x3], $0x200, s12, s16, $0x38;
	[tilespmem:$0x10400] =	vst v63  }
0x1ee: {  	s20 =	simm.s32 $0xBE00  }
0x1ef: {  	[hbm4b:s6+s16] =	stream.strided.scatter [tilespmem:s20], [sflag:$0x3], $0x200, s12, s16, $0x38;
	[tilespmem:$0x10400] =	vst v63  }
0x1f0: {  	s21 =	simm.s32 $0xC000  }
0x1f1: {  	[hbm4b:s8+s16] =	stream.strided.scatter [tilespmem:s21], [sflag:$0x3], $0x200, s12, s16, $0x38;
	[tilespmem:$0x10400] =	vst v63  }
0x1f2: {  	s22 =	simm.s32 $0xC200  }
0x1f3: {  	[hbm4b:s9+s16] =	stream.strided.scatter [tilespmem:s22], [sflag:$0x3], $0x200, s12, s16, $0x38;
	[tilespmem:$0x10400] =	vst v63  }
0x1f4: {  	_ =	swait.ge [sflag:s17], $0x200  }
0x1f5: {  	[sflag:s17] =	ssyncset.done $0x0  }
0x1f6: {  	[sflag:s17] =	ssyncadd.s32 $0xFFFFFE00  }
0x1f7: {  	_ =	swait.ge [sflag:s17], $0x200  }
0x1f8: {  	[sflag:s17] =	ssyncset.done $0x0  }
0x1f9: {  	[sflag:s17] =	ssyncadd.s32 $0xFFFFFE00  }
0x1fa: {  	_ =	swait.ge [sflag:s17], $0x200  }
0x1fb: {  	[sflag:s17] =	ssyncset.done $0x0  }
0x1fc: {  	[sflag:s17] =	ssyncadd.s32 $0xFFFFFE00  }
0x1fd: {  	_ =	swait.ge [sflag:s17], $0x200  }
0x1fe: {  	[sflag:s17] =	ssyncset.done $0x0  }
0x1ff: {  	[sflag:s17] =	ssyncadd.s32 $0xFFFFFE00  }
0x200: {  	_ =	swait.ge [sflag:s17], $0x200  }
0x201: {  	[sflag:s17] =	ssyncset.done $0x0  }
0x202: {  	[sflag:s17] =	ssyncadd.s32 $0xFFFFFE00  }
0x203: {  	_ =	swait.ge [sflag:s17], $0x200  }
0x204: {  	[sflag:s17] =	ssyncset.done $0x0  }
0x205: {  	[sflag:s17] =	ssyncadd.s32 $0xFFFFFE00  }
0x206: {  	_ =	swait.ge [sflag:s17], $0x200  }
0x207: {  	[sflag:s17] =	ssyncset.done $0x0  }
0x208: {  	[sflag:s17] =	ssyncadd.s32 $0xFFFFFE00  }
0x209: {  	_ =	swait.ge [sflag:s17], $0x200  }
0x20a: {  	[sflag:s17] =	ssyncset.done $0x0  }
0x20b: {  	[sflag:s17] =	ssyncadd.s32 $0xFFFFFE00  }
0x20c: {  	_ =	swait.ge [sflag:s17], $0x200  }
0x20d: {  	[sflag:s17] =	ssyncset.done $0x0  }
0x20e: {  	[sflag:s17] =	ssyncadd.s32 $0xFFFFFE00  }
0x20f: {  	_ =	swait.ge [sflag:s17], $0x200  }
0x210: {  	[sflag:s17] =	ssyncset.done $0x0  }
0x211: {  	[sflag:s17] =	ssyncadd.s32 $0xFFFFFE00  }
0x212: {  	_ =	swait.ge [sflag:s17], $0x200  }
0x213: {  	[sflag:s17] =	ssyncset.done $0x0  }
0x214: {  	[sflag:s17] =	ssyncadd.s32 $0xFFFFFE00  }
0x215: {  	_ =	swait.ge [sflag:s17], $0x200  }
0x216: {  	[sflag:s17] =	ssyncset.done $0x0  }
0x217: {  	[sflag:s17] =	ssyncadd.s32 $0xFFFFFE00  }
0x218: {  	_ =	swait.ge [sflag:s17], $0x200  }
0x219: {  	[sflag:s17] =	ssyncset.done $0x0  }
0x21a: {  	[sflag:s17] =	ssyncadd.s32 $0xFFFFFE00  }
0x21b: {  	_ =	swait.ge [sflag:s17], $0x200  }
0x21c: {  	[sflag:s17] =	ssyncset.done $0x0  }
0x21d: {  	[sflag:s17] =	ssyncadd.s32 $0xFFFFFE00  }
0x21e: {  	_ =	swait.ge [sflag:s17], $0x200  }
0x21f: {  	[sflag:s17] =	ssyncset.done $0x0  }
0x220: {  	[sflag:s17] =	ssyncadd.s32 $0xFFFFFE00  }
0x221: {  	_ =	swait.ge [sflag:s17], $0x200  }
0x222: {  	[sflag:s17] =	ssyncset.done $0x0  }
0x223: {  	[sflag:s17] =	ssyncadd.s32 $0xFFFFFE00  }
0x224: {  	_ =	swait.ge [sflag:s17], $0x200  }
0x225: {  	[sflag:s17] =	ssyncset.done $0x0  }
0x226: {  	[sflag:s17] =	ssyncadd.s32 $0xFFFFFE00  }
0x227: {  	_ =	swait.ge [sflag:s17], $0x200  }
0x228: {  	[sflag:s17] =	ssyncset.done $0x0  }
0x229: {  	[sflag:s17] =	ssyncadd.s32 $0xFFFFFE00  }
0x22a: {  	_ =	swait.ge [sflag:s17], $0x200  }
0x22b: {  	[sflag:s17] =	ssyncset.done $0x0  }
0x22c: {  	[sflag:s17] =	ssyncadd.s32 $0xFFFFFE00  }
0x22d: {  	_ =	swait.ge [sflag:s17], $0x200  }
0x22e: {  	[sflag:s17] =	ssyncset.done $0x0  }
0x22f: {  	[sflag:s17] =	ssyncadd.s32 $0xFFFFFE00  }
0x230: {  	_ =	swait.ge [sflag:s17], $0x200  }
0x231: {  	[sflag:s17] =	ssyncset.done $0x0  }
0x232: {  	[sflag:s17] =	ssyncadd.s32 $0xFFFFFE00  }
0x233: {  	_ =	swait.ge [sflag:s17], $0x200  }
0x234: {  	[sflag:s17] =	ssyncset.done $0x0  }
0x235: {  	[sflag:s17] =	ssyncadd.s32 $0xFFFFFE00  }
0x236: {  	_ =	swait.ge [sflag:s17], $0x200  }
0x237: {  	[sflag:s17] =	ssyncset.done $0x0  }
0x238: {  	[sflag:s17] =	ssyncadd.s32 $0xFFFFFE00  }
0x239: {  	_ =	swait.ge [sflag:s17], $0x200  }
0x23a: {  	[sflag:s17] =	ssyncset.done $0x0  }
0x23b: {  	[sflag:s17] =	ssyncadd.s32 $0xFFFFFE00  }
0x23c: {  	_ =	swait.ge [sflag:s17], $0x200  }
0x23d: {  	[sflag:s17] =	ssyncset.done $0x0  }
0x23e: {  	[sflag:s17] =	ssyncadd.s32 $0xFFFFFE00  }
0x23f: {  	_ =	swait.ge [sflag:s17], $0x200  }
0x240: {  	[sflag:s17] =	ssyncset.done $0x0  }
0x241: {  	[sflag:s17] =	ssyncadd.s32 $0xFFFFFE00  }
0x242: {  	_ =	swait.ge [sflag:s17], $0x200  }
0x243: {  	[sflag:s17] =	ssyncset.done $0x0  }
0x244: {  	[sflag:s17] =	ssyncadd.s32 $0xFFFFFE00  }
0x245: {  	_ =	swait.ge [sflag:s17], $0x200  }
0x246: {  	[sflag:s17] =	ssyncset.done $0x0  }
0x247: {  	[sflag:s17] =	ssyncadd.s32 $0xFFFFFE00  }
0x248: {  	_ =	swait.ge [sflag:s17], $0x200  }
0x249: {  	[sflag:s17] =	ssyncset.done $0x0  }
0x24a: {  	[sflag:s17] =	ssyncadd.s32 $0xFFFFFE00  }
0x24b: {  	_ =	swait.ge [sflag:s17], $0x200  }
0x24c: {  	[sflag:s17] =	ssyncset.done $0x0  }
0x24d: {  	s18 =	sadd.s32 $0x1, s18;
	[sflag:s17] =	ssyncadd.s32 $0xFFFFFE00  }
0x24e: {  	p0 =	sne.s32 s18, s25;
	_ =	swait.ge [sflag:s17], $0x200  }
.Ltmp33:
0x24f: {  	[sflag:s17] =	ssyncset.done $0x0;
	(pc) =	sbr.rel @p0 .LBB2_1-.Ltmp33, $4  }
0x250: {  	[sflag:s17] =	ssyncadd.s32 $0xFFFFFE00  }
0x251: {  	_ =	swait.ge [sflag:s17], $0x200  }
0x252: {  	[sflag:s17] =	ssyncset.done $0x0  }
0x253: {  	[sflag:s17] =	ssyncadd.s32 $0xFFFFFE00  }
0x254: {  	_ =	sfence.sel $0x180000  }
0x255: {  	[bflag:$0x0] =	sbarrier.arrive $0xFFFF  }
0x256: {  	_ =	strace $0x90000047  }
0x257: {  	s0 =	stileid.u32;
	[bflag:$0x2] =	sbarrier.arrive $0xFFFF  }
0x258: {  	p0 =	sne.s32 s0, $0x0;
	s0 =	rddreg [dreg:$0x4]  }
0x259: {  	s0 =	sadd.s32 @!p0 $0x100000, s0  }
0x25a: {  	[sflag:s0] =	ssyncadd.tile.s32 @!p0 $0x1;
	_ =	shalt  }
.Lfunc_end2:
_tile_overlayer_lowered:
.L_overlay_start_2:
0x25b: {  	(tag) =	ssettag $0x2  }
0x25c: {  	s0 =	rddreg [dreg:$0x0];
	s2 =	stileid.u32  }
0x25d: {  	s1 =	rddreg [dreg:$0x1];
	p0 =	sne.s32 s2, $0x0  }
0x25e: {  	s3 =	rddreg [dreg:$0x2];
	[bflag:$0x3] =	sbarrier.arrive $0xFFFF;
	s2 =	simm.s32 @!p0 $0x1C04  }
0x25f: {  	[timem:s3], [sflag:s2] =	dma.local @!p0 [hbm:s0], s1  }
0x260: {  	s0 =	simm.s32 @!p0 $0x4  }
0x261: {  	_ =	swait.ge @!p0 [sflag:s0], s1  }
0x262: {  	s1 =	ssub.s32 @!p0 $0x0, s1;
	[sflag:s0] =	ssyncset.done @!p0 $0x0  }
0x263: {  	[sflag:s0] =	ssyncadd.s32 @!p0 s1  }
0x264: {  	[bflag:$0x3] =	sbarrier.arrive $0xFFFF  }
0x265: {  	_ =	shalt  }

</sc_bundles>
